<compile_context>
chip_gen: v7x
topology: tpu7x:2x2x1
jax: 0.10.2.dev20260603
libtpu: 0.0.44.dev20260713+nightly
codegen_flags: <defaults>
</compile_context>

<pallas_src>
import functools

import jax
import jax.numpy as jnp
from jax import lax
from jax.experimental import pallas as pl
from jax.experimental.pallas import tpu as pltpu, tpu_sc as plsc

VOCAB = 1000000
EMBED_DIM = 32
BATCH = 16384
HIST = 200

_NC, _NS = 2, 16
_NW = _NC * _NS
_BPT = BATCH // _NW
_MAIN = 999936
_CHUNK_A = 62464
_CHUNK_B = _MAIN - 15 * _CHUNK_A
_TAIL0 = VOCAB - 128
_BC2 = 2048
_NB2 = BATCH // _BC2
_J_PER_TILE = HIST * _NB2 // _NW


def _sc_gather(idx_flat, tab_t, tail_t):
    mesh = plsc.VectorSubcoreMesh(core_axis_name="c", subcore_axis_name="s")

    @functools.partial(
        pl.kernel,
        mesh=mesh,
        out_type=(
            jax.ShapeDtypeStruct((HIST, EMBED_DIM, BATCH), jnp.float32),
            jax.ShapeDtypeStruct((HIST * EMBED_DIM * BATCH,), jnp.float32),
        ),
        scratch_types=[
            [pltpu.VMEM((_BPT,), jnp.int32) for _ in range(4)],
            [pltpu.VMEM((_BPT,), jnp.float32) for _ in range(4)],
            [pltpu.VMEM((8, _BC2), jnp.float32) for _ in range(2)],
            pltpu.VMEM((128,), jnp.float32),
            pltpu.VMEM_SHARED((VOCAB,), jnp.float32),
            pltpu.SemaphoreType.DMA,
            [pltpu.SemaphoreType.DMA for _ in range(4)],
            [pltpu.SemaphoreType.DMA for _ in range(4)],
            [pltpu.SemaphoreType.DMA for _ in range(4)],
            [pltpu.SemaphoreType.DMA for _ in range(2)],
            [pltpu.SemaphoreType.DMA for _ in range(2)],
        ],
    )
    def k(idx_hbm, tab_hbm, tail_hbm, out_hbm, sc_hbm, ibuf, gbuf, obuf,
          tbuf, plane, lsem, ism, gsem, osem, rsem, wsem):
        cid = lax.axis_index("c")
        sid = lax.axis_index("s")
        wid = cid * _NS + sid
        b0 = wid * _BPT

        def ifire(h, s):
            pltpu.async_copy(idx_hbm.at[pl.ds(h * BATCH + b0, _BPT)],
                             ibuf[s], ism[s])

        def iwait(h, s):
            pltpu.make_async_copy(idx_hbm.at[pl.ds(h * BATCH + b0, _BPT)],
                                  ibuf[s], ism[s]).wait()

        def sc_pos(e, h):
            return (e * HIST + h) * BATCH

        def eloop(e, carry):
            @pl.when(sid < 15)
            def _():
                pltpu.async_copy(
                    tab_hbm.at[e, pl.ds(sid * _CHUNK_A, _CHUNK_A)],
                    plane.at[pl.ds(sid * _CHUNK_A, _CHUNK_A)], lsem).wait()

            @pl.when(sid == 15)
            def _():
                pltpu.async_copy(
                    tab_hbm.at[e, pl.ds(15 * _CHUNK_A, _CHUNK_B)],
                    plane.at[pl.ds(15 * _CHUNK_A, _CHUNK_B)], lsem).wait()
                pltpu.sync_copy(tail_hbm.at[pl.ds(e * 128, 128)], tbuf)
                pltpu.sync_copy(tbuf, plane.at[pl.ds(_TAIL0, 128)])

            for s in range(4):
                ifire(s, s)
            plsc.subcore_barrier()

            def hloop(h2, carry2):
                for s in range(4):
                    h = h2 * 4 + s
                    iwait(h, s)

                    @pl.when(h2 > 0)
                    def _():
                        pltpu.make_async_copy(
                            gbuf[s], sc_hbm.at[pl.ds(0, _BPT)],
                            osem[s]).wait()

                    pltpu.async_copy(plane.at[ibuf[s]], gbuf[s],
                                     gsem[s]).wait()
                    pltpu.async_copy(
                        gbuf[s],
                        sc_hbm.at[pl.ds(sc_pos(e, h) + b0, _BPT)],
                        osem[s])

                    @pl.when(h + 4 < HIST)
                    def _():
                        ifire(h + 4, s)
                return carry2

            lax.fori_loop(0, HIST // 4, hloop, 0)

            for s in range(4):
                pltpu.make_async_copy(
                    gbuf[s], sc_hbm.at[pl.ds(0, _BPT)], osem[s]).wait()
            plsc.subcore_barrier()

            @pl.when(e % 8 == 7)
            def _():
                eg = e // 8

                def rfire(j, p):
                    h = j // (_NB2 // 2)
                    bc = (j % (_NB2 // 2) + cid * (_NB2 // 2)) * _BC2
                    for kk in range(8):
                        pltpu.async_copy(
                            sc_hbm.at[
                                pl.ds(sc_pos(eg * 8 + kk, h) + bc, _BC2)],
                            obuf[p].at[kk], rsem[p])

                def rdrain(p):
                    for kk in range(8):
                        pltpu.make_async_copy(
                            sc_hbm.at[pl.ds(0, _BC2)], obuf[p].at[kk],
                            rsem[p]).wait()

                def wfire(j, p):
                    h = j // (_NB2 // 2)
                    bc = (j % (_NB2 // 2) + cid * (_NB2 // 2)) * _BC2
                    pltpu.async_copy(
                        obuf[p],
                        out_hbm.at[h, pl.ds(eg * 8, 8), pl.ds(bc, _BC2)],
                        wsem[p])

                def wdrain(p):
                    pltpu.make_async_copy(
                        obuf[p], out_hbm.at[0, pl.ds(0, 8), pl.ds(0, _BC2)],
                        wsem[p]).wait()

                j0 = sid * _J_PER_TILE
                rfire(j0, 0)

                def jloop(j2, carry2):
                    for p in range(2):
                        j = j0 + j2 * 2 + p
                        if p == 0:
                            @pl.when(j2 >= 1)
                            def _():
                                wdrain(1)
                            rfire(j + 1, 1)
                        else:
                            @pl.when(j2 < _J_PER_TILE // 2 - 1)
                            def _():
                                wdrain(0)
                                rfire(j + 1, 0)
                        rdrain(p)
                        wfire(j, p)
                    return carry2

                lax.fori_loop(0, _J_PER_TILE // 2, jloop, 0)
                wdrain(0)
                wdrain(1)

            plsc.subcore_barrier()
            return carry

        lax.fori_loop(0, EMBED_DIM, eloop, 0)

    return k(idx_flat, tab_t, tail_t)


def kernel(token_ids, table):
    idx_flat = token_ids.T.reshape(-1).astype(jnp.int32)
    tab_t = table.T
    tail_t = table.T[:, VOCAB - 128:].reshape(-1)
    out3, _ = _sc_gather(idx_flat, tab_t, tail_t)
    return out3.transpose(2, 0, 1)

# --- scband reference (transcript-rebuilt; emitter-appended) ---
"""Pipeline reference for scband-token-embedder-3169685864713 (READ-ONLY COPY).

The authoritative reference and input builder live on the scoring server;
editing this copy changes nothing except your own understanding.
"""

import jax, jax.numpy as jnp
import numpy as np

VOCAB = 1000000
EMBED_DIM = 32
BATCH = 16384
HIST = 200


def setup_inputs(seed: int = 0) -> dict:
    key = jax.random.key(seed)
    k_idx, k_tab = jax.random.split(key)
    token_ids = jax.random.randint(k_idx, (BATCH, HIST), 0, VOCAB, dtype=jnp.int64 if jax.config.jax_enable_x64 else jnp.int32)
    # nn.Embedding weight initialized uniform_(-0.1, 0.1); padding row overwritten by the uniform_
    table = jax.random.uniform(k_tab, (VOCAB, EMBED_DIM), minval=-0.1, maxval=0.1, dtype=jnp.float32)
    return {"token_ids": token_ids, "table": table}


def reference(token_ids, table):
    # TokenEmbedder.forward: embedding lookup (gather rows of the table)
    return jnp.take(table, token_ids, axis=0)

if __name__ == "__main__":
    import jax
    _d = setup_inputs()
    print(jax.jit(kernel)(*tuple(_d.values())))

</pallas_src>

<mosaic_0001>
#map = affine_map<(d0, d1) -> (0)>
#map1 = affine_map<(d0, d1) -> (0, 0)>
#map2 = affine_map<(d0, d1) -> (0, 0, 0)>
module attributes {stable_mosaic.version = 14 : i64} {
  func.func @k(%arg0: i32, %arg1: i32, %arg2: memref<3276800xi32, #tpu.memory_space<hbm>>, %arg3: memref<32x1000000xf32, #tpu.memory_space<hbm>>, %arg4: memref<4096xf32, #tpu.memory_space<hbm>>, %arg5: memref<200x32x16384xf32, #tpu.memory_space<hbm>>, %arg6: memref<104857600xf32, #tpu.memory_space<hbm>>, %arg7: memref<512xi32, #tpu.memory_space<vmem>>, %arg8: memref<512xi32, #tpu.memory_space<vmem>>, %arg9: memref<512xi32, #tpu.memory_space<vmem>>, %arg10: memref<512xi32, #tpu.memory_space<vmem>>, %arg11: memref<512xf32, #tpu.memory_space<vmem>>, %arg12: memref<512xf32, #tpu.memory_space<vmem>>, %arg13: memref<512xf32, #tpu.memory_space<vmem>>, %arg14: memref<512xf32, #tpu.memory_space<vmem>>, %arg15: memref<8x2048xf32, #tpu.memory_space<vmem>>, %arg16: memref<8x2048xf32, #tpu.memory_space<vmem>>, %arg17: memref<128xf32, #tpu.memory_space<vmem>>, %arg18: memref<1000000xf32, #tpu.memory_space<vmem_shared>>, %arg19: memref<!tpu.dma_semaphore, #tpu.memory_space<semaphore_mem>>, %arg20: memref<!tpu.dma_semaphore, #tpu.memory_space<semaphore_mem>>, %arg21: memref<!tpu.dma_semaphore, #tpu.memory_space<semaphore_mem>>, %arg22: memref<!tpu.dma_semaphore, #tpu.memory_space<semaphore_mem>>, %arg23: memref<!tpu.dma_semaphore, #tpu.memory_space<semaphore_mem>>, %arg24: memref<!tpu.dma_semaphore, #tpu.memory_space<semaphore_mem>>, %arg25: memref<!tpu.dma_semaphore, #tpu.memory_space<semaphore_mem>>, %arg26: memref<!tpu.dma_semaphore, #tpu.memory_space<semaphore_mem>>, %arg27: memref<!tpu.dma_semaphore, #tpu.memory_space<semaphore_mem>>, %arg28: memref<!tpu.dma_semaphore, #tpu.memory_space<semaphore_mem>>, %arg29: memref<!tpu.dma_semaphore, #tpu.memory_space<semaphore_mem>>, %arg30: memref<!tpu.dma_semaphore, #tpu.memory_space<semaphore_mem>>, %arg31: memref<!tpu.dma_semaphore, #tpu.memory_space<semaphore_mem>>, %arg32: memref<!tpu.dma_semaphore, #tpu.memory_space<semaphore_mem>>, %arg33: memref<!tpu.dma_semaphore, #tpu.memory_space<semaphore_mem>>, %arg34: memref<!tpu.dma_semaphore, #tpu.memory_space<semaphore_mem>>, %arg35: memref<!tpu.dma_semaphore, #tpu.memory_space<semaphore_mem>>) attributes {dimension_semantics = [#tpu.dimension_semantics<core_parallel>, #tpu.dimension_semantics<subcore_parallel>], iteration_bounds = array<i64: 2, 16>, scalar_prefetch = 0 : i64, scratch_operands = 29 : i64, tpu.core_type = #tpu.core_type<sc_vector_subcore>, window_params = [{transform_indices = #map}, {transform_indices = #map1}, {transform_indices = #map}, {transform_indices = #map2}, {transform_indices = #map}]} {
    %mul3A = arith.constant 16 : i32
    %mul3A_0 = arith.muli %arg0, %mul3A : i32
    %add3A = arith.addi %mul3A_0, %arg1 : i32
    %mul3A_1 = arith.constant 512 : i32
    %mul3A_2 = arith.muli %add3A, %mul3A_1 : i32
    %scan3A = arith.constant 0 : i32
    %scan3A_3 = arith.constant 0 : i32
    %scan3A_4 = arith.constant 32 : i32
    %scan3A_5 = arith.addi %scan3A_3, %scan3A_4 : i32
    %scan3A_6 = arith.constant 1 : i32
    scf.for %scan3A_8 = %scan3A_3 to %scan3A_5 step %scan3A_6  : i32 {
      %lt3A = arith.constant 15 : i32
      %lt3A_9 = arith.cmpi slt, %arg1, %lt3A : i32
      %convert_element_type3A = arith.extui %lt3A_9 : i1 to i32
      %cond3A = arith.constant 0 : i32
      %cond3A_10 = arith.cmpi ne, %convert_element_type3A, %cond3A : i32
      scf.if %cond3A_10 {
        %mul3A_69 = arith.constant 62464 : i32
        %mul3A_70 = arith.muli %arg1, %mul3A_69 : i32
        %mul3A_71 = arith.constant 62464 : i32
        %mul3A_72 = arith.muli %arg1, %mul3A_71 : i32
        %dma_start3A_73 = tpu.memref_slice %arg18[%mul3A_72] : memref<1000000xf32, #tpu.memory_space<vmem_shared>> -> memref<62464xf32, #tpu.memory_space<vmem_shared>>
        %dma_start3A_74 = tpu.memref_slice %arg3[%scan3A_8, %mul3A_70] : memref<32x1000000xf32, #tpu.memory_space<hbm>> -> memref<1x62464xf32, #tpu.memory_space<hbm>>
        %dma_start3A_75 = tpu.memref_squeeze %dma_start3A_74 : memref<1x62464xf32, #tpu.memory_space<hbm>> -> memref<62464xf32, #tpu.memory_space<hbm>>
        tpu.enqueue_dma source(%dma_start3A_75 : memref<62464xf32, #tpu.memory_space<hbm>>) target(%dma_start3A_73 : memref<62464xf32, #tpu.memory_space<vmem_shared>>) target_semaphore(%arg19 : memref<!tpu.dma_semaphore, #tpu.memory_space<semaphore_mem>>)
        %dma_wait3A_76 = tpu.memref_slice %arg18[%mul3A_72] : memref<1000000xf32, #tpu.memory_space<vmem_shared>> -> memref<62464xf32, #tpu.memory_space<vmem_shared>>
        %dma_wait3A_77 = tpu.memref_slice %arg3[%scan3A_8, %mul3A_70] : memref<32x1000000xf32, #tpu.memory_space<hbm>> -> memref<1x62464xf32, #tpu.memory_space<hbm>>
        %dma_wait3A_78 = tpu.memref_squeeze %dma_wait3A_77 : memref<1x62464xf32, #tpu.memory_space<hbm>> -> memref<62464xf32, #tpu.memory_space<hbm>>
        tpu.wait_dma2 semaphore(%arg19 : memref<!tpu.dma_semaphore, #tpu.memory_space<semaphore_mem>>) src(%dma_wait3A_78 : memref<62464xf32, #tpu.memory_space<hbm>>) dst(%dma_wait3A_76 : memref<62464xf32, #tpu.memory_space<vmem_shared>>)
      } else {
      }
      %eq3A = arith.constant 15 : i32
      %eq3A_11 = arith.cmpi eq, %arg1, %eq3A : i32
      %convert_element_type3A_12 = arith.extui %eq3A_11 : i1 to i32
      %cond3A_13 = arith.constant 0 : i32
      %cond3A_14 = arith.cmpi ne, %convert_element_type3A_12, %cond3A_13 : i32
      scf.if %cond3A_14 {
        %dma_start3A_69 = arith.constant 936960 : i32
        %dma_start3A_70 = tpu.memref_slice %arg18[%dma_start3A_69] : memref<1000000xf32, #tpu.memory_space<vmem_shared>> -> memref<62976xf32, #tpu.memory_space<vmem_shared>>
        %dma_start3A_71 = arith.constant 936960 : i32
        %dma_start3A_72 = tpu.memref_slice %arg3[%scan3A_8, %dma_start3A_71] : memref<32x1000000xf32, #tpu.memory_space<hbm>> -> memref<1x62976xf32, #tpu.memory_space<hbm>>
        %dma_start3A_73 = tpu.memref_squeeze %dma_start3A_72 : memref<1x62976xf32, #tpu.memory_space<hbm>> -> memref<62976xf32, #tpu.memory_space<hbm>>
        tpu.enqueue_dma source(%dma_start3A_73 : memref<62976xf32, #tpu.memory_space<hbm>>) target(%dma_start3A_70 : memref<62976xf32, #tpu.memory_space<vmem_shared>>) target_semaphore(%arg19 : memref<!tpu.dma_semaphore, #tpu.memory_space<semaphore_mem>>)
        %dma_wait3A_74 = arith.constant 936960 : i32
        %dma_wait3A_75 = tpu.memref_slice %arg18[%dma_wait3A_74] : memref<1000000xf32, #tpu.memory_space<vmem_shared>> -> memref<62976xf32, #tpu.memory_space<vmem_shared>>
        %dma_wait3A_76 = arith.constant 936960 : i32
        %dma_wait3A_77 = tpu.memref_slice %arg3[%scan3A_8, %dma_wait3A_76] : memref<32x1000000xf32, #tpu.memory_space<hbm>> -> memref<1x62976xf32, #tpu.memory_space<hbm>>
        %dma_wait3A_78 = tpu.memref_squeeze %dma_wait3A_77 : memref<1x62976xf32, #tpu.memory_space<hbm>> -> memref<62976xf32, #tpu.memory_space<hbm>>
        tpu.wait_dma2 semaphore(%arg19 : memref<!tpu.dma_semaphore, #tpu.memory_space<semaphore_mem>>) src(%dma_wait3A_78 : memref<62976xf32, #tpu.memory_space<hbm>>) dst(%dma_wait3A_75 : memref<62976xf32, #tpu.memory_space<vmem_shared>>)
        %mul3A_79 = arith.constant 128 : i32
        %mul3A_80 = arith.muli %scan3A_8, %mul3A_79 : i32
        "tpu.region"() ({
          %run_scoped3A = tpu.sem_alloc : memref<!tpu.dma_semaphore, #tpu.memory_space<semaphore_mem>>
          %dma_start3A_81 = tpu.memref_slice %arg4[%mul3A_80] : memref<4096xf32, #tpu.memory_space<hbm>> -> memref<128xf32, #tpu.memory_space<hbm>>
          %dma_start3A_82 = tpu.memref_slice %arg4[%mul3A_80] : memref<4096xf32, #tpu.memory_space<hbm>> -> memref<128xf32, #tpu.memory_space<hbm>>
          tpu.enqueue_dma source(%dma_start3A_82 : memref<128xf32, #tpu.memory_space<hbm>>) target(%arg17 : memref<128xf32, #tpu.memory_space<vmem>>) target_semaphore(%run_scoped3A : memref<!tpu.dma_semaphore, #tpu.memory_space<semaphore_mem>>)
          %dma_wait3A_83 = tpu.memref_slice %arg4[%mul3A_80] : memref<4096xf32, #tpu.memory_space<hbm>> -> memref<128xf32, #tpu.memory_space<hbm>>
          %dma_wait3A_84 = tpu.memref_slice %arg4[%mul3A_80] : memref<4096xf32, #tpu.memory_space<hbm>> -> memref<128xf32, #tpu.memory_space<hbm>>
          tpu.wait_dma2 semaphore(%run_scoped3A : memref<!tpu.dma_semaphore, #tpu.memory_space<semaphore_mem>>) src(%dma_wait3A_84 : memref<128xf32, #tpu.memory_space<hbm>>) dst(%arg17 : memref<128xf32, #tpu.memory_space<vmem>>)
          tpu.yield
        }) : () -> ()
        "tpu.region"() ({
          %run_scoped3A = tpu.sem_alloc : memref<!tpu.dma_semaphore, #tpu.memory_space<semaphore_mem>>
          %dma_start3A_81 = arith.constant 999872 : i32
          %dma_start3A_82 = tpu.memref_slice %arg18[%dma_start3A_81] : memref<1000000xf32, #tpu.memory_space<vmem_shared>> -> memref<128xf32, #tpu.memory_space<vmem_shared>>
          %dma_start3A_83 = arith.constant 999872 : i32
          %dma_start3A_84 = tpu.memref_slice %arg18[%dma_start3A_83] : memref<1000000xf32, #tpu.memory_space<vmem_shared>> -> memref<128xf32, #tpu.memory_space<vmem_shared>>
          tpu.enqueue_dma source(%arg17 : memref<128xf32, #tpu.memory_space<vmem>>) target(%dma_start3A_84 : memref<128xf32, #tpu.memory_space<vmem_shared>>) target_semaphore(%run_scoped3A : memref<!tpu.dma_semaphore, #tpu.memory_space<semaphore_mem>>)
          %dma_wait3A_85 = arith.constant 999872 : i32
          %dma_wait3A_86 = tpu.memref_slice %arg18[%dma_wait3A_85] : memref<1000000xf32, #tpu.memory_space<vmem_shared>> -> memref<128xf32, #tpu.memory_space<vmem_shared>>
          %dma_wait3A_87 = arith.constant 999872 : i32
          %dma_wait3A_88 = tpu.memref_slice %arg18[%dma_wait3A_87] : memref<1000000xf32, #tpu.memory_space<vmem_shared>> -> memref<128xf32, #tpu.memory_space<vmem_shared>>
          tpu.wait_dma2 semaphore(%run_scoped3A : memref<!tpu.dma_semaphore, #tpu.memory_space<semaphore_mem>>) src(%arg17 : memref<128xf32, #tpu.memory_space<vmem>>) dst(%dma_wait3A_88 : memref<128xf32, #tpu.memory_space<vmem_shared>>)
          tpu.yield
        }) : () -> ()
      } else {
      }
      %add3A_15 = arith.constant 0 : i32
      %add3A_16 = arith.addi %add3A_15, %mul3A_2 : i32
      %dma_start3A = tpu.memref_slice %arg2[%add3A_16] : memref<3276800xi32, #tpu.memory_space<hbm>> -> memref<512xi32, #tpu.memory_space<hbm>>
      %dma_start3A_17 = tpu.memref_slice %arg2[%add3A_16] : memref<3276800xi32, #tpu.memory_space<hbm>> -> memref<512xi32, #tpu.memory_space<hbm>>
      tpu.enqueue_dma source(%dma_start3A_17 : memref<512xi32, #tpu.memory_space<hbm>>) target(%arg7 : memref<512xi32, #tpu.memory_space<vmem>>) target_semaphore(%arg20 : memref<!tpu.dma_semaphore, #tpu.memory_space<semaphore_mem>>)
      %add3A_18 = arith.constant 16384 : i32
      %add3A_19 = arith.addi %add3A_18, %mul3A_2 : i32
      %dma_start3A_20 = tpu.memref_slice %arg2[%add3A_19] : memref<3276800xi32, #tpu.memory_space<hbm>> -> memref<512xi32, #tpu.memory_space<hbm>>
      %dma_start3A_21 = tpu.memref_slice %arg2[%add3A_19] : memref<3276800xi32, #tpu.memory_space<hbm>> -> memref<512xi32, #tpu.memory_space<hbm>>
      tpu.enqueue_dma source(%dma_start3A_21 : memref<512xi32, #tpu.memory_space<hbm>>) target(%arg8 : memref<512xi32, #tpu.memory_space<vmem>>) target_semaphore(%arg21 : memref<!tpu.dma_semaphore, #tpu.memory_space<semaphore_mem>>)
      %add3A_22 = arith.constant 32768 : i32
      %add3A_23 = arith.addi %add3A_22, %mul3A_2 : i32
      %dma_start3A_24 = tpu.memref_slice %arg2[%add3A_23] : memref<3276800xi32, #tpu.memory_space<hbm>> -> memref<512xi32, #tpu.memory_space<hbm>>
      %dma_start3A_25 = tpu.memref_slice %arg2[%add3A_23] : memref<3276800xi32, #tpu.memory_space<hbm>> -> memref<512xi32, #tpu.memory_space<hbm>>
      tpu.enqueue_dma source(%dma_start3A_25 : memref<512xi32, #tpu.memory_space<hbm>>) target(%arg9 : memref<512xi32, #tpu.memory_space<vmem>>) target_semaphore(%arg22 : memref<!tpu.dma_semaphore, #tpu.memory_space<semaphore_mem>>)
      %add3A_26 = arith.constant 49152 : i32
      %add3A_27 = arith.addi %add3A_26, %mul3A_2 : i32
      %dma_start3A_28 = tpu.memref_slice %arg2[%add3A_27] : memref<3276800xi32, #tpu.memory_space<hbm>> -> memref<512xi32, #tpu.memory_space<hbm>>
      %dma_start3A_29 = tpu.memref_slice %arg2[%add3A_27] : memref<3276800xi32, #tpu.memory_space<hbm>> -> memref<512xi32, #tpu.memory_space<hbm>>
      tpu.enqueue_dma source(%dma_start3A_29 : memref<512xi32, #tpu.memory_space<hbm>>) target(%arg10 : memref<512xi32, #tpu.memory_space<vmem>>) target_semaphore(%arg23 : memref<!tpu.dma_semaphore, #tpu.memory_space<semaphore_mem>>)
      %barrier3A = arith.constant 0 : index
      tpu.barrier barrier_id(%barrier3A)
      %scan3A_30 = arith.constant 0 : i32
      %scan3A_31 = arith.constant 0 : i32
      %scan3A_32 = arith.constant 50 : i32
      %scan3A_33 = arith.addi %scan3A_31, %scan3A_32 : i32
      %scan3A_34 = arith.constant 1 : i32
      scf.for %scan3A_69 = %scan3A_31 to %scan3A_33 step %scan3A_34  : i32 {
        %mul3A_70 = arith.constant 4 : i32
        %mul3A_71 = arith.muli %scan3A_69, %mul3A_70 : i32
        %add3A_72 = arith.constant 0 : i32
        %add3A_73 = arith.addi %mul3A_71, %add3A_72 : i32
        %mul3A_74 = arith.constant 16384 : i32
        %mul3A_75 = arith.muli %add3A_73, %mul3A_74 : i32
        %add3A_76 = arith.addi %mul3A_75, %mul3A_2 : i32
        %dma_wait3A_77 = tpu.memref_slice %arg2[%add3A_76] : memref<3276800xi32, #tpu.memory_space<hbm>> -> memref<512xi32, #tpu.memory_space<hbm>>
        %dma_wait3A_78 = tpu.memref_slice %arg2[%add3A_76] : memref<3276800xi32, #tpu.memory_space<hbm>> -> memref<512xi32, #tpu.memory_space<hbm>>
        tpu.wait_dma2 semaphore(%arg20 : memref<!tpu.dma_semaphore, #tpu.memory_space<semaphore_mem>>) src(%dma_wait3A_78 : memref<512xi32, #tpu.memory_space<hbm>>) dst(%arg7 : memref<512xi32, #tpu.memory_space<vmem>>)
        %gt3A = arith.constant 0 : i32
        %gt3A_79 = arith.cmpi sgt, %scan3A_69, %gt3A : i32
        %convert_element_type3A_80 = arith.extui %gt3A_79 : i1 to i32
        %cond3A_81 = arith.constant 0 : i32
        %cond3A_82 = arith.cmpi ne, %convert_element_type3A_80, %cond3A_81 : i32
        scf.if %cond3A_82 {
          %dma_wait3A_201 = arith.constant 0 : i32
          %dma_wait3A_202 = tpu.memref_slice %arg6[%dma_wait3A_201] : memref<104857600xf32, #tpu.memory_space<hbm>> -> memref<512xf32, #tpu.memory_space<hbm>>
          %dma_wait3A_203 = arith.constant 0 : i32
          %dma_wait3A_204 = tpu.memref_slice %arg6[%dma_wait3A_203] : memref<104857600xf32, #tpu.memory_space<hbm>> -> memref<512xf32, #tpu.memory_space<hbm>>
          tpu.wait_dma2 semaphore(%arg28 : memref<!tpu.dma_semaphore, #tpu.memory_space<semaphore_mem>>) src(%arg11 : memref<512xf32, #tpu.memory_space<vmem>>) dst(%dma_wait3A_204 : memref<512xf32, #tpu.memory_space<hbm>>)
        } else {
        }
        %dma_start3A_83 = arith.constant 0 : i32
        %dma_start3A_84 = tpu.memref_slice %arg18[%dma_start3A_83] : memref<1000000xf32, #tpu.memory_space<vmem_shared>> -> memref<1000000xf32, #tpu.memory_space<vmem_shared>>
        tpu.enqueue_indirect_dma source(%dma_start3A_84 : memref<1000000xf32, #tpu.memory_space<vmem_shared>>) target(%arg11 : memref<512xf32, #tpu.memory_space<vmem>>) offsets(%arg7 : memref<512xi32, #tpu.memory_space<vmem>>) semaphore(%arg24 : memref<!tpu.dma_semaphore, #tpu.memory_space<semaphore_mem>>)
        %dma_wait3A_85 = arith.constant 0 : i32
        %dma_wait3A_86 = tpu.memref_slice %arg18[%dma_wait3A_85] : memref<1000000xf32, #tpu.memory_space<vmem_shared>> -> memref<1000000xf32, #tpu.memory_space<vmem_shared>>
        tpu.wait_indirect_dma semaphore(%arg24 : memref<!tpu.dma_semaphore, #tpu.memory_space<semaphore_mem>>) src(%dma_wait3A_86 : memref<1000000xf32, #tpu.memory_space<vmem_shared>>) dst(%arg11 : memref<512xf32, #tpu.memory_space<vmem>>)
        %mul3A_87 = arith.constant 200 : i32
        %mul3A_88 = arith.muli %scan3A_8, %mul3A_87 : i32
        %add3A_89 = arith.addi %mul3A_88, %add3A_73 : i32
        %mul3A_90 = arith.constant 16384 : i32
        %mul3A_91 = arith.muli %add3A_89, %mul3A_90 : i32
        %add3A_92 = arith.addi %mul3A_91, %mul3A_2 : i32
        %dma_start3A_93 = tpu.memref_slice %arg6[%add3A_92] : memref<104857600xf32, #tpu.memory_space<hbm>> -> memref<512xf32, #tpu.memory_space<hbm>>
        %dma_start3A_94 = tpu.memref_slice %arg6[%add3A_92] : memref<104857600xf32, #tpu.memory_space<hbm>> -> memref<512xf32, #tpu.memory_space<hbm>>
        tpu.enqueue_dma source(%arg11 : memref<512xf32, #tpu.memory_space<vmem>>) target(%dma_start3A_94 : memref<512xf32, #tpu.memory_space<hbm>>) target_semaphore(%arg28 : memref<!tpu.dma_semaphore, #tpu.memory_space<semaphore_mem>>)
        %add3A_95 = arith.constant 4 : i32
        %add3A_96 = arith.addi %add3A_73, %add3A_95 : i32
        %lt3A_97 = arith.constant 200 : i32
        %lt3A_98 = arith.cmpi slt, %add3A_96, %lt3A_97 : i32
        %convert_element_type3A_99 = arith.extui %lt3A_98 : i1 to i32
        %cond3A_100 = arith.constant 0 : i32
        %cond3A_101 = arith.cmpi ne, %convert_element_type3A_99, %cond3A_100 : i32
        scf.if %cond3A_101 {
          %add3A_201 = arith.constant 4 : i32
          %add3A_202 = arith.addi %add3A_73, %add3A_201 : i32
          %mul3A_203 = arith.constant 16384 : i32
          %mul3A_204 = arith.muli %add3A_202, %mul3A_203 : i32
          %add3A_205 = arith.addi %mul3A_204, %mul3A_2 : i32
          %dma_start3A_206 = tpu.memref_slice %arg2[%add3A_205] : memref<3276800xi32, #tpu.memory_space<hbm>> -> memref<512xi32, #tpu.memory_space<hbm>>
          %dma_start3A_207 = tpu.memref_slice %arg2[%add3A_205] : memref<3276800xi32, #tpu.memory_space<hbm>> -> memref<512xi32, #tpu.memory_space<hbm>>
          tpu.enqueue_dma source(%dma_start3A_207 : memref<512xi32, #tpu.memory_space<hbm>>) target(%arg7 : memref<512xi32, #tpu.memory_space<vmem>>) target_semaphore(%arg20 : memref<!tpu.dma_semaphore, #tpu.memory_space<semaphore_mem>>)
        } else {
        }
        %mul3A_102 = arith.constant 4 : i32
        %mul3A_103 = arith.muli %scan3A_69, %mul3A_102 : i32
        %add3A_104 = arith.constant 1 : i32
        %add3A_105 = arith.addi %mul3A_103, %add3A_104 : i32
        %mul3A_106 = arith.constant 16384 : i32
        %mul3A_107 = arith.muli %add3A_105, %mul3A_106 : i32
        %add3A_108 = arith.addi %mul3A_107, %mul3A_2 : i32
        %dma_wait3A_109 = tpu.memref_slice %arg2[%add3A_108] : memref<3276800xi32, #tpu.memory_space<hbm>> -> memref<512xi32, #tpu.memory_space<hbm>>
        %dma_wait3A_110 = tpu.memref_slice %arg2[%add3A_108] : memref<3276800xi32, #tpu.memory_space<hbm>> -> memref<512xi32, #tpu.memory_space<hbm>>
        tpu.wait_dma2 semaphore(%arg21 : memref<!tpu.dma_semaphore, #tpu.memory_space<semaphore_mem>>) src(%dma_wait3A_110 : memref<512xi32, #tpu.memory_space<hbm>>) dst(%arg8 : memref<512xi32, #tpu.memory_space<vmem>>)
        %gt3A_111 = arith.constant 0 : i32
        %gt3A_112 = arith.cmpi sgt, %scan3A_69, %gt3A_111 : i32
        %convert_element_type3A_113 = arith.extui %gt3A_112 : i1 to i32
        %cond3A_114 = arith.constant 0 : i32
        %cond3A_115 = arith.cmpi ne, %convert_element_type3A_113, %cond3A_114 : i32
        scf.if %cond3A_115 {
          %dma_wait3A_201 = arith.constant 0 : i32
          %dma_wait3A_202 = tpu.memref_slice %arg6[%dma_wait3A_201] : memref<104857600xf32, #tpu.memory_space<hbm>> -> memref<512xf32, #tpu.memory_space<hbm>>
          %dma_wait3A_203 = arith.constant 0 : i32
          %dma_wait3A_204 = tpu.memref_slice %arg6[%dma_wait3A_203] : memref<104857600xf32, #tpu.memory_space<hbm>> -> memref<512xf32, #tpu.memory_space<hbm>>
          tpu.wait_dma2 semaphore(%arg29 : memref<!tpu.dma_semaphore, #tpu.memory_space<semaphore_mem>>) src(%arg12 : memref<512xf32, #tpu.memory_space<vmem>>) dst(%dma_wait3A_204 : memref<512xf32, #tpu.memory_space<hbm>>)
        } else {
        }
        %dma_start3A_116 = arith.constant 0 : i32
        %dma_start3A_117 = tpu.memref_slice %arg18[%dma_start3A_116] : memref<1000000xf32, #tpu.memory_space<vmem_shared>> -> memref<1000000xf32, #tpu.memory_space<vmem_shared>>
        tpu.enqueue_indirect_dma source(%dma_start3A_117 : memref<1000000xf32, #tpu.memory_space<vmem_shared>>) target(%arg12 : memref<512xf32, #tpu.memory_space<vmem>>) offsets(%arg8 : memref<512xi32, #tpu.memory_space<vmem>>) semaphore(%arg25 : memref<!tpu.dma_semaphore, #tpu.memory_space<semaphore_mem>>)
        %dma_wait3A_118 = arith.constant 0 : i32
        %dma_wait3A_119 = tpu.memref_slice %arg18[%dma_wait3A_118] : memref<1000000xf32, #tpu.memory_space<vmem_shared>> -> memref<1000000xf32, #tpu.memory_space<vmem_shared>>
        tpu.wait_indirect_dma semaphore(%arg25 : memref<!tpu.dma_semaphore, #tpu.memory_space<semaphore_mem>>) src(%dma_wait3A_119 : memref<1000000xf32, #tpu.memory_space<vmem_shared>>) dst(%arg12 : memref<512xf32, #tpu.memory_space<vmem>>)
        %mul3A_120 = arith.constant 200 : i32
        %mul3A_121 = arith.muli %scan3A_8, %mul3A_120 : i32
        %add3A_122 = arith.addi %mul3A_121, %add3A_105 : i32
        %mul3A_123 = arith.constant 16384 : i32
        %mul3A_124 = arith.muli %add3A_122, %mul3A_123 : i32
        %add3A_125 = arith.addi %mul3A_124, %mul3A_2 : i32
        %dma_start3A_126 = tpu.memref_slice %arg6[%add3A_125] : memref<104857600xf32, #tpu.memory_space<hbm>> -> memref<512xf32, #tpu.memory_space<hbm>>
        %dma_start3A_127 = tpu.memref_slice %arg6[%add3A_125] : memref<104857600xf32, #tpu.memory_space<hbm>> -> memref<512xf32, #tpu.memory_space<hbm>>
        tpu.enqueue_dma source(%arg12 : memref<512xf32, #tpu.memory_space<vmem>>) target(%dma_start3A_127 : memref<512xf32, #tpu.memory_space<hbm>>) target_semaphore(%arg29 : memref<!tpu.dma_semaphore, #tpu.memory_space<semaphore_mem>>)
        %add3A_128 = arith.constant 4 : i32
        %add3A_129 = arith.addi %add3A_105, %add3A_128 : i32
        %lt3A_130 = arith.constant 200 : i32
        %lt3A_131 = arith.cmpi slt, %add3A_129, %lt3A_130 : i32
        %convert_element_type3A_132 = arith.extui %lt3A_131 : i1 to i32
        %cond3A_133 = arith.constant 0 : i32
        %cond3A_134 = arith.cmpi ne, %convert_element_type3A_132, %cond3A_133 : i32
        scf.if %cond3A_134 {
          %add3A_201 = arith.constant 4 : i32
          %add3A_202 = arith.addi %add3A_105, %add3A_201 : i32
          %mul3A_203 = arith.constant 16384 : i32
          %mul3A_204 = arith.muli %add3A_202, %mul3A_203 : i32
          %add3A_205 = arith.addi %mul3A_204, %mul3A_2 : i32
          %dma_start3A_206 = tpu.memref_slice %arg2[%add3A_205] : memref<3276800xi32, #tpu.memory_space<hbm>> -> memref<512xi32, #tpu.memory_space<hbm>>
          %dma_start3A_207 = tpu.memref_slice %arg2[%add3A_205] : memref<3276800xi32, #tpu.memory_space<hbm>> -> memref<512xi32, #tpu.memory_space<hbm>>
          tpu.enqueue_dma source(%dma_start3A_207 : memref<512xi32, #tpu.memory_space<hbm>>) target(%arg8 : memref<512xi32, #tpu.memory_space<vmem>>) target_semaphore(%arg21 : memref<!tpu.dma_semaphore, #tpu.memory_space<semaphore_mem>>)
        } else {
        }
        %mul3A_135 = arith.constant 4 : i32
        %mul3A_136 = arith.muli %scan3A_69, %mul3A_135 : i32
        %add3A_137 = arith.constant 2 : i32
        %add3A_138 = arith.addi %mul3A_136, %add3A_137 : i32
        %mul3A_139 = arith.constant 16384 : i32
        %mul3A_140 = arith.muli %add3A_138, %mul3A_139 : i32
        %add3A_141 = arith.addi %mul3A_140, %mul3A_2 : i32
        %dma_wait3A_142 = tpu.memref_slice %arg2[%add3A_141] : memref<3276800xi32, #tpu.memory_space<hbm>> -> memref<512xi32, #tpu.memory_space<hbm>>
        %dma_wait3A_143 = tpu.memref_slice %arg2[%add3A_141] : memref<3276800xi32, #tpu.memory_space<hbm>> -> memref<512xi32, #tpu.memory_space<hbm>>
        tpu.wait_dma2 semaphore(%arg22 : memref<!tpu.dma_semaphore, #tpu.memory_space<semaphore_mem>>) src(%dma_wait3A_143 : memref<512xi32, #tpu.memory_space<hbm>>) dst(%arg9 : memref<512xi32, #tpu.memory_space<vmem>>)
        %gt3A_144 = arith.constant 0 : i32
        %gt3A_145 = arith.cmpi sgt, %scan3A_69, %gt3A_144 : i32
        %convert_element_type3A_146 = arith.extui %gt3A_145 : i1 to i32
        %cond3A_147 = arith.constant 0 : i32
        %cond3A_148 = arith.cmpi ne, %convert_element_type3A_146, %cond3A_147 : i32
        scf.if %cond3A_148 {
          %dma_wait3A_201 = arith.constant 0 : i32
          %dma_wait3A_202 = tpu.memref_slice %arg6[%dma_wait3A_201] : memref<104857600xf32, #tpu.memory_space<hbm>> -> memref<512xf32, #tpu.memory_space<hbm>>
          %dma_wait3A_203 = arith.constant 0 : i32
          %dma_wait3A_204 = tpu.memref_slice %arg6[%dma_wait3A_203] : memref<104857600xf32, #tpu.memory_space<hbm>> -> memref<512xf32, #tpu.memory_space<hbm>>
          tpu.wait_dma2 semaphore(%arg30 : memref<!tpu.dma_semaphore, #tpu.memory_space<semaphore_mem>>) src(%arg13 : memref<512xf32, #tpu.memory_space<vmem>>) dst(%dma_wait3A_204 : memref<512xf32, #tpu.memory_space<hbm>>)
        } else {
        }
        %dma_start3A_149 = arith.constant 0 : i32
        %dma_start3A_150 = tpu.memref_slice %arg18[%dma_start3A_149] : memref<1000000xf32, #tpu.memory_space<vmem_shared>> -> memref<1000000xf32, #tpu.memory_space<vmem_shared>>
        tpu.enqueue_indirect_dma source(%dma_start3A_150 : memref<1000000xf32, #tpu.memory_space<vmem_shared>>) target(%arg13 : memref<512xf32, #tpu.memory_space<vmem>>) offsets(%arg9 : memref<512xi32, #tpu.memory_space<vmem>>) semaphore(%arg26 : memref<!tpu.dma_semaphore, #tpu.memory_space<semaphore_mem>>)
        %dma_wait3A_151 = arith.constant 0 : i32
        %dma_wait3A_152 = tpu.memref_slice %arg18[%dma_wait3A_151] : memref<1000000xf32, #tpu.memory_space<vmem_shared>> -> memref<1000000xf32, #tpu.memory_space<vmem_shared>>
        tpu.wait_indirect_dma semaphore(%arg26 : memref<!tpu.dma_semaphore, #tpu.memory_space<semaphore_mem>>) src(%dma_wait3A_152 : memref<1000000xf32, #tpu.memory_space<vmem_shared>>) dst(%arg13 : memref<512xf32, #tpu.memory_space<vmem>>)
        %mul3A_153 = arith.constant 200 : i32
        %mul3A_154 = arith.muli %scan3A_8, %mul3A_153 : i32
        %add3A_155 = arith.addi %mul3A_154, %add3A_138 : i32
        %mul3A_156 = arith.constant 16384 : i32
        %mul3A_157 = arith.muli %add3A_155, %mul3A_156 : i32
        %add3A_158 = arith.addi %mul3A_157, %mul3A_2 : i32
        %dma_start3A_159 = tpu.memref_slice %arg6[%add3A_158] : memref<104857600xf32, #tpu.memory_space<hbm>> -> memref<512xf32, #tpu.memory_space<hbm>>
        %dma_start3A_160 = tpu.memref_slice %arg6[%add3A_158] : memref<104857600xf32, #tpu.memory_space<hbm>> -> memref<512xf32, #tpu.memory_space<hbm>>
        tpu.enqueue_dma source(%arg13 : memref<512xf32, #tpu.memory_space<vmem>>) target(%dma_start3A_160 : memref<512xf32, #tpu.memory_space<hbm>>) target_semaphore(%arg30 : memref<!tpu.dma_semaphore, #tpu.memory_space<semaphore_mem>>)
        %add3A_161 = arith.constant 4 : i32
        %add3A_162 = arith.addi %add3A_138, %add3A_161 : i32
        %lt3A_163 = arith.constant 200 : i32
        %lt3A_164 = arith.cmpi slt, %add3A_162, %lt3A_163 : i32
        %convert_element_type3A_165 = arith.extui %lt3A_164 : i1 to i32
        %cond3A_166 = arith.constant 0 : i32
        %cond3A_167 = arith.cmpi ne, %convert_element_type3A_165, %cond3A_166 : i32
        scf.if %cond3A_167 {
          %add3A_201 = arith.constant 4 : i32
          %add3A_202 = arith.addi %add3A_138, %add3A_201 : i32
          %mul3A_203 = arith.constant 16384 : i32
          %mul3A_204 = arith.muli %add3A_202, %mul3A_203 : i32
          %add3A_205 = arith.addi %mul3A_204, %mul3A_2 : i32
          %dma_start3A_206 = tpu.memref_slice %arg2[%add3A_205] : memref<3276800xi32, #tpu.memory_space<hbm>> -> memref<512xi32, #tpu.memory_space<hbm>>
          %dma_start3A_207 = tpu.memref_slice %arg2[%add3A_205] : memref<3276800xi32, #tpu.memory_space<hbm>> -> memref<512xi32, #tpu.memory_space<hbm>>
          tpu.enqueue_dma source(%dma_start3A_207 : memref<512xi32, #tpu.memory_space<hbm>>) target(%arg9 : memref<512xi32, #tpu.memory_space<vmem>>) target_semaphore(%arg22 : memref<!tpu.dma_semaphore, #tpu.memory_space<semaphore_mem>>)
        } else {
        }
        %mul3A_168 = arith.constant 4 : i32
        %mul3A_169 = arith.muli %scan3A_69, %mul3A_168 : i32
        %add3A_170 = arith.constant 3 : i32
        %add3A_171 = arith.addi %mul3A_169, %add3A_170 : i32
        %mul3A_172 = arith.constant 16384 : i32
        %mul3A_173 = arith.muli %add3A_171, %mul3A_172 : i32
        %add3A_174 = arith.addi %mul3A_173, %mul3A_2 : i32
        %dma_wait3A_175 = tpu.memref_slice %arg2[%add3A_174] : memref<3276800xi32, #tpu.memory_space<hbm>> -> memref<512xi32, #tpu.memory_space<hbm>>
        %dma_wait3A_176 = tpu.memref_slice %arg2[%add3A_174] : memref<3276800xi32, #tpu.memory_space<hbm>> -> memref<512xi32, #tpu.memory_space<hbm>>
        tpu.wait_dma2 semaphore(%arg23 : memref<!tpu.dma_semaphore, #tpu.memory_space<semaphore_mem>>) src(%dma_wait3A_176 : memref<512xi32, #tpu.memory_space<hbm>>) dst(%arg10 : memref<512xi32, #tpu.memory_space<vmem>>)
        %gt3A_177 = arith.constant 0 : i32
        %gt3A_178 = arith.cmpi sgt, %scan3A_69, %gt3A_177 : i32
        %convert_element_type3A_179 = arith.extui %gt3A_178 : i1 to i32
        %cond3A_180 = arith.constant 0 : i32
        %cond3A_181 = arith.cmpi ne, %convert_element_type3A_179, %cond3A_180 : i32
        scf.if %cond3A_181 {
          %dma_wait3A_201 = arith.constant 0 : i32
          %dma_wait3A_202 = tpu.memref_slice %arg6[%dma_wait3A_201] : memref<104857600xf32, #tpu.memory_space<hbm>> -> memref<512xf32, #tpu.memory_space<hbm>>
          %dma_wait3A_203 = arith.constant 0 : i32
          %dma_wait3A_204 = tpu.memref_slice %arg6[%dma_wait3A_203] : memref<104857600xf32, #tpu.memory_space<hbm>> -> memref<512xf32, #tpu.memory_space<hbm>>
          tpu.wait_dma2 semaphore(%arg31 : memref<!tpu.dma_semaphore, #tpu.memory_space<semaphore_mem>>) src(%arg14 : memref<512xf32, #tpu.memory_space<vmem>>) dst(%dma_wait3A_204 : memref<512xf32, #tpu.memory_space<hbm>>)
        } else {
        }
        %dma_start3A_182 = arith.constant 0 : i32
        %dma_start3A_183 = tpu.memref_slice %arg18[%dma_start3A_182] : memref<1000000xf32, #tpu.memory_space<vmem_shared>> -> memref<1000000xf32, #tpu.memory_space<vmem_shared>>
        tpu.enqueue_indirect_dma source(%dma_start3A_183 : memref<1000000xf32, #tpu.memory_space<vmem_shared>>) target(%arg14 : memref<512xf32, #tpu.memory_space<vmem>>) offsets(%arg10 : memref<512xi32, #tpu.memory_space<vmem>>) semaphore(%arg27 : memref<!tpu.dma_semaphore, #tpu.memory_space<semaphore_mem>>)
        %dma_wait3A_184 = arith.constant 0 : i32
        %dma_wait3A_185 = tpu.memref_slice %arg18[%dma_wait3A_184] : memref<1000000xf32, #tpu.memory_space<vmem_shared>> -> memref<1000000xf32, #tpu.memory_space<vmem_shared>>
        tpu.wait_indirect_dma semaphore(%arg27 : memref<!tpu.dma_semaphore, #tpu.memory_space<semaphore_mem>>) src(%dma_wait3A_185 : memref<1000000xf32, #tpu.memory_space<vmem_shared>>) dst(%arg14 : memref<512xf32, #tpu.memory_space<vmem>>)
        %mul3A_186 = arith.constant 200 : i32
        %mul3A_187 = arith.muli %scan3A_8, %mul3A_186 : i32
        %add3A_188 = arith.addi %mul3A_187, %add3A_171 : i32
        %mul3A_189 = arith.constant 16384 : i32
        %mul3A_190 = arith.muli %add3A_188, %mul3A_189 : i32
        %add3A_191 = arith.addi %mul3A_190, %mul3A_2 : i32
        %dma_start3A_192 = tpu.memref_slice %arg6[%add3A_191] : memref<104857600xf32, #tpu.memory_space<hbm>> -> memref<512xf32, #tpu.memory_space<hbm>>
        %dma_start3A_193 = tpu.memref_slice %arg6[%add3A_191] : memref<104857600xf32, #tpu.memory_space<hbm>> -> memref<512xf32, #tpu.memory_space<hbm>>
        tpu.enqueue_dma source(%arg14 : memref<512xf32, #tpu.memory_space<vmem>>) target(%dma_start3A_193 : memref<512xf32, #tpu.memory_space<hbm>>) target_semaphore(%arg31 : memref<!tpu.dma_semaphore, #tpu.memory_space<semaphore_mem>>)
        %add3A_194 = arith.constant 4 : i32
        %add3A_195 = arith.addi %add3A_171, %add3A_194 : i32
        %lt3A_196 = arith.constant 200 : i32
        %lt3A_197 = arith.cmpi slt, %add3A_195, %lt3A_196 : i32
        %convert_element_type3A_198 = arith.extui %lt3A_197 : i1 to i32
        %cond3A_199 = arith.constant 0 : i32
        %cond3A_200 = arith.cmpi ne, %convert_element_type3A_198, %cond3A_199 : i32
        scf.if %cond3A_200 {
          %add3A_201 = arith.constant 4 : i32
          %add3A_202 = arith.addi %add3A_171, %add3A_201 : i32
          %mul3A_203 = arith.constant 16384 : i32
          %mul3A_204 = arith.muli %add3A_202, %mul3A_203 : i32
          %add3A_205 = arith.addi %mul3A_204, %mul3A_2 : i32
          %dma_start3A_206 = tpu.memref_slice %arg2[%add3A_205] : memref<3276800xi32, #tpu.memory_space<hbm>> -> memref<512xi32, #tpu.memory_space<hbm>>
          %dma_start3A_207 = tpu.memref_slice %arg2[%add3A_205] : memref<3276800xi32, #tpu.memory_space<hbm>> -> memref<512xi32, #tpu.memory_space<hbm>>
          tpu.enqueue_dma source(%dma_start3A_207 : memref<512xi32, #tpu.memory_space<hbm>>) target(%arg10 : memref<512xi32, #tpu.memory_space<vmem>>) target_semaphore(%arg23 : memref<!tpu.dma_semaphore, #tpu.memory_space<semaphore_mem>>)
        } else {
        }
      }
      %scan3A_35 = arith.constant 50 : i32
      %dma_wait3A = arith.constant 0 : i32
      %dma_wait3A_36 = tpu.memref_slice %arg6[%dma_wait3A] : memref<104857600xf32, #tpu.memory_space<hbm>> -> memref<512xf32, #tpu.memory_space<hbm>>
      %dma_wait3A_37 = arith.constant 0 : i32
      %dma_wait3A_38 = tpu.memref_slice %arg6[%dma_wait3A_37] : memref<104857600xf32, #tpu.memory_space<hbm>> -> memref<512xf32, #tpu.memory_space<hbm>>
      tpu.wait_dma2 semaphore(%arg28 : memref<!tpu.dma_semaphore, #tpu.memory_space<semaphore_mem>>) src(%arg11 : memref<512xf32, #tpu.memory_space<vmem>>) dst(%dma_wait3A_38 : memref<512xf32, #tpu.memory_space<hbm>>)
      %dma_wait3A_39 = arith.constant 0 : i32
      %dma_wait3A_40 = tpu.memref_slice %arg6[%dma_wait3A_39] : memref<104857600xf32, #tpu.memory_space<hbm>> -> memref<512xf32, #tpu.memory_space<hbm>>
      %dma_wait3A_41 = arith.constant 0 : i32
      %dma_wait3A_42 = tpu.memref_slice %arg6[%dma_wait3A_41] : memref<104857600xf32, #tpu.memory_space<hbm>> -> memref<512xf32, #tpu.memory_space<hbm>>
      tpu.wait_dma2 semaphore(%arg29 : memref<!tpu.dma_semaphore, #tpu.memory_space<semaphore_mem>>) src(%arg12 : memref<512xf32, #tpu.memory_space<vmem>>) dst(%dma_wait3A_42 : memref<512xf32, #tpu.memory_space<hbm>>)
      %dma_wait3A_43 = arith.constant 0 : i32
      %dma_wait3A_44 = tpu.memref_slice %arg6[%dma_wait3A_43] : memref<104857600xf32, #tpu.memory_space<hbm>> -> memref<512xf32, #tpu.memory_space<hbm>>
      %dma_wait3A_45 = arith.constant 0 : i32
      %dma_wait3A_46 = tpu.memref_slice %arg6[%dma_wait3A_45] : memref<104857600xf32, #tpu.memory_space<hbm>> -> memref<512xf32, #tpu.memory_space<hbm>>
      tpu.wait_dma2 semaphore(%arg30 : memref<!tpu.dma_semaphore, #tpu.memory_space<semaphore_mem>>) src(%arg13 : memref<512xf32, #tpu.memory_space<vmem>>) dst(%dma_wait3A_46 : memref<512xf32, #tpu.memory_space<hbm>>)
      %dma_wait3A_47 = arith.constant 0 : i32
      %dma_wait3A_48 = tpu.memref_slice %arg6[%dma_wait3A_47] : memref<104857600xf32, #tpu.memory_space<hbm>> -> memref<512xf32, #tpu.memory_space<hbm>>
      %dma_wait3A_49 = arith.constant 0 : i32
      %dma_wait3A_50 = tpu.memref_slice %arg6[%dma_wait3A_49] : memref<104857600xf32, #tpu.memory_space<hbm>> -> memref<512xf32, #tpu.memory_space<hbm>>
      tpu.wait_dma2 semaphore(%arg31 : memref<!tpu.dma_semaphore, #tpu.memory_space<semaphore_mem>>) src(%arg14 : memref<512xf32, #tpu.memory_space<vmem>>) dst(%dma_wait3A_50 : memref<512xf32, #tpu.memory_space<hbm>>)
      %barrier3A_51 = arith.constant 0 : index
      tpu.barrier barrier_id(%barrier3A_51)
      %jit3A = arith.constant 8 : i32
      %eq3A_52 = arith.constant 0 : i32
      %eq3A_53 = arith.cmpi eq, %jit3A, %eq3A_52 : i32
      %jit3A_54 = arith.constant 1 : i32
      %select_n3A = arith.select %eq3A_53, %jit3A_54, %jit3A : i32
      %rem3A = arith.remsi %scan3A_8, %select_n3A : i32
      %ne3A = arith.constant 0 : i32
      %ne3A_55 = arith.cmpi ne, %rem3A, %ne3A : i32
      %lt3A_56 = arith.constant 0 : i32
      %lt3A_57 = arith.cmpi slt, %rem3A, %lt3A_56 : i32
      %lt3A_58 = arith.constant 0 : i32
      %lt3A_59 = arith.cmpi slt, %select_n3A, %lt3A_58 : i32
      %ne3A_60 = arith.xori %lt3A_57, %lt3A_59 : i1
      %and3A = arith.andi %ne3A_60, %ne3A_55 : i1
      %add3A_61 = arith.addi %rem3A, %select_n3A : i32
      %select_n3A_62 = arith.select %and3A, %add3A_61, %rem3A : i32
      %eq3A_63 = arith.constant 7 : i32
      %eq3A_64 = arith.cmpi eq, %select_n3A_62, %eq3A_63 : i32
      %convert_element_type3A_65 = arith.extui %eq3A_64 : i1 to i32
      %cond3A_66 = arith.constant 0 : i32
      %cond3A_67 = arith.cmpi ne, %convert_element_type3A_65, %cond3A_66 : i32
      scf.if %cond3A_67 {
        %jit3A_69 = arith.constant 8 : i32
        %div3A = arith.divsi %scan3A_8, %jit3A_69 : i32
        %sign3A = arith.constant 0 : i32
        %sign3A_70 = arith.cmpi sgt, %scan3A_8, %sign3A : i32
        %sign3A_71 = arith.extui %sign3A_70 : i1 to i32
        %sign3A_72 = arith.constant 0 : i32
        %sign3A_73 = arith.cmpi slt, %scan3A_8, %sign3A_72 : i32
        %sign3A_74 = arith.extui %sign3A_73 : i1 to i32
        %sign3A_75 = arith.subi %sign3A_71, %sign3A_74 : i32
        %sign3A_76 = arith.constant 0 : i32
        %sign3A_77 = arith.cmpi sgt, %jit3A_69, %sign3A_76 : i32
        %sign3A_78 = arith.extui %sign3A_77 : i1 to i32
        %sign3A_79 = arith.constant 0 : i32
        %sign3A_80 = arith.cmpi slt, %jit3A_69, %sign3A_79 : i32
        %sign3A_81 = arith.extui %sign3A_80 : i1 to i32
        %sign3A_82 = arith.subi %sign3A_78, %sign3A_81 : i32
        %ne3A_83 = arith.cmpi ne, %sign3A_75, %sign3A_82 : i32
        %rem3A_84 = arith.remsi %scan3A_8, %jit3A_69 : i32
        %ne3A_85 = arith.constant 0 : i32
        %ne3A_86 = arith.cmpi ne, %rem3A_84, %ne3A_85 : i32
        %and3A_87 = arith.andi %ne3A_83, %ne3A_86 : i1
        %sub3A = arith.constant 1 : i32
        %sub3A_88 = arith.subi %div3A, %sub3A : i32
        %select_n3A_89 = arith.select %and3A_87, %sub3A_88, %div3A : i32
        %mul3A_90 = arith.constant 50 : i32
        %mul3A_91 = arith.muli %arg1, %mul3A_90 : i32
        %jit3A_92 = arith.constant 4 : i32
        %div3A_93 = arith.divsi %mul3A_91, %jit3A_92 : i32
        %sign3A_94 = arith.constant 0 : i32
        %sign3A_95 = arith.cmpi sgt, %mul3A_91, %sign3A_94 : i32
        %sign3A_96 = arith.extui %sign3A_95 : i1 to i32
        %sign3A_97 = arith.constant 0 : i32
        %sign3A_98 = arith.cmpi slt, %mul3A_91, %sign3A_97 : i32
        %sign3A_99 = arith.extui %sign3A_98 : i1 to i32
        %sign3A_100 = arith.subi %sign3A_96, %sign3A_99 : i32
        %sign3A_101 = arith.constant 0 : i32
        %sign3A_102 = arith.cmpi sgt, %jit3A_92, %sign3A_101 : i32
        %sign3A_103 = arith.extui %sign3A_102 : i1 to i32
        %sign3A_104 = arith.constant 0 : i32
        %sign3A_105 = arith.cmpi slt, %jit3A_92, %sign3A_104 : i32
        %sign3A_106 = arith.extui %sign3A_105 : i1 to i32
        %sign3A_107 = arith.subi %sign3A_103, %sign3A_106 : i32
        %ne3A_108 = arith.cmpi ne, %sign3A_100, %sign3A_107 : i32
        %rem3A_109 = arith.remsi %mul3A_91, %jit3A_92 : i32
        %ne3A_110 = arith.constant 0 : i32
        %ne3A_111 = arith.cmpi ne, %rem3A_109, %ne3A_110 : i32
        %and3A_112 = arith.andi %ne3A_108, %ne3A_111 : i1
        %sub3A_113 = arith.constant 1 : i32
        %sub3A_114 = arith.subi %div3A_93, %sub3A_113 : i32
        %select_n3A_115 = arith.select %and3A_112, %sub3A_114, %div3A_93 : i32
        %jit3A_116 = arith.constant 4 : i32
        %eq3A_117 = arith.constant 0 : i32
        %eq3A_118 = arith.cmpi eq, %jit3A_116, %eq3A_117 : i32
        %jit3A_119 = arith.constant 1 : i32
        %select_n3A_120 = arith.select %eq3A_118, %jit3A_119, %jit3A_116 : i32
        %rem3A_121 = arith.remsi %mul3A_91, %select_n3A_120 : i32
        %ne3A_122 = arith.constant 0 : i32
        %ne3A_123 = arith.cmpi ne, %rem3A_121, %ne3A_122 : i32
        %lt3A_124 = arith.constant 0 : i32
        %lt3A_125 = arith.cmpi slt, %rem3A_121, %lt3A_124 : i32
        %lt3A_126 = arith.constant 0 : i32
        %lt3A_127 = arith.cmpi slt, %select_n3A_120, %lt3A_126 : i32
        %ne3A_128 = arith.xori %lt3A_125, %lt3A_127 : i1
        %and3A_129 = arith.andi %ne3A_128, %ne3A_123 : i1
        %add3A_130 = arith.addi %rem3A_121, %select_n3A_120 : i32
        %select_n3A_131 = arith.select %and3A_129, %add3A_130, %rem3A_121 : i32
        %mul3A_132 = arith.constant 4 : i32
        %mul3A_133 = arith.muli %arg0, %mul3A_132 : i32
        %add3A_134 = arith.addi %select_n3A_131, %mul3A_133 : i32
        %mul3A_135 = arith.constant 2048 : i32
        %mul3A_136 = arith.muli %add3A_134, %mul3A_135 : i32
        %mul3A_137 = arith.constant 8 : i32
        %mul3A_138 = arith.muli %select_n3A_89, %mul3A_137 : i32
        %add3A_139 = arith.constant 0 : i32
        %add3A_140 = arith.addi %mul3A_138, %add3A_139 : i32
        %mul3A_141 = arith.constant 200 : i32
        %mul3A_142 = arith.muli %add3A_140, %mul3A_141 : i32
        %add3A_143 = arith.addi %mul3A_142, %select_n3A_115 : i32
        %mul3A_144 = arith.constant 16384 : i32
        %mul3A_145 = arith.muli %add3A_143, %mul3A_144 : i32
        %add3A_146 = arith.addi %mul3A_145, %mul3A_136 : i32
        %dma_start3A_147 = arith.constant 0 : i32
        %dma_start3A_148 = arith.constant 0 : i32
        %dma_start3A_149 = tpu.memref_slice %arg15[%dma_start3A_147, %dma_start3A_148] : memref<8x2048xf32, #tpu.memory_space<vmem>> -> memref<1x2048xf32, #tpu.memory_space<vmem>>
        %dma_start3A_150 = tpu.memref_squeeze %dma_start3A_149 : memref<1x2048xf32, #tpu.memory_space<vmem>> -> memref<2048xf32, #tpu.memory_space<vmem>>
        %dma_start3A_151 = tpu.memref_slice %arg6[%add3A_146] : memref<104857600xf32, #tpu.memory_space<hbm>> -> memref<2048xf32, #tpu.memory_space<hbm>>
        %dma_start3A_152 = arith.constant 0 : i32
        %dma_start3A_153 = tpu.memref_slice %arg15[%dma_start3A_147, %dma_start3A_152] : memref<8x2048xf32, #tpu.memory_space<vmem>> -> memref<1x2048xf32, #tpu.memory_space<vmem>>
        %dma_start3A_154 = tpu.memref_squeeze %dma_start3A_153 : memref<1x2048xf32, #tpu.memory_space<vmem>> -> memref<2048xf32, #tpu.memory_space<vmem>>
        %dma_start3A_155 = tpu.memref_slice %arg6[%add3A_146] : memref<104857600xf32, #tpu.memory_space<hbm>> -> memref<2048xf32, #tpu.memory_space<hbm>>
        tpu.enqueue_dma source(%dma_start3A_155 : memref<2048xf32, #tpu.memory_space<hbm>>) target(%dma_start3A_154 : memref<2048xf32, #tpu.memory_space<vmem>>) target_semaphore(%arg32 : memref<!tpu.dma_semaphore, #tpu.memory_space<semaphore_mem>>)
        %mul3A_156 = arith.constant 8 : i32
        %mul3A_157 = arith.muli %select_n3A_89, %mul3A_156 : i32
        %add3A_158 = arith.constant 1 : i32
        %add3A_159 = arith.addi %mul3A_157, %add3A_158 : i32
        %mul3A_160 = arith.constant 200 : i32
        %mul3A_161 = arith.muli %add3A_159, %mul3A_160 : i32
        %add3A_162 = arith.addi %mul3A_161, %select_n3A_115 : i32
        %mul3A_163 = arith.constant 16384 : i32
        %mul3A_164 = arith.muli %add3A_162, %mul3A_163 : i32
        %add3A_165 = arith.addi %mul3A_164, %mul3A_136 : i32
        %dma_start3A_166 = arith.constant 1 : i32
        %dma_start3A_167 = arith.constant 0 : i32
        %dma_start3A_168 = tpu.memref_slice %arg15[%dma_start3A_166, %dma_start3A_167] : memref<8x2048xf32, #tpu.memory_space<vmem>> -> memref<1x2048xf32, #tpu.memory_space<vmem>>
        %dma_start3A_169 = tpu.memref_squeeze %dma_start3A_168 : memref<1x2048xf32, #tpu.memory_space<vmem>> -> memref<2048xf32, #tpu.memory_space<vmem>>
        %dma_start3A_170 = tpu.memref_slice %arg6[%add3A_165] : memref<104857600xf32, #tpu.memory_space<hbm>> -> memref<2048xf32, #tpu.memory_space<hbm>>
        %dma_start3A_171 = arith.constant 0 : i32
        %dma_start3A_172 = tpu.memref_slice %arg15[%dma_start3A_166, %dma_start3A_171] : memref<8x2048xf32, #tpu.memory_space<vmem>> -> memref<1x2048xf32, #tpu.memory_space<vmem>>
        %dma_start3A_173 = tpu.memref_squeeze %dma_start3A_172 : memref<1x2048xf32, #tpu.memory_space<vmem>> -> memref<2048xf32, #tpu.memory_space<vmem>>
        %dma_start3A_174 = tpu.memref_slice %arg6[%add3A_165] : memref<104857600xf32, #tpu.memory_space<hbm>> -> memref<2048xf32, #tpu.memory_space<hbm>>
        tpu.enqueue_dma source(%dma_start3A_174 : memref<2048xf32, #tpu.memory_space<hbm>>) target(%dma_start3A_173 : memref<2048xf32, #tpu.memory_space<vmem>>) target_semaphore(%arg32 : memref<!tpu.dma_semaphore, #tpu.memory_space<semaphore_mem>>)
        %mul3A_175 = arith.constant 8 : i32
        %mul3A_176 = arith.muli %select_n3A_89, %mul3A_175 : i32
        %add3A_177 = arith.constant 2 : i32
        %add3A_178 = arith.addi %mul3A_176, %add3A_177 : i32
        %mul3A_179 = arith.constant 200 : i32
        %mul3A_180 = arith.muli %add3A_178, %mul3A_179 : i32
        %add3A_181 = arith.addi %mul3A_180, %select_n3A_115 : i32
        %mul3A_182 = arith.constant 16384 : i32
        %mul3A_183 = arith.muli %add3A_181, %mul3A_182 : i32
        %add3A_184 = arith.addi %mul3A_183, %mul3A_136 : i32
        %dma_start3A_185 = arith.constant 2 : i32
        %dma_start3A_186 = arith.constant 0 : i32
        %dma_start3A_187 = tpu.memref_slice %arg15[%dma_start3A_185, %dma_start3A_186] : memref<8x2048xf32, #tpu.memory_space<vmem>> -> memref<1x2048xf32, #tpu.memory_space<vmem>>
        %dma_start3A_188 = tpu.memref_squeeze %dma_start3A_187 : memref<1x2048xf32, #tpu.memory_space<vmem>> -> memref<2048xf32, #tpu.memory_space<vmem>>
        %dma_start3A_189 = tpu.memref_slice %arg6[%add3A_184] : memref<104857600xf32, #tpu.memory_space<hbm>> -> memref<2048xf32, #tpu.memory_space<hbm>>
        %dma_start3A_190 = arith.constant 0 : i32
        %dma_start3A_191 = tpu.memref_slice %arg15[%dma_start3A_185, %dma_start3A_190] : memref<8x2048xf32, #tpu.memory_space<vmem>> -> memref<1x2048xf32, #tpu.memory_space<vmem>>
        %dma_start3A_192 = tpu.memref_squeeze %dma_start3A_191 : memref<1x2048xf32, #tpu.memory_space<vmem>> -> memref<2048xf32, #tpu.memory_space<vmem>>
        %dma_start3A_193 = tpu.memref_slice %arg6[%add3A_184] : memref<104857600xf32, #tpu.memory_space<hbm>> -> memref<2048xf32, #tpu.memory_space<hbm>>
        tpu.enqueue_dma source(%dma_start3A_193 : memref<2048xf32, #tpu.memory_space<hbm>>) target(%dma_start3A_192 : memref<2048xf32, #tpu.memory_space<vmem>>) target_semaphore(%arg32 : memref<!tpu.dma_semaphore, #tpu.memory_space<semaphore_mem>>)
        %mul3A_194 = arith.constant 8 : i32
        %mul3A_195 = arith.muli %select_n3A_89, %mul3A_194 : i32
        %add3A_196 = arith.constant 3 : i32
        %add3A_197 = arith.addi %mul3A_195, %add3A_196 : i32
        %mul3A_198 = arith.constant 200 : i32
        %mul3A_199 = arith.muli %add3A_197, %mul3A_198 : i32
        %add3A_200 = arith.addi %mul3A_199, %select_n3A_115 : i32
        %mul3A_201 = arith.constant 16384 : i32
        %mul3A_202 = arith.muli %add3A_200, %mul3A_201 : i32
        %add3A_203 = arith.addi %mul3A_202, %mul3A_136 : i32
        %dma_start3A_204 = arith.constant 3 : i32
        %dma_start3A_205 = arith.constant 0 : i32
        %dma_start3A_206 = tpu.memref_slice %arg15[%dma_start3A_204, %dma_start3A_205] : memref<8x2048xf32, #tpu.memory_space<vmem>> -> memref<1x2048xf32, #tpu.memory_space<vmem>>
        %dma_start3A_207 = tpu.memref_squeeze %dma_start3A_206 : memref<1x2048xf32, #tpu.memory_space<vmem>> -> memref<2048xf32, #tpu.memory_space<vmem>>
        %dma_start3A_208 = tpu.memref_slice %arg6[%add3A_203] : memref<104857600xf32, #tpu.memory_space<hbm>> -> memref<2048xf32, #tpu.memory_space<hbm>>
        %dma_start3A_209 = arith.constant 0 : i32
        %dma_start3A_210 = tpu.memref_slice %arg15[%dma_start3A_204, %dma_start3A_209] : memref<8x2048xf32, #tpu.memory_space<vmem>> -> memref<1x2048xf32, #tpu.memory_space<vmem>>
        %dma_start3A_211 = tpu.memref_squeeze %dma_start3A_210 : memref<1x2048xf32, #tpu.memory_space<vmem>> -> memref<2048xf32, #tpu.memory_space<vmem>>
        %dma_start3A_212 = tpu.memref_slice %arg6[%add3A_203] : memref<104857600xf32, #tpu.memory_space<hbm>> -> memref<2048xf32, #tpu.memory_space<hbm>>
        tpu.enqueue_dma source(%dma_start3A_212 : memref<2048xf32, #tpu.memory_space<hbm>>) target(%dma_start3A_211 : memref<2048xf32, #tpu.memory_space<vmem>>) target_semaphore(%arg32 : memref<!tpu.dma_semaphore, #tpu.memory_space<semaphore_mem>>)
        %mul3A_213 = arith.constant 8 : i32
        %mul3A_214 = arith.muli %select_n3A_89, %mul3A_213 : i32
        %add3A_215 = arith.constant 4 : i32
        %add3A_216 = arith.addi %mul3A_214, %add3A_215 : i32
        %mul3A_217 = arith.constant 200 : i32
        %mul3A_218 = arith.muli %add3A_216, %mul3A_217 : i32
        %add3A_219 = arith.addi %mul3A_218, %select_n3A_115 : i32
        %mul3A_220 = arith.constant 16384 : i32
        %mul3A_221 = arith.muli %add3A_219, %mul3A_220 : i32
        %add3A_222 = arith.addi %mul3A_221, %mul3A_136 : i32
        %dma_start3A_223 = arith.constant 4 : i32
        %dma_start3A_224 = arith.constant 0 : i32
        %dma_start3A_225 = tpu.memref_slice %arg15[%dma_start3A_223, %dma_start3A_224] : memref<8x2048xf32, #tpu.memory_space<vmem>> -> memref<1x2048xf32, #tpu.memory_space<vmem>>
        %dma_start3A_226 = tpu.memref_squeeze %dma_start3A_225 : memref<1x2048xf32, #tpu.memory_space<vmem>> -> memref<2048xf32, #tpu.memory_space<vmem>>
        %dma_start3A_227 = tpu.memref_slice %arg6[%add3A_222] : memref<104857600xf32, #tpu.memory_space<hbm>> -> memref<2048xf32, #tpu.memory_space<hbm>>
        %dma_start3A_228 = arith.constant 0 : i32
        %dma_start3A_229 = tpu.memref_slice %arg15[%dma_start3A_223, %dma_start3A_228] : memref<8x2048xf32, #tpu.memory_space<vmem>> -> memref<1x2048xf32, #tpu.memory_space<vmem>>
        %dma_start3A_230 = tpu.memref_squeeze %dma_start3A_229 : memref<1x2048xf32, #tpu.memory_space<vmem>> -> memref<2048xf32, #tpu.memory_space<vmem>>
        %dma_start3A_231 = tpu.memref_slice %arg6[%add3A_222] : memref<104857600xf32, #tpu.memory_space<hbm>> -> memref<2048xf32, #tpu.memory_space<hbm>>
        tpu.enqueue_dma source(%dma_start3A_231 : memref<2048xf32, #tpu.memory_space<hbm>>) target(%dma_start3A_230 : memref<2048xf32, #tpu.memory_space<vmem>>) target_semaphore(%arg32 : memref<!tpu.dma_semaphore, #tpu.memory_space<semaphore_mem>>)
        %mul3A_232 = arith.constant 8 : i32
        %mul3A_233 = arith.muli %select_n3A_89, %mul3A_232 : i32
        %add3A_234 = arith.constant 5 : i32
        %add3A_235 = arith.addi %mul3A_233, %add3A_234 : i32
        %mul3A_236 = arith.constant 200 : i32
        %mul3A_237 = arith.muli %add3A_235, %mul3A_236 : i32
        %add3A_238 = arith.addi %mul3A_237, %select_n3A_115 : i32
        %mul3A_239 = arith.constant 16384 : i32
        %mul3A_240 = arith.muli %add3A_238, %mul3A_239 : i32
        %add3A_241 = arith.addi %mul3A_240, %mul3A_136 : i32
        %dma_start3A_242 = arith.constant 5 : i32
        %dma_start3A_243 = arith.constant 0 : i32
        %dma_start3A_244 = tpu.memref_slice %arg15[%dma_start3A_242, %dma_start3A_243] : memref<8x2048xf32, #tpu.memory_space<vmem>> -> memref<1x2048xf32, #tpu.memory_space<vmem>>
        %dma_start3A_245 = tpu.memref_squeeze %dma_start3A_244 : memref<1x2048xf32, #tpu.memory_space<vmem>> -> memref<2048xf32, #tpu.memory_space<vmem>>
        %dma_start3A_246 = tpu.memref_slice %arg6[%add3A_241] : memref<104857600xf32, #tpu.memory_space<hbm>> -> memref<2048xf32, #tpu.memory_space<hbm>>
        %dma_start3A_247 = arith.constant 0 : i32
        %dma_start3A_248 = tpu.memref_slice %arg15[%dma_start3A_242, %dma_start3A_247] : memref<8x2048xf32, #tpu.memory_space<vmem>> -> memref<1x2048xf32, #tpu.memory_space<vmem>>
        %dma_start3A_249 = tpu.memref_squeeze %dma_start3A_248 : memref<1x2048xf32, #tpu.memory_space<vmem>> -> memref<2048xf32, #tpu.memory_space<vmem>>
        %dma_start3A_250 = tpu.memref_slice %arg6[%add3A_241] : memref<104857600xf32, #tpu.memory_space<hbm>> -> memref<2048xf32, #tpu.memory_space<hbm>>
        tpu.enqueue_dma source(%dma_start3A_250 : memref<2048xf32, #tpu.memory_space<hbm>>) target(%dma_start3A_249 : memref<2048xf32, #tpu.memory_space<vmem>>) target_semaphore(%arg32 : memref<!tpu.dma_semaphore, #tpu.memory_space<semaphore_mem>>)
        %mul3A_251 = arith.constant 8 : i32
        %mul3A_252 = arith.muli %select_n3A_89, %mul3A_251 : i32
        %add3A_253 = arith.constant 6 : i32
        %add3A_254 = arith.addi %mul3A_252, %add3A_253 : i32
        %mul3A_255 = arith.constant 200 : i32
        %mul3A_256 = arith.muli %add3A_254, %mul3A_255 : i32
        %add3A_257 = arith.addi %mul3A_256, %select_n3A_115 : i32
        %mul3A_258 = arith.constant 16384 : i32
        %mul3A_259 = arith.muli %add3A_257, %mul3A_258 : i32
        %add3A_260 = arith.addi %mul3A_259, %mul3A_136 : i32
        %dma_start3A_261 = arith.constant 6 : i32
        %dma_start3A_262 = arith.constant 0 : i32
        %dma_start3A_263 = tpu.memref_slice %arg15[%dma_start3A_261, %dma_start3A_262] : memref<8x2048xf32, #tpu.memory_space<vmem>> -> memref<1x2048xf32, #tpu.memory_space<vmem>>
        %dma_start3A_264 = tpu.memref_squeeze %dma_start3A_263 : memref<1x2048xf32, #tpu.memory_space<vmem>> -> memref<2048xf32, #tpu.memory_space<vmem>>
        %dma_start3A_265 = tpu.memref_slice %arg6[%add3A_260] : memref<104857600xf32, #tpu.memory_space<hbm>> -> memref<2048xf32, #tpu.memory_space<hbm>>
        %dma_start3A_266 = arith.constant 0 : i32
        %dma_start3A_267 = tpu.memref_slice %arg15[%dma_start3A_261, %dma_start3A_266] : memref<8x2048xf32, #tpu.memory_space<vmem>> -> memref<1x2048xf32, #tpu.memory_space<vmem>>
        %dma_start3A_268 = tpu.memref_squeeze %dma_start3A_267 : memref<1x2048xf32, #tpu.memory_space<vmem>> -> memref<2048xf32, #tpu.memory_space<vmem>>
        %dma_start3A_269 = tpu.memref_slice %arg6[%add3A_260] : memref<104857600xf32, #tpu.memory_space<hbm>> -> memref<2048xf32, #tpu.memory_space<hbm>>
        tpu.enqueue_dma source(%dma_start3A_269 : memref<2048xf32, #tpu.memory_space<hbm>>) target(%dma_start3A_268 : memref<2048xf32, #tpu.memory_space<vmem>>) target_semaphore(%arg32 : memref<!tpu.dma_semaphore, #tpu.memory_space<semaphore_mem>>)
        %mul3A_270 = arith.constant 8 : i32
        %mul3A_271 = arith.muli %select_n3A_89, %mul3A_270 : i32
        %add3A_272 = arith.constant 7 : i32
        %add3A_273 = arith.addi %mul3A_271, %add3A_272 : i32
        %mul3A_274 = arith.constant 200 : i32
        %mul3A_275 = arith.muli %add3A_273, %mul3A_274 : i32
        %add3A_276 = arith.addi %mul3A_275, %select_n3A_115 : i32
        %mul3A_277 = arith.constant 16384 : i32
        %mul3A_278 = arith.muli %add3A_276, %mul3A_277 : i32
        %add3A_279 = arith.addi %mul3A_278, %mul3A_136 : i32
        %dma_start3A_280 = arith.constant 7 : i32
        %dma_start3A_281 = arith.constant 0 : i32
        %dma_start3A_282 = tpu.memref_slice %arg15[%dma_start3A_280, %dma_start3A_281] : memref<8x2048xf32, #tpu.memory_space<vmem>> -> memref<1x2048xf32, #tpu.memory_space<vmem>>
        %dma_start3A_283 = tpu.memref_squeeze %dma_start3A_282 : memref<1x2048xf32, #tpu.memory_space<vmem>> -> memref<2048xf32, #tpu.memory_space<vmem>>
        %dma_start3A_284 = tpu.memref_slice %arg6[%add3A_279] : memref<104857600xf32, #tpu.memory_space<hbm>> -> memref<2048xf32, #tpu.memory_space<hbm>>
        %dma_start3A_285 = arith.constant 0 : i32
        %dma_start3A_286 = tpu.memref_slice %arg15[%dma_start3A_280, %dma_start3A_285] : memref<8x2048xf32, #tpu.memory_space<vmem>> -> memref<1x2048xf32, #tpu.memory_space<vmem>>
        %dma_start3A_287 = tpu.memref_squeeze %dma_start3A_286 : memref<1x2048xf32, #tpu.memory_space<vmem>> -> memref<2048xf32, #tpu.memory_space<vmem>>
        %dma_start3A_288 = tpu.memref_slice %arg6[%add3A_279] : memref<104857600xf32, #tpu.memory_space<hbm>> -> memref<2048xf32, #tpu.memory_space<hbm>>
        tpu.enqueue_dma source(%dma_start3A_288 : memref<2048xf32, #tpu.memory_space<hbm>>) target(%dma_start3A_287 : memref<2048xf32, #tpu.memory_space<vmem>>) target_semaphore(%arg32 : memref<!tpu.dma_semaphore, #tpu.memory_space<semaphore_mem>>)
        %scan3A_289 = arith.constant 0 : i32
        %scan3A_290 = arith.constant 0 : i32
        %scan3A_291 = arith.constant 25 : i32
        %scan3A_292 = arith.addi %scan3A_290, %scan3A_291 : i32
        %scan3A_293 = arith.constant 1 : i32
        scf.for %scan3A_313 = %scan3A_290 to %scan3A_292 step %scan3A_293  : i32 {
          %mul3A_314 = arith.constant 2 : i32
          %mul3A_315 = arith.muli %scan3A_313, %mul3A_314 : i32
          %add3A_316 = arith.addi %mul3A_91, %mul3A_315 : i32
          %add3A_317 = arith.constant 0 : i32
          %add3A_318 = arith.addi %add3A_316, %add3A_317 : i32
          %ge3A = arith.constant 1 : i32
          %ge3A_319 = arith.cmpi sge, %scan3A_313, %ge3A : i32
          %convert_element_type3A_320 = arith.extui %ge3A_319 : i1 to i32
          %cond3A_321 = arith.constant 0 : i32
          %cond3A_322 = arith.cmpi ne, %convert_element_type3A_320, %cond3A_321 : i32
          scf.if %cond3A_322 {
            %dma_wait3A_810 = arith.constant 0 : i32
            %dma_wait3A_811 = arith.constant 0 : i32
            %dma_wait3A_812 = arith.constant 0 : i32
            %dma_wait3A_813 = tpu.memref_slice %arg5[%dma_wait3A_810, %dma_wait3A_811, %dma_wait3A_812] : memref<200x32x16384xf32, #tpu.memory_space<hbm>> -> memref<1x8x2048xf32, #tpu.memory_space<hbm>>
            %dma_wait3A_814 = tpu.memref_squeeze %dma_wait3A_813 : memref<1x8x2048xf32, #tpu.memory_space<hbm>> -> memref<8x2048xf32, #tpu.memory_space<hbm>>
            %dma_wait3A_815 = arith.constant 0 : i32
            %dma_wait3A_816 = arith.constant 0 : i32
            %dma_wait3A_817 = tpu.memref_slice %arg5[%dma_wait3A_810, %dma_wait3A_815, %dma_wait3A_816] : memref<200x32x16384xf32, #tpu.memory_space<hbm>> -> memref<1x8x2048xf32, #tpu.memory_space<hbm>>
            %dma_wait3A_818 = tpu.memref_squeeze %dma_wait3A_817 : memref<1x8x2048xf32, #tpu.memory_space<hbm>> -> memref<8x2048xf32, #tpu.memory_space<hbm>>
            tpu.wait_dma2 semaphore(%arg35 : memref<!tpu.dma_semaphore, #tpu.memory_space<semaphore_mem>>) src(%arg16 : memref<8x2048xf32, #tpu.memory_space<vmem>>) dst(%dma_wait3A_818 : memref<8x2048xf32, #tpu.memory_space<hbm>>)
          } else {
          }
          %add3A_323 = arith.constant 1 : i32
          %add3A_324 = arith.addi %add3A_318, %add3A_323 : i32
          %jit3A_325 = arith.constant 4 : i32
          %div3A_326 = arith.divsi %add3A_324, %jit3A_325 : i32
          %sign3A_327 = arith.constant 0 : i32
          %sign3A_328 = arith.cmpi sgt, %add3A_324, %sign3A_327 : i32
          %sign3A_329 = arith.extui %sign3A_328 : i1 to i32
          %sign3A_330 = arith.constant 0 : i32
          %sign3A_331 = arith.cmpi slt, %add3A_324, %sign3A_330 : i32
          %sign3A_332 = arith.extui %sign3A_331 : i1 to i32
          %sign3A_333 = arith.subi %sign3A_329, %sign3A_332 : i32
          %sign3A_334 = arith.constant 0 : i32
          %sign3A_335 = arith.cmpi sgt, %jit3A_325, %sign3A_334 : i32
          %sign3A_336 = arith.extui %sign3A_335 : i1 to i32
          %sign3A_337 = arith.constant 0 : i32
          %sign3A_338 = arith.cmpi slt, %jit3A_325, %sign3A_337 : i32
          %sign3A_339 = arith.extui %sign3A_338 : i1 to i32
          %sign3A_340 = arith.subi %sign3A_336, %sign3A_339 : i32
          %ne3A_341 = arith.cmpi ne, %sign3A_333, %sign3A_340 : i32
          %rem3A_342 = arith.remsi %add3A_324, %jit3A_325 : i32
          %ne3A_343 = arith.constant 0 : i32
          %ne3A_344 = arith.cmpi ne, %rem3A_342, %ne3A_343 : i32
          %and3A_345 = arith.andi %ne3A_341, %ne3A_344 : i1
          %sub3A_346 = arith.constant 1 : i32
          %sub3A_347 = arith.subi %div3A_326, %sub3A_346 : i32
          %select_n3A_348 = arith.select %and3A_345, %sub3A_347, %div3A_326 : i32
          %jit3A_349 = arith.constant 4 : i32
          %eq3A_350 = arith.constant 0 : i32
          %eq3A_351 = arith.cmpi eq, %jit3A_349, %eq3A_350 : i32
          %jit3A_352 = arith.constant 1 : i32
          %select_n3A_353 = arith.select %eq3A_351, %jit3A_352, %jit3A_349 : i32
          %rem3A_354 = arith.remsi %add3A_324, %select_n3A_353 : i32
          %ne3A_355 = arith.constant 0 : i32
          %ne3A_356 = arith.cmpi ne, %rem3A_354, %ne3A_355 : i32
          %lt3A_357 = arith.constant 0 : i32
          %lt3A_358 = arith.cmpi slt, %rem3A_354, %lt3A_357 : i32
          %lt3A_359 = arith.constant 0 : i32
          %lt3A_360 = arith.cmpi slt, %select_n3A_353, %lt3A_359 : i32
          %ne3A_361 = arith.xori %lt3A_358, %lt3A_360 : i1
          %and3A_362 = arith.andi %ne3A_361, %ne3A_356 : i1
          %add3A_363 = arith.addi %rem3A_354, %select_n3A_353 : i32
          %select_n3A_364 = arith.select %and3A_362, %add3A_363, %rem3A_354 : i32
          %mul3A_365 = arith.constant 4 : i32
          %mul3A_366 = arith.muli %arg0, %mul3A_365 : i32
          %add3A_367 = arith.addi %select_n3A_364, %mul3A_366 : i32
          %mul3A_368 = arith.constant 2048 : i32
          %mul3A_369 = arith.muli %add3A_367, %mul3A_368 : i32
          %mul3A_370 = arith.constant 8 : i32
          %mul3A_371 = arith.muli %select_n3A_89, %mul3A_370 : i32
          %add3A_372 = arith.constant 0 : i32
          %add3A_373 = arith.addi %mul3A_371, %add3A_372 : i32
          %mul3A_374 = arith.constant 200 : i32
          %mul3A_375 = arith.muli %add3A_373, %mul3A_374 : i32
          %add3A_376 = arith.addi %mul3A_375, %select_n3A_348 : i32
          %mul3A_377 = arith.constant 16384 : i32
          %mul3A_378 = arith.muli %add3A_376, %mul3A_377 : i32
          %add3A_379 = arith.addi %mul3A_378, %mul3A_369 : i32
          %dma_start3A_380 = arith.constant 0 : i32
          %dma_start3A_381 = arith.constant 0 : i32
          %dma_start3A_382 = tpu.memref_slice %arg16[%dma_start3A_380, %dma_start3A_381] : memref<8x2048xf32, #tpu.memory_space<vmem>> -> memref<1x2048xf32, #tpu.memory_space<vmem>>
          %dma_start3A_383 = tpu.memref_squeeze %dma_start3A_382 : memref<1x2048xf32, #tpu.memory_space<vmem>> -> memref<2048xf32, #tpu.memory_space<vmem>>
          %dma_start3A_384 = tpu.memref_slice %arg6[%add3A_379] : memref<104857600xf32, #tpu.memory_space<hbm>> -> memref<2048xf32, #tpu.memory_space<hbm>>
          %dma_start3A_385 = arith.constant 0 : i32
          %dma_start3A_386 = tpu.memref_slice %arg16[%dma_start3A_380, %dma_start3A_385] : memref<8x2048xf32, #tpu.memory_space<vmem>> -> memref<1x2048xf32, #tpu.memory_space<vmem>>
          %dma_start3A_387 = tpu.memref_squeeze %dma_start3A_386 : memref<1x2048xf32, #tpu.memory_space<vmem>> -> memref<2048xf32, #tpu.memory_space<vmem>>
          %dma_start3A_388 = tpu.memref_slice %arg6[%add3A_379] : memref<104857600xf32, #tpu.memory_space<hbm>> -> memref<2048xf32, #tpu.memory_space<hbm>>
          tpu.enqueue_dma source(%dma_start3A_388 : memref<2048xf32, #tpu.memory_space<hbm>>) target(%dma_start3A_387 : memref<2048xf32, #tpu.memory_space<vmem>>) target_semaphore(%arg33 : memref<!tpu.dma_semaphore, #tpu.memory_space<semaphore_mem>>)
          %mul3A_389 = arith.constant 8 : i32
          %mul3A_390 = arith.muli %select_n3A_89, %mul3A_389 : i32
          %add3A_391 = arith.constant 1 : i32
          %add3A_392 = arith.addi %mul3A_390, %add3A_391 : i32
          %mul3A_393 = arith.constant 200 : i32
          %mul3A_394 = arith.muli %add3A_392, %mul3A_393 : i32
          %add3A_395 = arith.addi %mul3A_394, %select_n3A_348 : i32
          %mul3A_396 = arith.constant 16384 : i32
          %mul3A_397 = arith.muli %add3A_395, %mul3A_396 : i32
          %add3A_398 = arith.addi %mul3A_397, %mul3A_369 : i32
          %dma_start3A_399 = arith.constant 1 : i32
          %dma_start3A_400 = arith.constant 0 : i32
          %dma_start3A_401 = tpu.memref_slice %arg16[%dma_start3A_399, %dma_start3A_400] : memref<8x2048xf32, #tpu.memory_space<vmem>> -> memref<1x2048xf32, #tpu.memory_space<vmem>>
          %dma_start3A_402 = tpu.memref_squeeze %dma_start3A_401 : memref<1x2048xf32, #tpu.memory_space<vmem>> -> memref<2048xf32, #tpu.memory_space<vmem>>
          %dma_start3A_403 = tpu.memref_slice %arg6[%add3A_398] : memref<104857600xf32, #tpu.memory_space<hbm>> -> memref<2048xf32, #tpu.memory_space<hbm>>
          %dma_start3A_404 = arith.constant 0 : i32
          %dma_start3A_405 = tpu.memref_slice %arg16[%dma_start3A_399, %dma_start3A_404] : memref<8x2048xf32, #tpu.memory_space<vmem>> -> memref<1x2048xf32, #tpu.memory_space<vmem>>
          %dma_start3A_406 = tpu.memref_squeeze %dma_start3A_405 : memref<1x2048xf32, #tpu.memory_space<vmem>> -> memref<2048xf32, #tpu.memory_space<vmem>>
          %dma_start3A_407 = tpu.memref_slice %arg6[%add3A_398] : memref<104857600xf32, #tpu.memory_space<hbm>> -> memref<2048xf32, #tpu.memory_space<hbm>>
          tpu.enqueue_dma source(%dma_start3A_407 : memref<2048xf32, #tpu.memory_space<hbm>>) target(%dma_start3A_406 : memref<2048xf32, #tpu.memory_space<vmem>>) target_semaphore(%arg33 : memref<!tpu.dma_semaphore, #tpu.memory_space<semaphore_mem>>)
          %mul3A_408 = arith.constant 8 : i32
          %mul3A_409 = arith.muli %select_n3A_89, %mul3A_408 : i32
          %add3A_410 = arith.constant 2 : i32
          %add3A_411 = arith.addi %mul3A_409, %add3A_410 : i32
          %mul3A_412 = arith.constant 200 : i32
          %mul3A_413 = arith.muli %add3A_411, %mul3A_412 : i32
          %add3A_414 = arith.addi %mul3A_413, %select_n3A_348 : i32
          %mul3A_415 = arith.constant 16384 : i32
          %mul3A_416 = arith.muli %add3A_414, %mul3A_415 : i32
          %add3A_417 = arith.addi %mul3A_416, %mul3A_369 : i32
          %dma_start3A_418 = arith.constant 2 : i32
          %dma_start3A_419 = arith.constant 0 : i32
          %dma_start3A_420 = tpu.memref_slice %arg16[%dma_start3A_418, %dma_start3A_419] : memref<8x2048xf32, #tpu.memory_space<vmem>> -> memref<1x2048xf32, #tpu.memory_space<vmem>>
          %dma_start3A_421 = tpu.memref_squeeze %dma_start3A_420 : memref<1x2048xf32, #tpu.memory_space<vmem>> -> memref<2048xf32, #tpu.memory_space<vmem>>
          %dma_start3A_422 = tpu.memref_slice %arg6[%add3A_417] : memref<104857600xf32, #tpu.memory_space<hbm>> -> memref<2048xf32, #tpu.memory_space<hbm>>
          %dma_start3A_423 = arith.constant 0 : i32
          %dma_start3A_424 = tpu.memref_slice %arg16[%dma_start3A_418, %dma_start3A_423] : memref<8x2048xf32, #tpu.memory_space<vmem>> -> memref<1x2048xf32, #tpu.memory_space<vmem>>
          %dma_start3A_425 = tpu.memref_squeeze %dma_start3A_424 : memref<1x2048xf32, #tpu.memory_space<vmem>> -> memref<2048xf32, #tpu.memory_space<vmem>>
          %dma_start3A_426 = tpu.memref_slice %arg6[%add3A_417] : memref<104857600xf32, #tpu.memory_space<hbm>> -> memref<2048xf32, #tpu.memory_space<hbm>>
          tpu.enqueue_dma source(%dma_start3A_426 : memref<2048xf32, #tpu.memory_space<hbm>>) target(%dma_start3A_425 : memref<2048xf32, #tpu.memory_space<vmem>>) target_semaphore(%arg33 : memref<!tpu.dma_semaphore, #tpu.memory_space<semaphore_mem>>)
          %mul3A_427 = arith.constant 8 : i32
          %mul3A_428 = arith.muli %select_n3A_89, %mul3A_427 : i32
          %add3A_429 = arith.constant 3 : i32
          %add3A_430 = arith.addi %mul3A_428, %add3A_429 : i32
          %mul3A_431 = arith.constant 200 : i32
          %mul3A_432 = arith.muli %add3A_430, %mul3A_431 : i32
          %add3A_433 = arith.addi %mul3A_432, %select_n3A_348 : i32
          %mul3A_434 = arith.constant 16384 : i32
          %mul3A_435 = arith.muli %add3A_433, %mul3A_434 : i32
          %add3A_436 = arith.addi %mul3A_435, %mul3A_369 : i32
          %dma_start3A_437 = arith.constant 3 : i32
          %dma_start3A_438 = arith.constant 0 : i32
          %dma_start3A_439 = tpu.memref_slice %arg16[%dma_start3A_437, %dma_start3A_438] : memref<8x2048xf32, #tpu.memory_space<vmem>> -> memref<1x2048xf32, #tpu.memory_space<vmem>>
          %dma_start3A_440 = tpu.memref_squeeze %dma_start3A_439 : memref<1x2048xf32, #tpu.memory_space<vmem>> -> memref<2048xf32, #tpu.memory_space<vmem>>
          %dma_start3A_441 = tpu.memref_slice %arg6[%add3A_436] : memref<104857600xf32, #tpu.memory_space<hbm>> -> memref<2048xf32, #tpu.memory_space<hbm>>
          %dma_start3A_442 = arith.constant 0 : i32
          %dma_start3A_443 = tpu.memref_slice %arg16[%dma_start3A_437, %dma_start3A_442] : memref<8x2048xf32, #tpu.memory_space<vmem>> -> memref<1x2048xf32, #tpu.memory_space<vmem>>
          %dma_start3A_444 = tpu.memref_squeeze %dma_start3A_443 : memref<1x2048xf32, #tpu.memory_space<vmem>> -> memref<2048xf32, #tpu.memory_space<vmem>>
          %dma_start3A_445 = tpu.memref_slice %arg6[%add3A_436] : memref<104857600xf32, #tpu.memory_space<hbm>> -> memref<2048xf32, #tpu.memory_space<hbm>>
          tpu.enqueue_dma source(%dma_start3A_445 : memref<2048xf32, #tpu.memory_space<hbm>>) target(%dma_start3A_444 : memref<2048xf32, #tpu.memory_space<vmem>>) target_semaphore(%arg33 : memref<!tpu.dma_semaphore, #tpu.memory_space<semaphore_mem>>)
          %mul3A_446 = arith.constant 8 : i32
          %mul3A_447 = arith.muli %select_n3A_89, %mul3A_446 : i32
          %add3A_448 = arith.constant 4 : i32
          %add3A_449 = arith.addi %mul3A_447, %add3A_448 : i32
          %mul3A_450 = arith.constant 200 : i32
          %mul3A_451 = arith.muli %add3A_449, %mul3A_450 : i32
          %add3A_452 = arith.addi %mul3A_451, %select_n3A_348 : i32
          %mul3A_453 = arith.constant 16384 : i32
          %mul3A_454 = arith.muli %add3A_452, %mul3A_453 : i32
          %add3A_455 = arith.addi %mul3A_454, %mul3A_369 : i32
          %dma_start3A_456 = arith.constant 4 : i32
          %dma_start3A_457 = arith.constant 0 : i32
          %dma_start3A_458 = tpu.memref_slice %arg16[%dma_start3A_456, %dma_start3A_457] : memref<8x2048xf32, #tpu.memory_space<vmem>> -> memref<1x2048xf32, #tpu.memory_space<vmem>>
          %dma_start3A_459 = tpu.memref_squeeze %dma_start3A_458 : memref<1x2048xf32, #tpu.memory_space<vmem>> -> memref<2048xf32, #tpu.memory_space<vmem>>
          %dma_start3A_460 = tpu.memref_slice %arg6[%add3A_455] : memref<104857600xf32, #tpu.memory_space<hbm>> -> memref<2048xf32, #tpu.memory_space<hbm>>
          %dma_start3A_461 = arith.constant 0 : i32
          %dma_start3A_462 = tpu.memref_slice %arg16[%dma_start3A_456, %dma_start3A_461] : memref<8x2048xf32, #tpu.memory_space<vmem>> -> memref<1x2048xf32, #tpu.memory_space<vmem>>
          %dma_start3A_463 = tpu.memref_squeeze %dma_start3A_462 : memref<1x2048xf32, #tpu.memory_space<vmem>> -> memref<2048xf32, #tpu.memory_space<vmem>>
          %dma_start3A_464 = tpu.memref_slice %arg6[%add3A_455] : memref<104857600xf32, #tpu.memory_space<hbm>> -> memref<2048xf32, #tpu.memory_space<hbm>>
          tpu.enqueue_dma source(%dma_start3A_464 : memref<2048xf32, #tpu.memory_space<hbm>>) target(%dma_start3A_463 : memref<2048xf32, #tpu.memory_space<vmem>>) target_semaphore(%arg33 : memref<!tpu.dma_semaphore, #tpu.memory_space<semaphore_mem>>)
          %mul3A_465 = arith.constant 8 : i32
          %mul3A_466 = arith.muli %select_n3A_89, %mul3A_465 : i32
          %add3A_467 = arith.constant 5 : i32
          %add3A_468 = arith.addi %mul3A_466, %add3A_467 : i32
          %mul3A_469 = arith.constant 200 : i32
          %mul3A_470 = arith.muli %add3A_468, %mul3A_469 : i32
          %add3A_471 = arith.addi %mul3A_470, %select_n3A_348 : i32
          %mul3A_472 = arith.constant 16384 : i32
          %mul3A_473 = arith.muli %add3A_471, %mul3A_472 : i32
          %add3A_474 = arith.addi %mul3A_473, %mul3A_369 : i32
          %dma_start3A_475 = arith.constant 5 : i32
          %dma_start3A_476 = arith.constant 0 : i32
          %dma_start3A_477 = tpu.memref_slice %arg16[%dma_start3A_475, %dma_start3A_476] : memref<8x2048xf32, #tpu.memory_space<vmem>> -> memref<1x2048xf32, #tpu.memory_space<vmem>>
          %dma_start3A_478 = tpu.memref_squeeze %dma_start3A_477 : memref<1x2048xf32, #tpu.memory_space<vmem>> -> memref<2048xf32, #tpu.memory_space<vmem>>
          %dma_start3A_479 = tpu.memref_slice %arg6[%add3A_474] : memref<104857600xf32, #tpu.memory_space<hbm>> -> memref<2048xf32, #tpu.memory_space<hbm>>
          %dma_start3A_480 = arith.constant 0 : i32
          %dma_start3A_481 = tpu.memref_slice %arg16[%dma_start3A_475, %dma_start3A_480] : memref<8x2048xf32, #tpu.memory_space<vmem>> -> memref<1x2048xf32, #tpu.memory_space<vmem>>
          %dma_start3A_482 = tpu.memref_squeeze %dma_start3A_481 : memref<1x2048xf32, #tpu.memory_space<vmem>> -> memref<2048xf32, #tpu.memory_space<vmem>>
          %dma_start3A_483 = tpu.memref_slice %arg6[%add3A_474] : memref<104857600xf32, #tpu.memory_space<hbm>> -> memref<2048xf32, #tpu.memory_space<hbm>>
          tpu.enqueue_dma source(%dma_start3A_483 : memref<2048xf32, #tpu.memory_space<hbm>>) target(%dma_start3A_482 : memref<2048xf32, #tpu.memory_space<vmem>>) target_semaphore(%arg33 : memref<!tpu.dma_semaphore, #tpu.memory_space<semaphore_mem>>)
          %mul3A_484 = arith.constant 8 : i32
          %mul3A_485 = arith.muli %select_n3A_89, %mul3A_484 : i32
          %add3A_486 = arith.constant 6 : i32
          %add3A_487 = arith.addi %mul3A_485, %add3A_486 : i32
          %mul3A_488 = arith.constant 200 : i32
          %mul3A_489 = arith.muli %add3A_487, %mul3A_488 : i32
          %add3A_490 = arith.addi %mul3A_489, %select_n3A_348 : i32
          %mul3A_491 = arith.constant 16384 : i32
          %mul3A_492 = arith.muli %add3A_490, %mul3A_491 : i32
          %add3A_493 = arith.addi %mul3A_492, %mul3A_369 : i32
          %dma_start3A_494 = arith.constant 6 : i32
          %dma_start3A_495 = arith.constant 0 : i32
          %dma_start3A_496 = tpu.memref_slice %arg16[%dma_start3A_494, %dma_start3A_495] : memref<8x2048xf32, #tpu.memory_space<vmem>> -> memref<1x2048xf32, #tpu.memory_space<vmem>>
          %dma_start3A_497 = tpu.memref_squeeze %dma_start3A_496 : memref<1x2048xf32, #tpu.memory_space<vmem>> -> memref<2048xf32, #tpu.memory_space<vmem>>
          %dma_start3A_498 = tpu.memref_slice %arg6[%add3A_493] : memref<104857600xf32, #tpu.memory_space<hbm>> -> memref<2048xf32, #tpu.memory_space<hbm>>
          %dma_start3A_499 = arith.constant 0 : i32
          %dma_start3A_500 = tpu.memref_slice %arg16[%dma_start3A_494, %dma_start3A_499] : memref<8x2048xf32, #tpu.memory_space<vmem>> -> memref<1x2048xf32, #tpu.memory_space<vmem>>
          %dma_start3A_501 = tpu.memref_squeeze %dma_start3A_500 : memref<1x2048xf32, #tpu.memory_space<vmem>> -> memref<2048xf32, #tpu.memory_space<vmem>>
          %dma_start3A_502 = tpu.memref_slice %arg6[%add3A_493] : memref<104857600xf32, #tpu.memory_space<hbm>> -> memref<2048xf32, #tpu.memory_space<hbm>>
          tpu.enqueue_dma source(%dma_start3A_502 : memref<2048xf32, #tpu.memory_space<hbm>>) target(%dma_start3A_501 : memref<2048xf32, #tpu.memory_space<vmem>>) target_semaphore(%arg33 : memref<!tpu.dma_semaphore, #tpu.memory_space<semaphore_mem>>)
          %mul3A_503 = arith.constant 8 : i32
          %mul3A_504 = arith.muli %select_n3A_89, %mul3A_503 : i32
          %add3A_505 = arith.constant 7 : i32
          %add3A_506 = arith.addi %mul3A_504, %add3A_505 : i32
          %mul3A_507 = arith.constant 200 : i32
          %mul3A_508 = arith.muli %add3A_506, %mul3A_507 : i32
          %add3A_509 = arith.addi %mul3A_508, %select_n3A_348 : i32
          %mul3A_510 = arith.constant 16384 : i32
          %mul3A_511 = arith.muli %add3A_509, %mul3A_510 : i32
          %add3A_512 = arith.addi %mul3A_511, %mul3A_369 : i32
          %dma_start3A_513 = arith.constant 7 : i32
          %dma_start3A_514 = arith.constant 0 : i32
          %dma_start3A_515 = tpu.memref_slice %arg16[%dma_start3A_513, %dma_start3A_514] : memref<8x2048xf32, #tpu.memory_space<vmem>> -> memref<1x2048xf32, #tpu.memory_space<vmem>>
          %dma_start3A_516 = tpu.memref_squeeze %dma_start3A_515 : memref<1x2048xf32, #tpu.memory_space<vmem>> -> memref<2048xf32, #tpu.memory_space<vmem>>
          %dma_start3A_517 = tpu.memref_slice %arg6[%add3A_512] : memref<104857600xf32, #tpu.memory_space<hbm>> -> memref<2048xf32, #tpu.memory_space<hbm>>
          %dma_start3A_518 = arith.constant 0 : i32
          %dma_start3A_519 = tpu.memref_slice %arg16[%dma_start3A_513, %dma_start3A_518] : memref<8x2048xf32, #tpu.memory_space<vmem>> -> memref<1x2048xf32, #tpu.memory_space<vmem>>
          %dma_start3A_520 = tpu.memref_squeeze %dma_start3A_519 : memref<1x2048xf32, #tpu.memory_space<vmem>> -> memref<2048xf32, #tpu.memory_space<vmem>>
          %dma_start3A_521 = tpu.memref_slice %arg6[%add3A_512] : memref<104857600xf32, #tpu.memory_space<hbm>> -> memref<2048xf32, #tpu.memory_space<hbm>>
          tpu.enqueue_dma source(%dma_start3A_521 : memref<2048xf32, #tpu.memory_space<hbm>>) target(%dma_start3A_520 : memref<2048xf32, #tpu.memory_space<vmem>>) target_semaphore(%arg33 : memref<!tpu.dma_semaphore, #tpu.memory_space<semaphore_mem>>)
          %dma_wait3A_522 = arith.constant 0 : i32
          %dma_wait3A_523 = arith.constant 0 : i32
          %dma_wait3A_524 = tpu.memref_slice %arg15[%dma_wait3A_522, %dma_wait3A_523] : memref<8x2048xf32, #tpu.memory_space<vmem>> -> memref<1x2048xf32, #tpu.memory_space<vmem>>
          %dma_wait3A_525 = tpu.memref_squeeze %dma_wait3A_524 : memref<1x2048xf32, #tpu.memory_space<vmem>> -> memref<2048xf32, #tpu.memory_space<vmem>>
          %dma_wait3A_526 = arith.constant 0 : i32
          %dma_wait3A_527 = tpu.memref_slice %arg6[%dma_wait3A_526] : memref<104857600xf32, #tpu.memory_space<hbm>> -> memref<2048xf32, #tpu.memory_space<hbm>>
          %dma_wait3A_528 = arith.constant 0 : i32
          %dma_wait3A_529 = tpu.memref_slice %arg15[%dma_wait3A_522, %dma_wait3A_528] : memref<8x2048xf32, #tpu.memory_space<vmem>> -> memref<1x2048xf32, #tpu.memory_space<vmem>>
          %dma_wait3A_530 = tpu.memref_squeeze %dma_wait3A_529 : memref<1x2048xf32, #tpu.memory_space<vmem>> -> memref<2048xf32, #tpu.memory_space<vmem>>
          %dma_wait3A_531 = arith.constant 0 : i32
          %dma_wait3A_532 = tpu.memref_slice %arg6[%dma_wait3A_531] : memref<104857600xf32, #tpu.memory_space<hbm>> -> memref<2048xf32, #tpu.memory_space<hbm>>
          tpu.wait_dma2 semaphore(%arg32 : memref<!tpu.dma_semaphore, #tpu.memory_space<semaphore_mem>>) src(%dma_wait3A_532 : memref<2048xf32, #tpu.memory_space<hbm>>) dst(%dma_wait3A_530 : memref<2048xf32, #tpu.memory_space<vmem>>)
          %dma_wait3A_533 = arith.constant 1 : i32
          %dma_wait3A_534 = arith.constant 0 : i32
          %dma_wait3A_535 = tpu.memref_slice %arg15[%dma_wait3A_533, %dma_wait3A_534] : memref<8x2048xf32, #tpu.memory_space<vmem>> -> memref<1x2048xf32, #tpu.memory_space<vmem>>
          %dma_wait3A_536 = tpu.memref_squeeze %dma_wait3A_535 : memref<1x2048xf32, #tpu.memory_space<vmem>> -> memref<2048xf32, #tpu.memory_space<vmem>>
          %dma_wait3A_537 = arith.constant 0 : i32
          %dma_wait3A_538 = tpu.memref_slice %arg6[%dma_wait3A_537] : memref<104857600xf32, #tpu.memory_space<hbm>> -> memref<2048xf32, #tpu.memory_space<hbm>>
          %dma_wait3A_539 = arith.constant 0 : i32
          %dma_wait3A_540 = tpu.memref_slice %arg15[%dma_wait3A_533, %dma_wait3A_539] : memref<8x2048xf32, #tpu.memory_space<vmem>> -> memref<1x2048xf32, #tpu.memory_space<vmem>>
          %dma_wait3A_541 = tpu.memref_squeeze %dma_wait3A_540 : memref<1x2048xf32, #tpu.memory_space<vmem>> -> memref<2048xf32, #tpu.memory_space<vmem>>
          %dma_wait3A_542 = arith.constant 0 : i32
          %dma_wait3A_543 = tpu.memref_slice %arg6[%dma_wait3A_542] : memref<104857600xf32, #tpu.memory_space<hbm>> -> memref<2048xf32, #tpu.memory_space<hbm>>
          tpu.wait_dma2 semaphore(%arg32 : memref<!tpu.dma_semaphore, #tpu.memory_space<semaphore_mem>>) src(%dma_wait3A_543 : memref<2048xf32, #tpu.memory_space<hbm>>) dst(%dma_wait3A_541 : memref<2048xf32, #tpu.memory_space<vmem>>)
          %dma_wait3A_544 = arith.constant 2 : i32
          %dma_wait3A_545 = arith.constant 0 : i32
          %dma_wait3A_546 = tpu.memref_slice %arg15[%dma_wait3A_544, %dma_wait3A_545] : memref<8x2048xf32, #tpu.memory_space<vmem>> -> memref<1x2048xf32, #tpu.memory_space<vmem>>
          %dma_wait3A_547 = tpu.memref_squeeze %dma_wait3A_546 : memref<1x2048xf32, #tpu.memory_space<vmem>> -> memref<2048xf32, #tpu.memory_space<vmem>>
          %dma_wait3A_548 = arith.constant 0 : i32
          %dma_wait3A_549 = tpu.memref_slice %arg6[%dma_wait3A_548] : memref<104857600xf32, #tpu.memory_space<hbm>> -> memref<2048xf32, #tpu.memory_space<hbm>>
          %dma_wait3A_550 = arith.constant 0 : i32
          %dma_wait3A_551 = tpu.memref_slice %arg15[%dma_wait3A_544, %dma_wait3A_550] : memref<8x2048xf32, #tpu.memory_space<vmem>> -> memref<1x2048xf32, #tpu.memory_space<vmem>>
          %dma_wait3A_552 = tpu.memref_squeeze %dma_wait3A_551 : memref<1x2048xf32, #tpu.memory_space<vmem>> -> memref<2048xf32, #tpu.memory_space<vmem>>
          %dma_wait3A_553 = arith.constant 0 : i32
          %dma_wait3A_554 = tpu.memref_slice %arg6[%dma_wait3A_553] : memref<104857600xf32, #tpu.memory_space<hbm>> -> memref<2048xf32, #tpu.memory_space<hbm>>
          tpu.wait_dma2 semaphore(%arg32 : memref<!tpu.dma_semaphore, #tpu.memory_space<semaphore_mem>>) src(%dma_wait3A_554 : memref<2048xf32, #tpu.memory_space<hbm>>) dst(%dma_wait3A_552 : memref<2048xf32, #tpu.memory_space<vmem>>)
          %dma_wait3A_555 = arith.constant 3 : i32
          %dma_wait3A_556 = arith.constant 0 : i32
          %dma_wait3A_557 = tpu.memref_slice %arg15[%dma_wait3A_555, %dma_wait3A_556] : memref<8x2048xf32, #tpu.memory_space<vmem>> -> memref<1x2048xf32, #tpu.memory_space<vmem>>
          %dma_wait3A_558 = tpu.memref_squeeze %dma_wait3A_557 : memref<1x2048xf32, #tpu.memory_space<vmem>> -> memref<2048xf32, #tpu.memory_space<vmem>>
          %dma_wait3A_559 = arith.constant 0 : i32
          %dma_wait3A_560 = tpu.memref_slice %arg6[%dma_wait3A_559] : memref<104857600xf32, #tpu.memory_space<hbm>> -> memref<2048xf32, #tpu.memory_space<hbm>>
          %dma_wait3A_561 = arith.constant 0 : i32
          %dma_wait3A_562 = tpu.memref_slice %arg15[%dma_wait3A_555, %dma_wait3A_561] : memref<8x2048xf32, #tpu.memory_space<vmem>> -> memref<1x2048xf32, #tpu.memory_space<vmem>>
          %dma_wait3A_563 = tpu.memref_squeeze %dma_wait3A_562 : memref<1x2048xf32, #tpu.memory_space<vmem>> -> memref<2048xf32, #tpu.memory_space<vmem>>
          %dma_wait3A_564 = arith.constant 0 : i32
          %dma_wait3A_565 = tpu.memref_slice %arg6[%dma_wait3A_564] : memref<104857600xf32, #tpu.memory_space<hbm>> -> memref<2048xf32, #tpu.memory_space<hbm>>
          tpu.wait_dma2 semaphore(%arg32 : memref<!tpu.dma_semaphore, #tpu.memory_space<semaphore_mem>>) src(%dma_wait3A_565 : memref<2048xf32, #tpu.memory_space<hbm>>) dst(%dma_wait3A_563 : memref<2048xf32, #tpu.memory_space<vmem>>)
          %dma_wait3A_566 = arith.constant 4 : i32
          %dma_wait3A_567 = arith.constant 0 : i32
          %dma_wait3A_568 = tpu.memref_slice %arg15[%dma_wait3A_566, %dma_wait3A_567] : memref<8x2048xf32, #tpu.memory_space<vmem>> -> memref<1x2048xf32, #tpu.memory_space<vmem>>
          %dma_wait3A_569 = tpu.memref_squeeze %dma_wait3A_568 : memref<1x2048xf32, #tpu.memory_space<vmem>> -> memref<2048xf32, #tpu.memory_space<vmem>>
          %dma_wait3A_570 = arith.constant 0 : i32
          %dma_wait3A_571 = tpu.memref_slice %arg6[%dma_wait3A_570] : memref<104857600xf32, #tpu.memory_space<hbm>> -> memref<2048xf32, #tpu.memory_space<hbm>>
          %dma_wait3A_572 = arith.constant 0 : i32
          %dma_wait3A_573 = tpu.memref_slice %arg15[%dma_wait3A_566, %dma_wait3A_572] : memref<8x2048xf32, #tpu.memory_space<vmem>> -> memref<1x2048xf32, #tpu.memory_space<vmem>>
          %dma_wait3A_574 = tpu.memref_squeeze %dma_wait3A_573 : memref<1x2048xf32, #tpu.memory_space<vmem>> -> memref<2048xf32, #tpu.memory_space<vmem>>
          %dma_wait3A_575 = arith.constant 0 : i32
          %dma_wait3A_576 = tpu.memref_slice %arg6[%dma_wait3A_575] : memref<104857600xf32, #tpu.memory_space<hbm>> -> memref<2048xf32, #tpu.memory_space<hbm>>
          tpu.wait_dma2 semaphore(%arg32 : memref<!tpu.dma_semaphore, #tpu.memory_space<semaphore_mem>>) src(%dma_wait3A_576 : memref<2048xf32, #tpu.memory_space<hbm>>) dst(%dma_wait3A_574 : memref<2048xf32, #tpu.memory_space<vmem>>)
          %dma_wait3A_577 = arith.constant 5 : i32
          %dma_wait3A_578 = arith.constant 0 : i32
          %dma_wait3A_579 = tpu.memref_slice %arg15[%dma_wait3A_577, %dma_wait3A_578] : memref<8x2048xf32, #tpu.memory_space<vmem>> -> memref<1x2048xf32, #tpu.memory_space<vmem>>
          %dma_wait3A_580 = tpu.memref_squeeze %dma_wait3A_579 : memref<1x2048xf32, #tpu.memory_space<vmem>> -> memref<2048xf32, #tpu.memory_space<vmem>>
          %dma_wait3A_581 = arith.constant 0 : i32
          %dma_wait3A_582 = tpu.memref_slice %arg6[%dma_wait3A_581] : memref<104857600xf32, #tpu.memory_space<hbm>> -> memref<2048xf32, #tpu.memory_space<hbm>>
          %dma_wait3A_583 = arith.constant 0 : i32
          %dma_wait3A_584 = tpu.memref_slice %arg15[%dma_wait3A_577, %dma_wait3A_583] : memref<8x2048xf32, #tpu.memory_space<vmem>> -> memref<1x2048xf32, #tpu.memory_space<vmem>>
          %dma_wait3A_585 = tpu.memref_squeeze %dma_wait3A_584 : memref<1x2048xf32, #tpu.memory_space<vmem>> -> memref<2048xf32, #tpu.memory_space<vmem>>
          %dma_wait3A_586 = arith.constant 0 : i32
          %dma_wait3A_587 = tpu.memref_slice %arg6[%dma_wait3A_586] : memref<104857600xf32, #tpu.memory_space<hbm>> -> memref<2048xf32, #tpu.memory_space<hbm>>
          tpu.wait_dma2 semaphore(%arg32 : memref<!tpu.dma_semaphore, #tpu.memory_space<semaphore_mem>>) src(%dma_wait3A_587 : memref<2048xf32, #tpu.memory_space<hbm>>) dst(%dma_wait3A_585 : memref<2048xf32, #tpu.memory_space<vmem>>)
          %dma_wait3A_588 = arith.constant 6 : i32
          %dma_wait3A_589 = arith.constant 0 : i32
          %dma_wait3A_590 = tpu.memref_slice %arg15[%dma_wait3A_588, %dma_wait3A_589] : memref<8x2048xf32, #tpu.memory_space<vmem>> -> memref<1x2048xf32, #tpu.memory_space<vmem>>
          %dma_wait3A_591 = tpu.memref_squeeze %dma_wait3A_590 : memref<1x2048xf32, #tpu.memory_space<vmem>> -> memref<2048xf32, #tpu.memory_space<vmem>>
          %dma_wait3A_592 = arith.constant 0 : i32
          %dma_wait3A_593 = tpu.memref_slice %arg6[%dma_wait3A_592] : memref<104857600xf32, #tpu.memory_space<hbm>> -> memref<2048xf32, #tpu.memory_space<hbm>>
          %dma_wait3A_594 = arith.constant 0 : i32
          %dma_wait3A_595 = tpu.memref_slice %arg15[%dma_wait3A_588, %dma_wait3A_594] : memref<8x2048xf32, #tpu.memory_space<vmem>> -> memref<1x2048xf32, #tpu.memory_space<vmem>>
          %dma_wait3A_596 = tpu.memref_squeeze %dma_wait3A_595 : memref<1x2048xf32, #tpu.memory_space<vmem>> -> memref<2048xf32, #tpu.memory_space<vmem>>
          %dma_wait3A_597 = arith.constant 0 : i32
          %dma_wait3A_598 = tpu.memref_slice %arg6[%dma_wait3A_597] : memref<104857600xf32, #tpu.memory_space<hbm>> -> memref<2048xf32, #tpu.memory_space<hbm>>
          tpu.wait_dma2 semaphore(%arg32 : memref<!tpu.dma_semaphore, #tpu.memory_space<semaphore_mem>>) src(%dma_wait3A_598 : memref<2048xf32, #tpu.memory_space<hbm>>) dst(%dma_wait3A_596 : memref<2048xf32, #tpu.memory_space<vmem>>)
          %dma_wait3A_599 = arith.constant 7 : i32
          %dma_wait3A_600 = arith.constant 0 : i32
          %dma_wait3A_601 = tpu.memref_slice %arg15[%dma_wait3A_599, %dma_wait3A_600] : memref<8x2048xf32, #tpu.memory_space<vmem>> -> memref<1x2048xf32, #tpu.memory_space<vmem>>
          %dma_wait3A_602 = tpu.memref_squeeze %dma_wait3A_601 : memref<1x2048xf32, #tpu.memory_space<vmem>> -> memref<2048xf32, #tpu.memory_space<vmem>>
          %dma_wait3A_603 = arith.constant 0 : i32
          %dma_wait3A_604 = tpu.memref_slice %arg6[%dma_wait3A_603] : memref<104857600xf32, #tpu.memory_space<hbm>> -> memref<2048xf32, #tpu.memory_space<hbm>>
          %dma_wait3A_605 = arith.constant 0 : i32
          %dma_wait3A_606 = tpu.memref_slice %arg15[%dma_wait3A_599, %dma_wait3A_605] : memref<8x2048xf32, #tpu.memory_space<vmem>> -> memref<1x2048xf32, #tpu.memory_space<vmem>>
          %dma_wait3A_607 = tpu.memref_squeeze %dma_wait3A_606 : memref<1x2048xf32, #tpu.memory_space<vmem>> -> memref<2048xf32, #tpu.memory_space<vmem>>
          %dma_wait3A_608 = arith.constant 0 : i32
          %dma_wait3A_609 = tpu.memref_slice %arg6[%dma_wait3A_608] : memref<104857600xf32, #tpu.memory_space<hbm>> -> memref<2048xf32, #tpu.memory_space<hbm>>
          tpu.wait_dma2 semaphore(%arg32 : memref<!tpu.dma_semaphore, #tpu.memory_space<semaphore_mem>>) src(%dma_wait3A_609 : memref<2048xf32, #tpu.memory_space<hbm>>) dst(%dma_wait3A_607 : memref<2048xf32, #tpu.memory_space<vmem>>)
          %jit3A_610 = arith.constant 4 : i32
          %div3A_611 = arith.divsi %add3A_318, %jit3A_610 : i32
          %sign3A_612 = arith.constant 0 : i32
          %sign3A_613 = arith.cmpi sgt, %add3A_318, %sign3A_612 : i32
          %sign3A_614 = arith.extui %sign3A_613 : i1 to i32
          %sign3A_615 = arith.constant 0 : i32
          %sign3A_616 = arith.cmpi slt, %add3A_318, %sign3A_615 : i32
          %sign3A_617 = arith.extui %sign3A_616 : i1 to i32
          %sign3A_618 = arith.subi %sign3A_614, %sign3A_617 : i32
          %sign3A_619 = arith.constant 0 : i32
          %sign3A_620 = arith.cmpi sgt, %jit3A_610, %sign3A_619 : i32
          %sign3A_621 = arith.extui %sign3A_620 : i1 to i32
          %sign3A_622 = arith.constant 0 : i32
          %sign3A_623 = arith.cmpi slt, %jit3A_610, %sign3A_622 : i32
          %sign3A_624 = arith.extui %sign3A_623 : i1 to i32
          %sign3A_625 = arith.subi %sign3A_621, %sign3A_624 : i32
          %ne3A_626 = arith.cmpi ne, %sign3A_618, %sign3A_625 : i32
          %rem3A_627 = arith.remsi %add3A_318, %jit3A_610 : i32
          %ne3A_628 = arith.constant 0 : i32
          %ne3A_629 = arith.cmpi ne, %rem3A_627, %ne3A_628 : i32
          %and3A_630 = arith.andi %ne3A_626, %ne3A_629 : i1
          %sub3A_631 = arith.constant 1 : i32
          %sub3A_632 = arith.subi %div3A_611, %sub3A_631 : i32
          %select_n3A_633 = arith.select %and3A_630, %sub3A_632, %div3A_611 : i32
          %jit3A_634 = arith.constant 4 : i32
          %eq3A_635 = arith.constant 0 : i32
          %eq3A_636 = arith.cmpi eq, %jit3A_634, %eq3A_635 : i32
          %jit3A_637 = arith.constant 1 : i32
          %select_n3A_638 = arith.select %eq3A_636, %jit3A_637, %jit3A_634 : i32
          %rem3A_639 = arith.remsi %add3A_318, %select_n3A_638 : i32
          %ne3A_640 = arith.constant 0 : i32
          %ne3A_641 = arith.cmpi ne, %rem3A_639, %ne3A_640 : i32
          %lt3A_642 = arith.constant 0 : i32
          %lt3A_643 = arith.cmpi slt, %rem3A_639, %lt3A_642 : i32
          %lt3A_644 = arith.constant 0 : i32
          %lt3A_645 = arith.cmpi slt, %select_n3A_638, %lt3A_644 : i32
          %ne3A_646 = arith.xori %lt3A_643, %lt3A_645 : i1
          %and3A_647 = arith.andi %ne3A_646, %ne3A_641 : i1
          %add3A_648 = arith.addi %rem3A_639, %select_n3A_638 : i32
          %select_n3A_649 = arith.select %and3A_647, %add3A_648, %rem3A_639 : i32
          %mul3A_650 = arith.constant 4 : i32
          %mul3A_651 = arith.muli %arg0, %mul3A_650 : i32
          %add3A_652 = arith.addi %select_n3A_649, %mul3A_651 : i32
          %mul3A_653 = arith.constant 2048 : i32
          %mul3A_654 = arith.muli %add3A_652, %mul3A_653 : i32
          %mul3A_655 = arith.constant 8 : i32
          %mul3A_656 = arith.muli %select_n3A_89, %mul3A_655 : i32
          %dma_start3A_657 = tpu.memref_slice %arg5[%select_n3A_633, %mul3A_656, %mul3A_654] : memref<200x32x16384xf32, #tpu.memory_space<hbm>> -> memref<1x8x2048xf32, #tpu.memory_space<hbm>>
          %dma_start3A_658 = tpu.memref_squeeze %dma_start3A_657 : memref<1x8x2048xf32, #tpu.memory_space<hbm>> -> memref<8x2048xf32, #tpu.memory_space<hbm>>
          %dma_start3A_659 = tpu.memref_slice %arg5[%select_n3A_633, %mul3A_656, %mul3A_654] : memref<200x32x16384xf32, #tpu.memory_space<hbm>> -> memref<1x8x2048xf32, #tpu.memory_space<hbm>>
          %dma_start3A_660 = tpu.memref_squeeze %dma_start3A_659 : memref<1x8x2048xf32, #tpu.memory_space<hbm>> -> memref<8x2048xf32, #tpu.memory_space<hbm>>
          tpu.enqueue_dma source(%arg15 : memref<8x2048xf32, #tpu.memory_space<vmem>>) target(%dma_start3A_660 : memref<8x2048xf32, #tpu.memory_space<hbm>>) target_semaphore(%arg34 : memref<!tpu.dma_semaphore, #tpu.memory_space<semaphore_mem>>)
          %mul3A_661 = arith.constant 2 : i32
          %mul3A_662 = arith.muli %scan3A_313, %mul3A_661 : i32
          %add3A_663 = arith.addi %mul3A_91, %mul3A_662 : i32
          %add3A_664 = arith.constant 1 : i32
          %add3A_665 = arith.addi %add3A_663, %add3A_664 : i32
          %lt3A_666 = arith.constant 24 : i32
          %lt3A_667 = arith.cmpi slt, %scan3A_313, %lt3A_666 : i32
          %convert_element_type3A_668 = arith.extui %lt3A_667 : i1 to i32
          %cond3A_669 = arith.constant 0 : i32
          %cond3A_670 = arith.cmpi ne, %convert_element_type3A_668, %cond3A_669 : i32
          scf.if %cond3A_670 {
            %dma_wait3A_810 = arith.constant 0 : i32
            %dma_wait3A_811 = arith.constant 0 : i32
            %dma_wait3A_812 = arith.constant 0 : i32
            %dma_wait3A_813 = tpu.memref_slice %arg5[%dma_wait3A_810, %dma_wait3A_811, %dma_wait3A_812] : memref<200x32x16384xf32, #tpu.memory_space<hbm>> -> memref<1x8x2048xf32, #tpu.memory_space<hbm>>
            %dma_wait3A_814 = tpu.memref_squeeze %dma_wait3A_813 : memref<1x8x2048xf32, #tpu.memory_space<hbm>> -> memref<8x2048xf32, #tpu.memory_space<hbm>>
            %dma_wait3A_815 = arith.constant 0 : i32
            %dma_wait3A_816 = arith.constant 0 : i32
            %dma_wait3A_817 = tpu.memref_slice %arg5[%dma_wait3A_810, %dma_wait3A_815, %dma_wait3A_816] : memref<200x32x16384xf32, #tpu.memory_space<hbm>> -> memref<1x8x2048xf32, #tpu.memory_space<hbm>>
            %dma_wait3A_818 = tpu.memref_squeeze %dma_wait3A_817 : memref<1x8x2048xf32, #tpu.memory_space<hbm>> -> memref<8x2048xf32, #tpu.memory_space<hbm>>
            tpu.wait_dma2 semaphore(%arg34 : memref<!tpu.dma_semaphore, #tpu.memory_space<semaphore_mem>>) src(%arg15 : memref<8x2048xf32, #tpu.memory_space<vmem>>) dst(%dma_wait3A_818 : memref<8x2048xf32, #tpu.memory_space<hbm>>)
            %add3A_819 = arith.constant 1 : i32
            %add3A_820 = arith.addi %add3A_665, %add3A_819 : i32
            %jit3A_821 = arith.constant 4 : i32
            %div3A_822 = arith.divsi %add3A_820, %jit3A_821 : i32
            %sign3A_823 = arith.constant 0 : i32
            %sign3A_824 = arith.cmpi sgt, %add3A_820, %sign3A_823 : i32
            %sign3A_825 = arith.extui %sign3A_824 : i1 to i32
            %sign3A_826 = arith.constant 0 : i32
            %sign3A_827 = arith.cmpi slt, %add3A_820, %sign3A_826 : i32
            %sign3A_828 = arith.extui %sign3A_827 : i1 to i32
            %sign3A_829 = arith.subi %sign3A_825, %sign3A_828 : i32
            %sign3A_830 = arith.constant 0 : i32
            %sign3A_831 = arith.cmpi sgt, %jit3A_821, %sign3A_830 : i32
            %sign3A_832 = arith.extui %sign3A_831 : i1 to i32
            %sign3A_833 = arith.constant 0 : i32
            %sign3A_834 = arith.cmpi slt, %jit3A_821, %sign3A_833 : i32
            %sign3A_835 = arith.extui %sign3A_834 : i1 to i32
            %sign3A_836 = arith.subi %sign3A_832, %sign3A_835 : i32
            %ne3A_837 = arith.cmpi ne, %sign3A_829, %sign3A_836 : i32
            %rem3A_838 = arith.remsi %add3A_820, %jit3A_821 : i32
            %ne3A_839 = arith.constant 0 : i32
            %ne3A_840 = arith.cmpi ne, %rem3A_838, %ne3A_839 : i32
            %and3A_841 = arith.andi %ne3A_837, %ne3A_840 : i1
            %sub3A_842 = arith.constant 1 : i32
            %sub3A_843 = arith.subi %div3A_822, %sub3A_842 : i32
            %select_n3A_844 = arith.select %and3A_841, %sub3A_843, %div3A_822 : i32
            %jit3A_845 = arith.constant 4 : i32
            %eq3A_846 = arith.constant 0 : i32
            %eq3A_847 = arith.cmpi eq, %jit3A_845, %eq3A_846 : i32
            %jit3A_848 = arith.constant 1 : i32
            %select_n3A_849 = arith.select %eq3A_847, %jit3A_848, %jit3A_845 : i32
            %rem3A_850 = arith.remsi %add3A_820, %select_n3A_849 : i32
            %ne3A_851 = arith.constant 0 : i32
            %ne3A_852 = arith.cmpi ne, %rem3A_850, %ne3A_851 : i32
            %lt3A_853 = arith.constant 0 : i32
            %lt3A_854 = arith.cmpi slt, %rem3A_850, %lt3A_853 : i32
            %lt3A_855 = arith.constant 0 : i32
            %lt3A_856 = arith.cmpi slt, %select_n3A_849, %lt3A_855 : i32
            %ne3A_857 = arith.xori %lt3A_854, %lt3A_856 : i1
            %and3A_858 = arith.andi %ne3A_857, %ne3A_852 : i1
            %add3A_859 = arith.addi %rem3A_850, %select_n3A_849 : i32
            %select_n3A_860 = arith.select %and3A_858, %add3A_859, %rem3A_850 : i32
            %mul3A_861 = arith.constant 4 : i32
            %mul3A_862 = arith.muli %arg0, %mul3A_861 : i32
            %add3A_863 = arith.addi %select_n3A_860, %mul3A_862 : i32
            %mul3A_864 = arith.constant 2048 : i32
            %mul3A_865 = arith.muli %add3A_863, %mul3A_864 : i32
            %mul3A_866 = arith.constant 8 : i32
            %mul3A_867 = arith.muli %select_n3A_89, %mul3A_866 : i32
            %add3A_868 = arith.constant 0 : i32
            %add3A_869 = arith.addi %mul3A_867, %add3A_868 : i32
            %mul3A_870 = arith.constant 200 : i32
            %mul3A_871 = arith.muli %add3A_869, %mul3A_870 : i32
            %add3A_872 = arith.addi %mul3A_871, %select_n3A_844 : i32
            %mul3A_873 = arith.constant 16384 : i32
            %mul3A_874 = arith.muli %add3A_872, %mul3A_873 : i32
            %add3A_875 = arith.addi %mul3A_874, %mul3A_865 : i32
            %dma_start3A_876 = arith.constant 0 : i32
            %dma_start3A_877 = arith.constant 0 : i32
            %dma_start3A_878 = tpu.memref_slice %arg15[%dma_start3A_876, %dma_start3A_877] : memref<8x2048xf32, #tpu.memory_space<vmem>> -> memref<1x2048xf32, #tpu.memory_space<vmem>>
            %dma_start3A_879 = tpu.memref_squeeze %dma_start3A_878 : memref<1x2048xf32, #tpu.memory_space<vmem>> -> memref<2048xf32, #tpu.memory_space<vmem>>
            %dma_start3A_880 = tpu.memref_slice %arg6[%add3A_875] : memref<104857600xf32, #tpu.memory_space<hbm>> -> memref<2048xf32, #tpu.memory_space<hbm>>
            %dma_start3A_881 = arith.constant 0 : i32
            %dma_start3A_882 = tpu.memref_slice %arg15[%dma_start3A_876, %dma_start3A_881] : memref<8x2048xf32, #tpu.memory_space<vmem>> -> memref<1x2048xf32, #tpu.memory_space<vmem>>
            %dma_start3A_883 = tpu.memref_squeeze %dma_start3A_882 : memref<1x2048xf32, #tpu.memory_space<vmem>> -> memref<2048xf32, #tpu.memory_space<vmem>>
            %dma_start3A_884 = tpu.memref_slice %arg6[%add3A_875] : memref<104857600xf32, #tpu.memory_space<hbm>> -> memref<2048xf32, #tpu.memory_space<hbm>>
            tpu.enqueue_dma source(%dma_start3A_884 : memref<2048xf32, #tpu.memory_space<hbm>>) target(%dma_start3A_883 : memref<2048xf32, #tpu.memory_space<vmem>>) target_semaphore(%arg32 : memref<!tpu.dma_semaphore, #tpu.memory_space<semaphore_mem>>)
            %mul3A_885 = arith.constant 8 : i32
            %mul3A_886 = arith.muli %select_n3A_89, %mul3A_885 : i32
            %add3A_887 = arith.constant 1 : i32
            %add3A_888 = arith.addi %mul3A_886, %add3A_887 : i32
            %mul3A_889 = arith.constant 200 : i32
            %mul3A_890 = arith.muli %add3A_888, %mul3A_889 : i32
            %add3A_891 = arith.addi %mul3A_890, %select_n3A_844 : i32
            %mul3A_892 = arith.constant 16384 : i32
            %mul3A_893 = arith.muli %add3A_891, %mul3A_892 : i32
            %add3A_894 = arith.addi %mul3A_893, %mul3A_865 : i32
            %dma_start3A_895 = arith.constant 1 : i32
            %dma_start3A_896 = arith.constant 0 : i32
            %dma_start3A_897 = tpu.memref_slice %arg15[%dma_start3A_895, %dma_start3A_896] : memref<8x2048xf32, #tpu.memory_space<vmem>> -> memref<1x2048xf32, #tpu.memory_space<vmem>>
            %dma_start3A_898 = tpu.memref_squeeze %dma_start3A_897 : memref<1x2048xf32, #tpu.memory_space<vmem>> -> memref<2048xf32, #tpu.memory_space<vmem>>
            %dma_start3A_899 = tpu.memref_slice %arg6[%add3A_894] : memref<104857600xf32, #tpu.memory_space<hbm>> -> memref<2048xf32, #tpu.memory_space<hbm>>
            %dma_start3A_900 = arith.constant 0 : i32
            %dma_start3A_901 = tpu.memref_slice %arg15[%dma_start3A_895, %dma_start3A_900] : memref<8x2048xf32, #tpu.memory_space<vmem>> -> memref<1x2048xf32, #tpu.memory_space<vmem>>
            %dma_start3A_902 = tpu.memref_squeeze %dma_start3A_901 : memref<1x2048xf32, #tpu.memory_space<vmem>> -> memref<2048xf32, #tpu.memory_space<vmem>>
            %dma_start3A_903 = tpu.memref_slice %arg6[%add3A_894] : memref<104857600xf32, #tpu.memory_space<hbm>> -> memref<2048xf32, #tpu.memory_space<hbm>>
            tpu.enqueue_dma source(%dma_start3A_903 : memref<2048xf32, #tpu.memory_space<hbm>>) target(%dma_start3A_902 : memref<2048xf32, #tpu.memory_space<vmem>>) target_semaphore(%arg32 : memref<!tpu.dma_semaphore, #tpu.memory_space<semaphore_mem>>)
            %mul3A_904 = arith.constant 8 : i32
            %mul3A_905 = arith.muli %select_n3A_89, %mul3A_904 : i32
            %add3A_906 = arith.constant 2 : i32
            %add3A_907 = arith.addi %mul3A_905, %add3A_906 : i32
            %mul3A_908 = arith.constant 200 : i32
            %mul3A_909 = arith.muli %add3A_907, %mul3A_908 : i32
            %add3A_910 = arith.addi %mul3A_909, %select_n3A_844 : i32
            %mul3A_911 = arith.constant 16384 : i32
            %mul3A_912 = arith.muli %add3A_910, %mul3A_911 : i32
            %add3A_913 = arith.addi %mul3A_912, %mul3A_865 : i32
            %dma_start3A_914 = arith.constant 2 : i32
            %dma_start3A_915 = arith.constant 0 : i32
            %dma_start3A_916 = tpu.memref_slice %arg15[%dma_start3A_914, %dma_start3A_915] : memref<8x2048xf32, #tpu.memory_space<vmem>> -> memref<1x2048xf32, #tpu.memory_space<vmem>>
            %dma_start3A_917 = tpu.memref_squeeze %dma_start3A_916 : memref<1x2048xf32, #tpu.memory_space<vmem>> -> memref<2048xf32, #tpu.memory_space<vmem>>
            %dma_start3A_918 = tpu.memref_slice %arg6[%add3A_913] : memref<104857600xf32, #tpu.memory_space<hbm>> -> memref<2048xf32, #tpu.memory_space<hbm>>
            %dma_start3A_919 = arith.constant 0 : i32
            %dma_start3A_920 = tpu.memref_slice %arg15[%dma_start3A_914, %dma_start3A_919] : memref<8x2048xf32, #tpu.memory_space<vmem>> -> memref<1x2048xf32, #tpu.memory_space<vmem>>
            %dma_start3A_921 = tpu.memref_squeeze %dma_start3A_920 : memref<1x2048xf32, #tpu.memory_space<vmem>> -> memref<2048xf32, #tpu.memory_space<vmem>>
            %dma_start3A_922 = tpu.memref_slice %arg6[%add3A_913] : memref<104857600xf32, #tpu.memory_space<hbm>> -> memref<2048xf32, #tpu.memory_space<hbm>>
            tpu.enqueue_dma source(%dma_start3A_922 : memref<2048xf32, #tpu.memory_space<hbm>>) target(%dma_start3A_921 : memref<2048xf32, #tpu.memory_space<vmem>>) target_semaphore(%arg32 : memref<!tpu.dma_semaphore, #tpu.memory_space<semaphore_mem>>)
            %mul3A_923 = arith.constant 8 : i32
            %mul3A_924 = arith.muli %select_n3A_89, %mul3A_923 : i32
            %add3A_925 = arith.constant 3 : i32
            %add3A_926 = arith.addi %mul3A_924, %add3A_925 : i32
            %mul3A_927 = arith.constant 200 : i32
            %mul3A_928 = arith.muli %add3A_926, %mul3A_927 : i32
            %add3A_929 = arith.addi %mul3A_928, %select_n3A_844 : i32
            %mul3A_930 = arith.constant 16384 : i32
            %mul3A_931 = arith.muli %add3A_929, %mul3A_930 : i32
            %add3A_932 = arith.addi %mul3A_931, %mul3A_865 : i32
            %dma_start3A_933 = arith.constant 3 : i32
            %dma_start3A_934 = arith.constant 0 : i32
            %dma_start3A_935 = tpu.memref_slice %arg15[%dma_start3A_933, %dma_start3A_934] : memref<8x2048xf32, #tpu.memory_space<vmem>> -> memref<1x2048xf32, #tpu.memory_space<vmem>>
            %dma_start3A_936 = tpu.memref_squeeze %dma_start3A_935 : memref<1x2048xf32, #tpu.memory_space<vmem>> -> memref<2048xf32, #tpu.memory_space<vmem>>
            %dma_start3A_937 = tpu.memref_slice %arg6[%add3A_932] : memref<104857600xf32, #tpu.memory_space<hbm>> -> memref<2048xf32, #tpu.memory_space<hbm>>
            %dma_start3A_938 = arith.constant 0 : i32
            %dma_start3A_939 = tpu.memref_slice %arg15[%dma_start3A_933, %dma_start3A_938] : memref<8x2048xf32, #tpu.memory_space<vmem>> -> memref<1x2048xf32, #tpu.memory_space<vmem>>
            %dma_start3A_940 = tpu.memref_squeeze %dma_start3A_939 : memref<1x2048xf32, #tpu.memory_space<vmem>> -> memref<2048xf32, #tpu.memory_space<vmem>>
            %dma_start3A_941 = tpu.memref_slice %arg6[%add3A_932] : memref<104857600xf32, #tpu.memory_space<hbm>> -> memref<2048xf32, #tpu.memory_space<hbm>>
            tpu.enqueue_dma source(%dma_start3A_941 : memref<2048xf32, #tpu.memory_space<hbm>>) target(%dma_start3A_940 : memref<2048xf32, #tpu.memory_space<vmem>>) target_semaphore(%arg32 : memref<!tpu.dma_semaphore, #tpu.memory_space<semaphore_mem>>)
            %mul3A_942 = arith.constant 8 : i32
            %mul3A_943 = arith.muli %select_n3A_89, %mul3A_942 : i32
            %add3A_944 = arith.constant 4 : i32
            %add3A_945 = arith.addi %mul3A_943, %add3A_944 : i32
            %mul3A_946 = arith.constant 200 : i32
            %mul3A_947 = arith.muli %add3A_945, %mul3A_946 : i32
            %add3A_948 = arith.addi %mul3A_947, %select_n3A_844 : i32
            %mul3A_949 = arith.constant 16384 : i32
            %mul3A_950 = arith.muli %add3A_948, %mul3A_949 : i32
            %add3A_951 = arith.addi %mul3A_950, %mul3A_865 : i32
            %dma_start3A_952 = arith.constant 4 : i32
            %dma_start3A_953 = arith.constant 0 : i32
            %dma_start3A_954 = tpu.memref_slice %arg15[%dma_start3A_952, %dma_start3A_953] : memref<8x2048xf32, #tpu.memory_space<vmem>> -> memref<1x2048xf32, #tpu.memory_space<vmem>>
            %dma_start3A_955 = tpu.memref_squeeze %dma_start3A_954 : memref<1x2048xf32, #tpu.memory_space<vmem>> -> memref<2048xf32, #tpu.memory_space<vmem>>
            %dma_start3A_956 = tpu.memref_slice %arg6[%add3A_951] : memref<104857600xf32, #tpu.memory_space<hbm>> -> memref<2048xf32, #tpu.memory_space<hbm>>
            %dma_start3A_957 = arith.constant 0 : i32
            %dma_start3A_958 = tpu.memref_slice %arg15[%dma_start3A_952, %dma_start3A_957] : memref<8x2048xf32, #tpu.memory_space<vmem>> -> memref<1x2048xf32, #tpu.memory_space<vmem>>
            %dma_start3A_959 = tpu.memref_squeeze %dma_start3A_958 : memref<1x2048xf32, #tpu.memory_space<vmem>> -> memref<2048xf32, #tpu.memory_space<vmem>>
            %dma_start3A_960 = tpu.memref_slice %arg6[%add3A_951] : memref<104857600xf32, #tpu.memory_space<hbm>> -> memref<2048xf32, #tpu.memory_space<hbm>>
            tpu.enqueue_dma source(%dma_start3A_960 : memref<2048xf32, #tpu.memory_space<hbm>>) target(%dma_start3A_959 : memref<2048xf32, #tpu.memory_space<vmem>>) target_semaphore(%arg32 : memref<!tpu.dma_semaphore, #tpu.memory_space<semaphore_mem>>)
            %mul3A_961 = arith.constant 8 : i32
            %mul3A_962 = arith.muli %select_n3A_89, %mul3A_961 : i32
            %add3A_963 = arith.constant 5 : i32
            %add3A_964 = arith.addi %mul3A_962, %add3A_963 : i32
            %mul3A_965 = arith.constant 200 : i32
            %mul3A_966 = arith.muli %add3A_964, %mul3A_965 : i32
            %add3A_967 = arith.addi %mul3A_966, %select_n3A_844 : i32
            %mul3A_968 = arith.constant 16384 : i32
            %mul3A_969 = arith.muli %add3A_967, %mul3A_968 : i32
            %add3A_970 = arith.addi %mul3A_969, %mul3A_865 : i32
            %dma_start3A_971 = arith.constant 5 : i32
            %dma_start3A_972 = arith.constant 0 : i32
            %dma_start3A_973 = tpu.memref_slice %arg15[%dma_start3A_971, %dma_start3A_972] : memref<8x2048xf32, #tpu.memory_space<vmem>> -> memref<1x2048xf32, #tpu.memory_space<vmem>>
            %dma_start3A_974 = tpu.memref_squeeze %dma_start3A_973 : memref<1x2048xf32, #tpu.memory_space<vmem>> -> memref<2048xf32, #tpu.memory_space<vmem>>
            %dma_start3A_975 = tpu.memref_slice %arg6[%add3A_970] : memref<104857600xf32, #tpu.memory_space<hbm>> -> memref<2048xf32, #tpu.memory_space<hbm>>
            %dma_start3A_976 = arith.constant 0 : i32
            %dma_start3A_977 = tpu.memref_slice %arg15[%dma_start3A_971, %dma_start3A_976] : memref<8x2048xf32, #tpu.memory_space<vmem>> -> memref<1x2048xf32, #tpu.memory_space<vmem>>
            %dma_start3A_978 = tpu.memref_squeeze %dma_start3A_977 : memref<1x2048xf32, #tpu.memory_space<vmem>> -> memref<2048xf32, #tpu.memory_space<vmem>>
            %dma_start3A_979 = tpu.memref_slice %arg6[%add3A_970] : memref<104857600xf32, #tpu.memory_space<hbm>> -> memref<2048xf32, #tpu.memory_space<hbm>>
            tpu.enqueue_dma source(%dma_start3A_979 : memref<2048xf32, #tpu.memory_space<hbm>>) target(%dma_start3A_978 : memref<2048xf32, #tpu.memory_space<vmem>>) target_semaphore(%arg32 : memref<!tpu.dma_semaphore, #tpu.memory_space<semaphore_mem>>)
            %mul3A_980 = arith.constant 8 : i32
            %mul3A_981 = arith.muli %select_n3A_89, %mul3A_980 : i32
            %add3A_982 = arith.constant 6 : i32
            %add3A_983 = arith.addi %mul3A_981, %add3A_982 : i32
            %mul3A_984 = arith.constant 200 : i32
            %mul3A_985 = arith.muli %add3A_983, %mul3A_984 : i32
            %add3A_986 = arith.addi %mul3A_985, %select_n3A_844 : i32
            %mul3A_987 = arith.constant 16384 : i32
            %mul3A_988 = arith.muli %add3A_986, %mul3A_987 : i32
            %add3A_989 = arith.addi %mul3A_988, %mul3A_865 : i32
            %dma_start3A_990 = arith.constant 6 : i32
            %dma_start3A_991 = arith.constant 0 : i32
            %dma_start3A_992 = tpu.memref_slice %arg15[%dma_start3A_990, %dma_start3A_991] : memref<8x2048xf32, #tpu.memory_space<vmem>> -> memref<1x2048xf32, #tpu.memory_space<vmem>>
            %dma_start3A_993 = tpu.memref_squeeze %dma_start3A_992 : memref<1x2048xf32, #tpu.memory_space<vmem>> -> memref<2048xf32, #tpu.memory_space<vmem>>
            %dma_start3A_994 = tpu.memref_slice %arg6[%add3A_989] : memref<104857600xf32, #tpu.memory_space<hbm>> -> memref<2048xf32, #tpu.memory_space<hbm>>
            %dma_start3A_995 = arith.constant 0 : i32
            %dma_start3A_996 = tpu.memref_slice %arg15[%dma_start3A_990, %dma_start3A_995] : memref<8x2048xf32, #tpu.memory_space<vmem>> -> memref<1x2048xf32, #tpu.memory_space<vmem>>
            %dma_start3A_997 = tpu.memref_squeeze %dma_start3A_996 : memref<1x2048xf32, #tpu.memory_space<vmem>> -> memref<2048xf32, #tpu.memory_space<vmem>>
            %dma_start3A_998 = tpu.memref_slice %arg6[%add3A_989] : memref<104857600xf32, #tpu.memory_space<hbm>> -> memref<2048xf32, #tpu.memory_space<hbm>>
            tpu.enqueue_dma source(%dma_start3A_998 : memref<2048xf32, #tpu.memory_space<hbm>>) target(%dma_start3A_997 : memref<2048xf32, #tpu.memory_space<vmem>>) target_semaphore(%arg32 : memref<!tpu.dma_semaphore, #tpu.memory_space<semaphore_mem>>)
            %mul3A_999 = arith.constant 8 : i32
            %mul3A_1000 = arith.muli %select_n3A_89, %mul3A_999 : i32
            %add3A_1001 = arith.constant 7 : i32
            %add3A_1002 = arith.addi %mul3A_1000, %add3A_1001 : i32
            %mul3A_1003 = arith.constant 200 : i32
            %mul3A_1004 = arith.muli %add3A_1002, %mul3A_1003 : i32
            %add3A_1005 = arith.addi %mul3A_1004, %select_n3A_844 : i32
            %mul3A_1006 = arith.constant 16384 : i32
            %mul3A_1007 = arith.muli %add3A_1005, %mul3A_1006 : i32
            %add3A_1008 = arith.addi %mul3A_1007, %mul3A_865 : i32
            %dma_start3A_1009 = arith.constant 7 : i32
            %dma_start3A_1010 = arith.constant 0 : i32
            %dma_start3A_1011 = tpu.memref_slice %arg15[%dma_start3A_1009, %dma_start3A_1010] : memref<8x2048xf32, #tpu.memory_space<vmem>> -> memref<1x2048xf32, #tpu.memory_space<vmem>>
            %dma_start3A_1012 = tpu.memref_squeeze %dma_start3A_1011 : memref<1x2048xf32, #tpu.memory_space<vmem>> -> memref<2048xf32, #tpu.memory_space<vmem>>
            %dma_start3A_1013 = tpu.memref_slice %arg6[%add3A_1008] : memref<104857600xf32, #tpu.memory_space<hbm>> -> memref<2048xf32, #tpu.memory_space<hbm>>
            %dma_start3A_1014 = arith.constant 0 : i32
            %dma_start3A_1015 = tpu.memref_slice %arg15[%dma_start3A_1009, %dma_start3A_1014] : memref<8x2048xf32, #tpu.memory_space<vmem>> -> memref<1x2048xf32, #tpu.memory_space<vmem>>
            %dma_start3A_1016 = tpu.memref_squeeze %dma_start3A_1015 : memref<1x2048xf32, #tpu.memory_space<vmem>> -> memref<2048xf32, #tpu.memory_space<vmem>>
            %dma_start3A_1017 = tpu.memref_slice %arg6[%add3A_1008] : memref<104857600xf32, #tpu.memory_space<hbm>> -> memref<2048xf32, #tpu.memory_space<hbm>>
            tpu.enqueue_dma source(%dma_start3A_1017 : memref<2048xf32, #tpu.memory_space<hbm>>) target(%dma_start3A_1016 : memref<2048xf32, #tpu.memory_space<vmem>>) target_semaphore(%arg32 : memref<!tpu.dma_semaphore, #tpu.memory_space<semaphore_mem>>)
          } else {
          }
          %dma_wait3A_671 = arith.constant 0 : i32
          %dma_wait3A_672 = arith.constant 0 : i32
          %dma_wait3A_673 = tpu.memref_slice %arg16[%dma_wait3A_671, %dma_wait3A_672] : memref<8x2048xf32, #tpu.memory_space<vmem>> -> memref<1x2048xf32, #tpu.memory_space<vmem>>
          %dma_wait3A_674 = tpu.memref_squeeze %dma_wait3A_673 : memref<1x2048xf32, #tpu.memory_space<vmem>> -> memref<2048xf32, #tpu.memory_space<vmem>>
          %dma_wait3A_675 = arith.constant 0 : i32
          %dma_wait3A_676 = tpu.memref_slice %arg6[%dma_wait3A_675] : memref<104857600xf32, #tpu.memory_space<hbm>> -> memref<2048xf32, #tpu.memory_space<hbm>>
          %dma_wait3A_677 = arith.constant 0 : i32
          %dma_wait3A_678 = tpu.memref_slice %arg16[%dma_wait3A_671, %dma_wait3A_677] : memref<8x2048xf32, #tpu.memory_space<vmem>> -> memref<1x2048xf32, #tpu.memory_space<vmem>>
          %dma_wait3A_679 = tpu.memref_squeeze %dma_wait3A_678 : memref<1x2048xf32, #tpu.memory_space<vmem>> -> memref<2048xf32, #tpu.memory_space<vmem>>
          %dma_wait3A_680 = arith.constant 0 : i32
          %dma_wait3A_681 = tpu.memref_slice %arg6[%dma_wait3A_680] : memref<104857600xf32, #tpu.memory_space<hbm>> -> memref<2048xf32, #tpu.memory_space<hbm>>
          tpu.wait_dma2 semaphore(%arg33 : memref<!tpu.dma_semaphore, #tpu.memory_space<semaphore_mem>>) src(%dma_wait3A_681 : memref<2048xf32, #tpu.memory_space<hbm>>) dst(%dma_wait3A_679 : memref<2048xf32, #tpu.memory_space<vmem>>)
          %dma_wait3A_682 = arith.constant 1 : i32
          %dma_wait3A_683 = arith.constant 0 : i32
          %dma_wait3A_684 = tpu.memref_slice %arg16[%dma_wait3A_682, %dma_wait3A_683] : memref<8x2048xf32, #tpu.memory_space<vmem>> -> memref<1x2048xf32, #tpu.memory_space<vmem>>
          %dma_wait3A_685 = tpu.memref_squeeze %dma_wait3A_684 : memref<1x2048xf32, #tpu.memory_space<vmem>> -> memref<2048xf32, #tpu.memory_space<vmem>>
          %dma_wait3A_686 = arith.constant 0 : i32
          %dma_wait3A_687 = tpu.memref_slice %arg6[%dma_wait3A_686] : memref<104857600xf32, #tpu.memory_space<hbm>> -> memref<2048xf32, #tpu.memory_space<hbm>>
          %dma_wait3A_688 = arith.constant 0 : i32
          %dma_wait3A_689 = tpu.memref_slice %arg16[%dma_wait3A_682, %dma_wait3A_688] : memref<8x2048xf32, #tpu.memory_space<vmem>> -> memref<1x2048xf32, #tpu.memory_space<vmem>>
          %dma_wait3A_690 = tpu.memref_squeeze %dma_wait3A_689 : memref<1x2048xf32, #tpu.memory_space<vmem>> -> memref<2048xf32, #tpu.memory_space<vmem>>
          %dma_wait3A_691 = arith.constant 0 : i32
          %dma_wait3A_692 = tpu.memref_slice %arg6[%dma_wait3A_691] : memref<104857600xf32, #tpu.memory_space<hbm>> -> memref<2048xf32, #tpu.memory_space<hbm>>
          tpu.wait_dma2 semaphore(%arg33 : memref<!tpu.dma_semaphore, #tpu.memory_space<semaphore_mem>>) src(%dma_wait3A_692 : memref<2048xf32, #tpu.memory_space<hbm>>) dst(%dma_wait3A_690 : memref<2048xf32, #tpu.memory_space<vmem>>)
          %dma_wait3A_693 = arith.constant 2 : i32
          %dma_wait3A_694 = arith.constant 0 : i32
          %dma_wait3A_695 = tpu.memref_slice %arg16[%dma_wait3A_693, %dma_wait3A_694] : memref<8x2048xf32, #tpu.memory_space<vmem>> -> memref<1x2048xf32, #tpu.memory_space<vmem>>
          %dma_wait3A_696 = tpu.memref_squeeze %dma_wait3A_695 : memref<1x2048xf32, #tpu.memory_space<vmem>> -> memref<2048xf32, #tpu.memory_space<vmem>>
          %dma_wait3A_697 = arith.constant 0 : i32
          %dma_wait3A_698 = tpu.memref_slice %arg6[%dma_wait3A_697] : memref<104857600xf32, #tpu.memory_space<hbm>> -> memref<2048xf32, #tpu.memory_space<hbm>>
          %dma_wait3A_699 = arith.constant 0 : i32
          %dma_wait3A_700 = tpu.memref_slice %arg16[%dma_wait3A_693, %dma_wait3A_699] : memref<8x2048xf32, #tpu.memory_space<vmem>> -> memref<1x2048xf32, #tpu.memory_space<vmem>>
          %dma_wait3A_701 = tpu.memref_squeeze %dma_wait3A_700 : memref<1x2048xf32, #tpu.memory_space<vmem>> -> memref<2048xf32, #tpu.memory_space<vmem>>
          %dma_wait3A_702 = arith.constant 0 : i32
          %dma_wait3A_703 = tpu.memref_slice %arg6[%dma_wait3A_702] : memref<104857600xf32, #tpu.memory_space<hbm>> -> memref<2048xf32, #tpu.memory_space<hbm>>
          tpu.wait_dma2 semaphore(%arg33 : memref<!tpu.dma_semaphore, #tpu.memory_space<semaphore_mem>>) src(%dma_wait3A_703 : memref<2048xf32, #tpu.memory_space<hbm>>) dst(%dma_wait3A_701 : memref<2048xf32, #tpu.memory_space<vmem>>)
          %dma_wait3A_704 = arith.constant 3 : i32
          %dma_wait3A_705 = arith.constant 0 : i32
          %dma_wait3A_706 = tpu.memref_slice %arg16[%dma_wait3A_704, %dma_wait3A_705] : memref<8x2048xf32, #tpu.memory_space<vmem>> -> memref<1x2048xf32, #tpu.memory_space<vmem>>
          %dma_wait3A_707 = tpu.memref_squeeze %dma_wait3A_706 : memref<1x2048xf32, #tpu.memory_space<vmem>> -> memref<2048xf32, #tpu.memory_space<vmem>>
          %dma_wait3A_708 = arith.constant 0 : i32
          %dma_wait3A_709 = tpu.memref_slice %arg6[%dma_wait3A_708] : memref<104857600xf32, #tpu.memory_space<hbm>> -> memref<2048xf32, #tpu.memory_space<hbm>>
          %dma_wait3A_710 = arith.constant 0 : i32
          %dma_wait3A_711 = tpu.memref_slice %arg16[%dma_wait3A_704, %dma_wait3A_710] : memref<8x2048xf32, #tpu.memory_space<vmem>> -> memref<1x2048xf32, #tpu.memory_space<vmem>>
          %dma_wait3A_712 = tpu.memref_squeeze %dma_wait3A_711 : memref<1x2048xf32, #tpu.memory_space<vmem>> -> memref<2048xf32, #tpu.memory_space<vmem>>
          %dma_wait3A_713 = arith.constant 0 : i32
          %dma_wait3A_714 = tpu.memref_slice %arg6[%dma_wait3A_713] : memref<104857600xf32, #tpu.memory_space<hbm>> -> memref<2048xf32, #tpu.memory_space<hbm>>
          tpu.wait_dma2 semaphore(%arg33 : memref<!tpu.dma_semaphore, #tpu.memory_space<semaphore_mem>>) src(%dma_wait3A_714 : memref<2048xf32, #tpu.memory_space<hbm>>) dst(%dma_wait3A_712 : memref<2048xf32, #tpu.memory_space<vmem>>)
          %dma_wait3A_715 = arith.constant 4 : i32
          %dma_wait3A_716 = arith.constant 0 : i32
          %dma_wait3A_717 = tpu.memref_slice %arg16[%dma_wait3A_715, %dma_wait3A_716] : memref<8x2048xf32, #tpu.memory_space<vmem>> -> memref<1x2048xf32, #tpu.memory_space<vmem>>
          %dma_wait3A_718 = tpu.memref_squeeze %dma_wait3A_717 : memref<1x2048xf32, #tpu.memory_space<vmem>> -> memref<2048xf32, #tpu.memory_space<vmem>>
          %dma_wait3A_719 = arith.constant 0 : i32
          %dma_wait3A_720 = tpu.memref_slice %arg6[%dma_wait3A_719] : memref<104857600xf32, #tpu.memory_space<hbm>> -> memref<2048xf32, #tpu.memory_space<hbm>>
          %dma_wait3A_721 = arith.constant 0 : i32
          %dma_wait3A_722 = tpu.memref_slice %arg16[%dma_wait3A_715, %dma_wait3A_721] : memref<8x2048xf32, #tpu.memory_space<vmem>> -> memref<1x2048xf32, #tpu.memory_space<vmem>>
          %dma_wait3A_723 = tpu.memref_squeeze %dma_wait3A_722 : memref<1x2048xf32, #tpu.memory_space<vmem>> -> memref<2048xf32, #tpu.memory_space<vmem>>
          %dma_wait3A_724 = arith.constant 0 : i32
          %dma_wait3A_725 = tpu.memref_slice %arg6[%dma_wait3A_724] : memref<104857600xf32, #tpu.memory_space<hbm>> -> memref<2048xf32, #tpu.memory_space<hbm>>
          tpu.wait_dma2 semaphore(%arg33 : memref<!tpu.dma_semaphore, #tpu.memory_space<semaphore_mem>>) src(%dma_wait3A_725 : memref<2048xf32, #tpu.memory_space<hbm>>) dst(%dma_wait3A_723 : memref<2048xf32, #tpu.memory_space<vmem>>)
          %dma_wait3A_726 = arith.constant 5 : i32
          %dma_wait3A_727 = arith.constant 0 : i32
          %dma_wait3A_728 = tpu.memref_slice %arg16[%dma_wait3A_726, %dma_wait3A_727] : memref<8x2048xf32, #tpu.memory_space<vmem>> -> memref<1x2048xf32, #tpu.memory_space<vmem>>
          %dma_wait3A_729 = tpu.memref_squeeze %dma_wait3A_728 : memref<1x2048xf32, #tpu.memory_space<vmem>> -> memref<2048xf32, #tpu.memory_space<vmem>>
          %dma_wait3A_730 = arith.constant 0 : i32
          %dma_wait3A_731 = tpu.memref_slice %arg6[%dma_wait3A_730] : memref<104857600xf32, #tpu.memory_space<hbm>> -> memref<2048xf32, #tpu.memory_space<hbm>>
          %dma_wait3A_732 = arith.constant 0 : i32
          %dma_wait3A_733 = tpu.memref_slice %arg16[%dma_wait3A_726, %dma_wait3A_732] : memref<8x2048xf32, #tpu.memory_space<vmem>> -> memref<1x2048xf32, #tpu.memory_space<vmem>>
          %dma_wait3A_734 = tpu.memref_squeeze %dma_wait3A_733 : memref<1x2048xf32, #tpu.memory_space<vmem>> -> memref<2048xf32, #tpu.memory_space<vmem>>
          %dma_wait3A_735 = arith.constant 0 : i32
          %dma_wait3A_736 = tpu.memref_slice %arg6[%dma_wait3A_735] : memref<104857600xf32, #tpu.memory_space<hbm>> -> memref<2048xf32, #tpu.memory_space<hbm>>
          tpu.wait_dma2 semaphore(%arg33 : memref<!tpu.dma_semaphore, #tpu.memory_space<semaphore_mem>>) src(%dma_wait3A_736 : memref<2048xf32, #tpu.memory_space<hbm>>) dst(%dma_wait3A_734 : memref<2048xf32, #tpu.memory_space<vmem>>)
          %dma_wait3A_737 = arith.constant 6 : i32
          %dma_wait3A_738 = arith.constant 0 : i32
          %dma_wait3A_739 = tpu.memref_slice %arg16[%dma_wait3A_737, %dma_wait3A_738] : memref<8x2048xf32, #tpu.memory_space<vmem>> -> memref<1x2048xf32, #tpu.memory_space<vmem>>
          %dma_wait3A_740 = tpu.memref_squeeze %dma_wait3A_739 : memref<1x2048xf32, #tpu.memory_space<vmem>> -> memref<2048xf32, #tpu.memory_space<vmem>>
          %dma_wait3A_741 = arith.constant 0 : i32
          %dma_wait3A_742 = tpu.memref_slice %arg6[%dma_wait3A_741] : memref<104857600xf32, #tpu.memory_space<hbm>> -> memref<2048xf32, #tpu.memory_space<hbm>>
          %dma_wait3A_743 = arith.constant 0 : i32
          %dma_wait3A_744 = tpu.memref_slice %arg16[%dma_wait3A_737, %dma_wait3A_743] : memref<8x2048xf32, #tpu.memory_space<vmem>> -> memref<1x2048xf32, #tpu.memory_space<vmem>>
          %dma_wait3A_745 = tpu.memref_squeeze %dma_wait3A_744 : memref<1x2048xf32, #tpu.memory_space<vmem>> -> memref<2048xf32, #tpu.memory_space<vmem>>
          %dma_wait3A_746 = arith.constant 0 : i32
          %dma_wait3A_747 = tpu.memref_slice %arg6[%dma_wait3A_746] : memref<104857600xf32, #tpu.memory_space<hbm>> -> memref<2048xf32, #tpu.memory_space<hbm>>
          tpu.wait_dma2 semaphore(%arg33 : memref<!tpu.dma_semaphore, #tpu.memory_space<semaphore_mem>>) src(%dma_wait3A_747 : memref<2048xf32, #tpu.memory_space<hbm>>) dst(%dma_wait3A_745 : memref<2048xf32, #tpu.memory_space<vmem>>)
          %dma_wait3A_748 = arith.constant 7 : i32
          %dma_wait3A_749 = arith.constant 0 : i32
          %dma_wait3A_750 = tpu.memref_slice %arg16[%dma_wait3A_748, %dma_wait3A_749] : memref<8x2048xf32, #tpu.memory_space<vmem>> -> memref<1x2048xf32, #tpu.memory_space<vmem>>
          %dma_wait3A_751 = tpu.memref_squeeze %dma_wait3A_750 : memref<1x2048xf32, #tpu.memory_space<vmem>> -> memref<2048xf32, #tpu.memory_space<vmem>>
          %dma_wait3A_752 = arith.constant 0 : i32
          %dma_wait3A_753 = tpu.memref_slice %arg6[%dma_wait3A_752] : memref<104857600xf32, #tpu.memory_space<hbm>> -> memref<2048xf32, #tpu.memory_space<hbm>>
          %dma_wait3A_754 = arith.constant 0 : i32
          %dma_wait3A_755 = tpu.memref_slice %arg16[%dma_wait3A_748, %dma_wait3A_754] : memref<8x2048xf32, #tpu.memory_space<vmem>> -> memref<1x2048xf32, #tpu.memory_space<vmem>>
          %dma_wait3A_756 = tpu.memref_squeeze %dma_wait3A_755 : memref<1x2048xf32, #tpu.memory_space<vmem>> -> memref<2048xf32, #tpu.memory_space<vmem>>
          %dma_wait3A_757 = arith.constant 0 : i32
          %dma_wait3A_758 = tpu.memref_slice %arg6[%dma_wait3A_757] : memref<104857600xf32, #tpu.memory_space<hbm>> -> memref<2048xf32, #tpu.memory_space<hbm>>
          tpu.wait_dma2 semaphore(%arg33 : memref<!tpu.dma_semaphore, #tpu.memory_space<semaphore_mem>>) src(%dma_wait3A_758 : memref<2048xf32, #tpu.memory_space<hbm>>) dst(%dma_wait3A_756 : memref<2048xf32, #tpu.memory_space<vmem>>)
          %jit3A_759 = arith.constant 4 : i32
          %div3A_760 = arith.divsi %add3A_665, %jit3A_759 : i32
          %sign3A_761 = arith.constant 0 : i32
          %sign3A_762 = arith.cmpi sgt, %add3A_665, %sign3A_761 : i32
          %sign3A_763 = arith.extui %sign3A_762 : i1 to i32
          %sign3A_764 = arith.constant 0 : i32
          %sign3A_765 = arith.cmpi slt, %add3A_665, %sign3A_764 : i32
          %sign3A_766 = arith.extui %sign3A_765 : i1 to i32
          %sign3A_767 = arith.subi %sign3A_763, %sign3A_766 : i32
          %sign3A_768 = arith.constant 0 : i32
          %sign3A_769 = arith.cmpi sgt, %jit3A_759, %sign3A_768 : i32
          %sign3A_770 = arith.extui %sign3A_769 : i1 to i32
          %sign3A_771 = arith.constant 0 : i32
          %sign3A_772 = arith.cmpi slt, %jit3A_759, %sign3A_771 : i32
          %sign3A_773 = arith.extui %sign3A_772 : i1 to i32
          %sign3A_774 = arith.subi %sign3A_770, %sign3A_773 : i32
          %ne3A_775 = arith.cmpi ne, %sign3A_767, %sign3A_774 : i32
          %rem3A_776 = arith.remsi %add3A_665, %jit3A_759 : i32
          %ne3A_777 = arith.constant 0 : i32
          %ne3A_778 = arith.cmpi ne, %rem3A_776, %ne3A_777 : i32
          %and3A_779 = arith.andi %ne3A_775, %ne3A_778 : i1
          %sub3A_780 = arith.constant 1 : i32
          %sub3A_781 = arith.subi %div3A_760, %sub3A_780 : i32
          %select_n3A_782 = arith.select %and3A_779, %sub3A_781, %div3A_760 : i32
          %jit3A_783 = arith.constant 4 : i32
          %eq3A_784 = arith.constant 0 : i32
          %eq3A_785 = arith.cmpi eq, %jit3A_783, %eq3A_784 : i32
          %jit3A_786 = arith.constant 1 : i32
          %select_n3A_787 = arith.select %eq3A_785, %jit3A_786, %jit3A_783 : i32
          %rem3A_788 = arith.remsi %add3A_665, %select_n3A_787 : i32
          %ne3A_789 = arith.constant 0 : i32
          %ne3A_790 = arith.cmpi ne, %rem3A_788, %ne3A_789 : i32
          %lt3A_791 = arith.constant 0 : i32
          %lt3A_792 = arith.cmpi slt, %rem3A_788, %lt3A_791 : i32
          %lt3A_793 = arith.constant 0 : i32
          %lt3A_794 = arith.cmpi slt, %select_n3A_787, %lt3A_793 : i32
          %ne3A_795 = arith.xori %lt3A_792, %lt3A_794 : i1
          %and3A_796 = arith.andi %ne3A_795, %ne3A_790 : i1
          %add3A_797 = arith.addi %rem3A_788, %select_n3A_787 : i32
          %select_n3A_798 = arith.select %and3A_796, %add3A_797, %rem3A_788 : i32
          %mul3A_799 = arith.constant 4 : i32
          %mul3A_800 = arith.muli %arg0, %mul3A_799 : i32
          %add3A_801 = arith.addi %select_n3A_798, %mul3A_800 : i32
          %mul3A_802 = arith.constant 2048 : i32
          %mul3A_803 = arith.muli %add3A_801, %mul3A_802 : i32
          %mul3A_804 = arith.constant 8 : i32
          %mul3A_805 = arith.muli %select_n3A_89, %mul3A_804 : i32
          %dma_start3A_806 = tpu.memref_slice %arg5[%select_n3A_782, %mul3A_805, %mul3A_803] : memref<200x32x16384xf32, #tpu.memory_space<hbm>> -> memref<1x8x2048xf32, #tpu.memory_space<hbm>>
          %dma_start3A_807 = tpu.memref_squeeze %dma_start3A_806 : memref<1x8x2048xf32, #tpu.memory_space<hbm>> -> memref<8x2048xf32, #tpu.memory_space<hbm>>
          %dma_start3A_808 = tpu.memref_slice %arg5[%select_n3A_782, %mul3A_805, %mul3A_803] : memref<200x32x16384xf32, #tpu.memory_space<hbm>> -> memref<1x8x2048xf32, #tpu.memory_space<hbm>>
          %dma_start3A_809 = tpu.memref_squeeze %dma_start3A_808 : memref<1x8x2048xf32, #tpu.memory_space<hbm>> -> memref<8x2048xf32, #tpu.memory_space<hbm>>
          tpu.enqueue_dma source(%arg16 : memref<8x2048xf32, #tpu.memory_space<vmem>>) target(%dma_start3A_809 : memref<8x2048xf32, #tpu.memory_space<hbm>>) target_semaphore(%arg35 : memref<!tpu.dma_semaphore, #tpu.memory_space<semaphore_mem>>)
        }
        %scan3A_294 = arith.constant 25 : i32
        %dma_wait3A_295 = arith.constant 0 : i32
        %dma_wait3A_296 = arith.constant 0 : i32
        %dma_wait3A_297 = arith.constant 0 : i32
        %dma_wait3A_298 = tpu.memref_slice %arg5[%dma_wait3A_295, %dma_wait3A_296, %dma_wait3A_297] : memref<200x32x16384xf32, #tpu.memory_space<hbm>> -> memref<1x8x2048xf32, #tpu.memory_space<hbm>>
        %dma_wait3A_299 = tpu.memref_squeeze %dma_wait3A_298 : memref<1x8x2048xf32, #tpu.memory_space<hbm>> -> memref<8x2048xf32, #tpu.memory_space<hbm>>
        %dma_wait3A_300 = arith.constant 0 : i32
        %dma_wait3A_301 = arith.constant 0 : i32
        %dma_wait3A_302 = tpu.memref_slice %arg5[%dma_wait3A_295, %dma_wait3A_300, %dma_wait3A_301] : memref<200x32x16384xf32, #tpu.memory_space<hbm>> -> memref<1x8x2048xf32, #tpu.memory_space<hbm>>
        %dma_wait3A_303 = tpu.memref_squeeze %dma_wait3A_302 : memref<1x8x2048xf32, #tpu.memory_space<hbm>> -> memref<8x2048xf32, #tpu.memory_space<hbm>>
        tpu.wait_dma2 semaphore(%arg34 : memref<!tpu.dma_semaphore, #tpu.memory_space<semaphore_mem>>) src(%arg15 : memref<8x2048xf32, #tpu.memory_space<vmem>>) dst(%dma_wait3A_303 : memref<8x2048xf32, #tpu.memory_space<hbm>>)
        %dma_wait3A_304 = arith.constant 0 : i32
        %dma_wait3A_305 = arith.constant 0 : i32
        %dma_wait3A_306 = arith.constant 0 : i32
        %dma_wait3A_307 = tpu.memref_slice %arg5[%dma_wait3A_304, %dma_wait3A_305, %dma_wait3A_306] : memref<200x32x16384xf32, #tpu.memory_space<hbm>> -> memref<1x8x2048xf32, #tpu.memory_space<hbm>>
        %dma_wait3A_308 = tpu.memref_squeeze %dma_wait3A_307 : memref<1x8x2048xf32, #tpu.memory_space<hbm>> -> memref<8x2048xf32, #tpu.memory_space<hbm>>
        %dma_wait3A_309 = arith.constant 0 : i32
        %dma_wait3A_310 = arith.constant 0 : i32
        %dma_wait3A_311 = tpu.memref_slice %arg5[%dma_wait3A_304, %dma_wait3A_309, %dma_wait3A_310] : memref<200x32x16384xf32, #tpu.memory_space<hbm>> -> memref<1x8x2048xf32, #tpu.memory_space<hbm>>
        %dma_wait3A_312 = tpu.memref_squeeze %dma_wait3A_311 : memref<1x8x2048xf32, #tpu.memory_space<hbm>> -> memref<8x2048xf32, #tpu.memory_space<hbm>>
        tpu.wait_dma2 semaphore(%arg35 : memref<!tpu.dma_semaphore, #tpu.memory_space<semaphore_mem>>) src(%arg16 : memref<8x2048xf32, #tpu.memory_space<vmem>>) dst(%dma_wait3A_312 : memref<8x2048xf32, #tpu.memory_space<hbm>>)
      } else {
      }
      %barrier3A_68 = arith.constant 0 : index
      tpu.barrier barrier_id(%barrier3A_68)
    }
    %scan3A_7 = arith.constant 32 : i32
    return
  }
}

</mosaic_0001>

<sc_bundles>
// kernel: kernel.3.cloned.1.call-start
scs
__scs_entry_jumppad:
0x0: {  	(pc) =	sbr.rel $0x88, $3  }
0x1: {  	(tag) =	ssettag $0x0;
	lr =	simm.s32 $0x1  }
0x2: {  	[smem:$0x3F9F] =	sst lr;
	_ =	strace $0xD0000000  }
0x3: {  	_ = 	snop  }
0x4: {  	_ = 	snop  }
0x5: {  	_ = 	snop  }
0x6: {  	_ = 	snop  }
0x7: {  	_ = 	snop  }
__scs_overlays_trampoline_lowered:
0x8: {  	[smem:$0x3FAE] =	sst s0  }
0x9: {  	[smem:$0x3FAF] =	sst s1  }
0xa: {  	[smem:$0x3FB0] =	sst s2  }
0xb: {  	[smem:$0x3FB1] =	sst s3  }
0xc: {  	[smem:$0x3FB2] =	sst s4  }
0xd: {  	[smem:$0x3FB3] =	sst s5  }
0xe: {  	[smem:$0x3FB4] =	sst s6  }
0xf: {  	[smem:$0x3FB5] =	sst s7  }
0x10: {  	[smem:$0x3FB6] =	sst s8  }
0x11: {  	[smem:$0x3FB7] =	sst s9;
	s0 =	simm.s32 @!p0 $0x0  }
0x12: {  	s1 =	sld [smem:$0x3F9D];
	s0 =	simm.s32 @p0 $0x1  }
0x13: {  	[smem:$0x3FB8] =	sst s0;
	s0 =	simm.s32 @!p1 $0x0  }
0x14: {  	s2 =	sld [smem:$0x3F9C];
	s0 =	simm.s32 @p1 $0x1  }
0x15: {  	[smem:$0x3FB9] =	sst s0;
	s0 =	simm.s32 @!p2 $0x0  }
0x16: {  	s3 =	sld [smem:$0x3FDB];
	s0 =	simm.s32 @p2 $0x1  }
0x17: {  	s4 =	simm.s32 $0x1BF5;
	[smem:$0x3FBB] =	sst s0  }
0x18: {  	s0 =	sld [smem:$0x3F9E];
	_ =	swait.ge [sflag:s4], $0x0  }
0x19: {  	s7 =	sld [smem:$0x3F9F]  }
0x1a: {  	s8 =	sadd.s32 $0xFFFFE003, lr  }
0x1b: {  	s9 =	sadd.s32 $0xFFFFFEF7, lr;
	s5 =	simm.s32 $0xFFFFFFFF;
	p2 =	slt.u32 s8, $0xFFFFF086  }
0x1c: {  	p1 =	slt.u32 s9, $0xF7A;
	s5 =	simm.s32 @!p2 $0x0  }
0x1d: {  	s5 =	simm.s32 @p1 $0x1;
	p0 =	seq.s32 s7, s2  }
0x1e: {  	s7 =	smul.u32 @!p0 $0xF7A, s2;
	p2 =	seq.s32 @!p0 s5, $0x0  }
0x1f: {  	s9 =	smul.u32 $0xF7A, s1;
	s8 =	simm.s32 @!p0 $0x1BF5;
	p2 =	por !p2, p0  }
0x20: {  	[sflag:s8] =	ssyncset.s32 @!p0 $0xFFFFF086;
	s6 =	sadd.s32 @!p0 s3, s7;
	s7 =	simm.s32 @!p0 $0x108  }
0x21: {  	s3 =	sadd.s32 s3, s9;
	s6 =	sadd.s32 @!p0 $0x88, s6;
	s7 =	simm.s32 @p2 $0x1082  }
0x22: {  	[simem:s7], [sflag:s8] =	dma.local @!p0 [hbm:s6], $0xF7A  }
0x23: {  	s9 =	sor.u32 $0xD0000000, s2;
	s6 =	simm.s32 $0x108;
	_ =	swait.ge @!p0 [sflag:s8], $0x0  }
0x24: {  	s3 =	sadd.s32 $0x88, s3;
	s6 =	simm.s32 @!p1 $0x1082;
	[sflag:s4] =	ssyncset.s32 $0xFFFFF086  }
0x25: {  	[simem:s6], [sflag:s4] =	dma.local [hbm:s3], $0xF7A  }
0x26: {  	[smem:$0x3F9F] =	sst s1;
	(tag) =	ssettag s2;
	_ =	strace s9  }
0x27: {  	s1 =	sld [smem:$0x3FAF]  }
0x28: {  	s2 =	sld [smem:$0x3FB0]  }
0x29: {  	s4 =	sld [smem:$0x3FB2]  }
0x2a: {  	p0 =	seq.s32 s5, $0x0;
	s5 =	sld [smem:$0x3FB3]  }
0x2b: {  	s6 =	sld [smem:$0x3FB4]  }
0x2c: {  	s7 =	sld [smem:$0x3FB5]  }
0x2d: {  	s3 =	simm.s32 $0x108;
	s8 =	sld [smem:$0x3FB6]  }
0x2e: {  	s3 =	simm.s32 @!p0 $0x1082;
	s9 =	sld [smem:$0x3FB7]  }
0x2f: {  	lr =	sadd.s32 s0, s3;
	s0 =	sld [smem:$0x3FAE]  }
0x30: {  	s3 =	sld [smem:$0x3FB1]  }
0x31: {  	[smem:$0x3FBA] =	sst s10  }
0x32: {  	s10 =	sld [smem:$0x3FB8];
	_ =	sdelay $0x3  }
0x33: {  	p0 =	seq.s32 s10, $0x1;
	s10 =	sld [smem:$0x3FBA];
	_ =	sdelay $0x3  }
0x34: {  	[smem:$0x3FBA] =	sst s10  }
0x35: {  	s10 =	sld [smem:$0x3FB9];
	_ =	sdelay $0x3  }
0x36: {  	p1 =	seq.s32 s10, $0x1;
	s10 =	sld [smem:$0x3FBA];
	_ =	sdelay $0x3  }
0x37: {  	[smem:$0x3FBA] =	sst s10  }
0x38: {  	s10 =	sld [smem:$0x3FBB]  }
0x39: {  	_ = 	snop;
	(pc) =	sbr.ind lr, $3  }
0x3a: {  	_ = 	snop  }
0x3b: {  	_ = 	snop  }
0x3c: {  	p2 =	seq.s32 s10, $0x1;
	s10 =	sld [smem:$0x3FBA]  }
0x3d: {  	_ =	shalt  }
0x3e: {  	_ =	shalt  }
0x3f: {  	_ =	shalt  }
0x40: {  	_ =	shalt  }
0x41: {  	_ =	shalt  }
0x42: {  	_ =	shalt  }
0x43: {  	_ =	shalt  }
0x44: {  	_ =	shalt  }
0x45: {  	_ =	shalt  }
0x46: {  	_ =	shalt  }
0x47: {  	_ =	shalt  }
0x48: {  	_ =	shalt  }
0x49: {  	_ =	shalt  }
0x4a: {  	_ =	shalt  }
0x4b: {  	_ =	shalt  }
0x4c: {  	_ =	shalt  }
0x4d: {  	_ =	shalt  }
0x4e: {  	_ =	shalt  }
0x4f: {  	_ =	shalt  }
0x50: {  	_ =	shalt  }
0x51: {  	_ =	shalt  }
0x52: {  	_ =	shalt  }
0x53: {  	_ =	shalt  }
0x54: {  	_ =	shalt  }
0x55: {  	_ =	shalt  }
0x56: {  	_ =	shalt  }
0x57: {  	_ =	shalt  }
0x58: {  	_ =	shalt  }
0x59: {  	_ =	shalt  }
0x5a: {  	_ =	shalt  }
0x5b: {  	_ =	shalt  }
0x5c: {  	_ =	shalt  }
0x5d: {  	_ =	shalt  }
0x5e: {  	_ =	shalt  }
0x5f: {  	_ =	shalt  }
0x60: {  	_ =	shalt  }
0x61: {  	_ =	shalt  }
0x62: {  	_ =	shalt  }
0x63: {  	_ =	shalt  }
0x64: {  	_ =	shalt  }
0x65: {  	_ =	shalt  }
0x66: {  	_ =	shalt  }
0x67: {  	_ =	shalt  }
0x68: {  	_ =	shalt  }
0x69: {  	_ =	shalt  }
0x6a: {  	_ =	shalt  }
0x6b: {  	_ =	shalt  }
0x6c: {  	_ =	shalt  }
0x6d: {  	_ =	shalt  }
0x6e: {  	_ =	shalt  }
0x6f: {  	_ =	shalt  }
0x70: {  	_ =	shalt  }
0x71: {  	_ =	shalt  }
0x72: {  	_ =	shalt  }
0x73: {  	_ =	shalt  }
0x74: {  	_ =	shalt  }
0x75: {  	_ =	shalt  }
0x76: {  	_ =	shalt  }
0x77: {  	_ =	shalt  }
0x78: {  	_ =	shalt  }
0x79: {  	_ =	shalt  }
0x7a: {  	_ =	shalt  }
0x7b: {  	_ =	shalt  }
0x7c: {  	_ =	shalt  }
0x7d: {  	_ =	shalt  }
0x7e: {  	_ =	shalt  }
0x7f: {  	_ =	shalt  }
0x80: {  	_ =	shalt  }
0x81: {  	_ =	shalt  }
0x82: {  	_ =	shalt  }
0x83: {  	_ =	shalt  }
0x84: {  	_ =	shalt  }
0x85: {  	_ =	shalt  }
0x86: {  	_ =	shalt  }
0x87: {  	_ =	shalt  }
.Lfunc_end0:
.L_simem_size_0:
called_computation_lowered:
.L_overlay_start_0:
0x88: {  	s2 =	sld [smem:$0x3FD9]  }
0x89: {  	s3 =	sld [smem:$0x3FFE];
	_ =	sdelay $0x1  }
0x8a: {  	s1 =	srdreg.scid  }
0x8b: {  	s0 =	sand.u32 $0x1, s1  }
0x8c: {  	s17 =	sshll.u32 s0, $0xA;
	s2 =	sadd.s32 s3, s2  }
0x8d: {  	s2 =	sadd.s32 s2, s17  }
0x8e: {  	[smem:$0x3FC6] =	sst s2  }
0x8f: {  	_ = 	snop  }
0x90: {  	s2 =	sld [smem:$0x3FC8]  }
0x91: {  	s18 =	sld [smem:$0x3FD0];
	(tm) =	ssettm $0x1  }
0x92: {  	s4 =	sld [smem:$0x3FFB];
	_ =	sdelay $0x3  }
0x93: {  	_ =	strace s4  }
0x94: {  	s4 =	sld [smem:$0x3FFC];
	_ =	sdelay $0x3  }
0x95: {  	_ =	strace s4  }
0x96: {  	s4 =	sld [smem:$0x3FFD];
	_ =	sdelay $0x3  }
0x97: {  	_ =	strace s4  }
0x98: {  	_ =	strace $0x8FFFFFFF  }
0x99: {  	s19 =	sld [smem:$0x3FDB];
	_ =	sdelay $0x1  }
0x9a: {  	s5 =	simm.s32 $_scs_section_size  }
0x9b: {  	s6 =	simm.s32 $_size__tile_overlayer_lowered;
	s7 =	simm.s32 $_tile_overlayer_lowered  }
0x9c: {  	s22 =	simm.s32 $0x1BFF;
	s21 =	sshll.u32 s7, $0x1;
	s4 =	sadd.s32 s5, s19  }
0x9d: {  	s8 =	simm.s32 $0x0;
	s20 =	sshll.u32 s6, $0x1;
	s6 =	sadd.s32 s21, s4  }
0x9e: {  	[timem:s8], [sflag:s22] =	dma.local [hbm:s6], s20  }
0x9f: {  	_ =	swait.ge [sflag:s22], s20  }
0xa0: {  	s5 =	ssub.s32 $0x0, s20;
	[sflag:s22] =	ssyncset.done $0x0  }
0xa1: {  	[sflag:s22] =	ssyncadd.s32 s5;
	_ =	sdelay $0x1  }
0xa2: {  	s23 =	simm.s32 $0x1B8B  }
0xa3: {  	_ =	swait.ge [sflag:s23], $0x1  }
0xa4: {  	[sflag:s23] =	ssyncset.done $0x0  }
0xa5: {  	s25 =	simm.s32 $0x1B8E;
	s24 =	sld [smem:$0x3FFE];
	[sflag:s23] =	ssyncadd.s32 $0xFFFFFFFF  }
0xa6: {  	s26 =	simm.s32 $execute0_lowered;
	[smem:$0x3FD2] =	sst s25  }
0xa7: {  	s6 =	sshll.u32 s26, $0x1;
	_ =	strace $0x80000046;
	[dreg:$0x1] =	wrdreg $0xFFFFFFFF  }
0xa8: {  	s28 =	simm.s32 $_size_execute0_lowered;
	s4 =	sadd.s32 s4, s6;
	[dreg:$0x0] =	wrdreg $0x0  }
0xa9: {  	s6 =	sshll.u32 s28, $0x1;
	[dreg:$0x2] =	wrdreg s4  }
0xaa: {  	[dreg:$0x3] =	wrdreg s6  }
0xab: {  	[dreg:$0x4] =	wrdreg $0xC0  }
0xac: {  	_ =	task [dreg:s8], $0x5FFFF  }
0xad: {  	[dreg:$0x1] =	wrdreg $0xFFFFFFFF  }
0xae: {  	[dreg:$0x0] =	wrdreg $0x60  }
0xaf: {  	[dreg:$0x2] =	wrdreg s24  }
0xb0: {  	[dreg:$0x3] =	wrdreg s2  }
0xb1: {  	[dreg:$0x4] =	wrdreg s18  }
0xb2: {  	[dreg:$0x5] =	wrdreg $0x90800  }
0xb3: {  	[dreg:$0x6] =	wrdreg $0x9  }
0xb4: {  	_ =	task.clear_ibuf [dreg:s8], $0x7FFFF;
	_ =	strace $0x90000046  }
0xb5: {  	s29 =	simm.s32 $0x9;
	_ =	strace $0x80000048  }
0xb6: {  	_ =	swait.ge [sflag:s29], $0x1  }
0xb7: {  	[sflag:s29] =	ssyncadd.s32 $0xFFFFFFFF  }
0xb8: {  	_ =	strace $0x90000048  }
0xb9: {  	_ =	sfence  }
0xba: {  	s30 =	sld [smem:$0x0];
	_ =	sdelay $0x2  }
0xbb: {  	s31 =	sshll.u32 s1, $0xD;
	s1 =	sshrl.u32 s1, $0x2  }
0xbc: {  	s3 =	sand.u32 $0x4000, s31;
	s1 =	sadd.s32 s1, s30  }
0xbd: {  	s0 =	sor.u32 s3, s0;
	s1 =	sshll.u32 s1, $0x11  }
0xbe: {  	s0 =	sor.u32 s1, s0  }
0xbf: {  	s0 =	sadd.s32 $0x8F2B, s0  }
0xc0: {  	[sflag:s0] =	ssyncadd.remote.s32 $0x1  }
0xc1: {  	_ =	sfence.sel $0xFFFF  }
0xc2: {  	[dreg:$0x0] =	wrdreg $0xFFFFFFFF;
	(pc) =	sbr.abs _section_cstart, $3  }
0xc3: {  	[dreg:$0x1] =	wrdreg $0xFFFFFFFF  }
0xc4: {  	_ =	task.clear_ibuf [dreg:s8], $0x2FFFF;
	_ =	strace $0x9FFFFFFF  }
0xc5: {  	(tm) =	ssettm $0x7FFFFFFF  }
tec
execute0_lowered:
.L_overlay_start_1:
0x0: {  	(tag) =	ssettag $0x1  }
0x1: {  	s0 =	rddreg [dreg:$0x0]  }
0x2: {  	s20 =	rddreg [dreg:$0x1]  }
0x3: {  	s26 =	rddreg [dreg:$0x2]  }
0x4: {  	s3 =	rddreg [dreg:$0x3];
	s4 =	simm.s32 $0x0  }
0x5: {  	s1 =	srdreg.scid;
	s12 =	stileid.u32;
	s28 =	simm.s32 $0x9  }
0x6: {  	s29 =	simm.s32 $0xF;
	[smem:$0x7FF] =	sst s4;
	s1 =	sand.u32 $0x1, s1  }
0x7: {  	s30 =	sadd.s32 $0xA00, s0;
	s5 =	sadd.s32 $0x800, s0;
	s18 =	smul.u32 $0x3D000, s12  }
0x8: {  	s8 =	sadd.s32 $0x64A00, s0;
	s6 =	sshll.u32 s12, $0x9;
	s10 =	smul.u32 $0x32, s12  }
0x9: {  	s23 =	sadd.s32 $0xF41C0, s3;
	_ =	strace $0x80000047;
	[dreg:$0x6] =	wrdreg s5  }
0xa: {  	s21 =	smul.u32 $0x7A000, s12;
	p0 =	seq.s32 s12, $0xF;
	[dreg:$0xa] =	wrdreg s23  }
0xb: {  	s2 =	ssub.s32 $0x2, s1;
	s19 =	sshll.u32 s1, $0xD;
	[dreg:$0x5] =	wrdreg s30  }
0xc: {  	s9 =	sshll.u32 s1, $0x2;
	s1 =	sadd.s32 $0xE4C00, s3;
	[dreg:$0x8] =	wrdreg s21  }
0xd: {  	s16 =	sshrl.u32 s2, $0x1;
	s5 =	sor.u32 s6, s19;
	[dreg:$0x9] =	wrdreg s9  }
0xe: {  	s22 =	sand.u32 $0x2, s10;
	[dreg:$0x7] =	wrdreg s10;
	s17 =	ssub.s32 s2, s16  }
0xf: {  	s2 =	sshrl.u32 s18, $0x2;
	s7 =	sshrl.u32 s5, $0x3;
	s6 =	sor.u32 s9, s22  }
0x10: {  	s24 =	sor.u32 $0x1C000, s5;
	s25 =	sor.u32 $0x18000, s5;
	s31 =	sor.u32 $0x14000, s5  }
0x11: {  	s13 =	sor.u32 $0x10000, s5;
	s14 =	sor.u32 $0xC000, s5;
	s15 =	sor.u32 $0x8000, s5  }
0x12: {  	s5 =	sor.u32 $0x4000, s5;
	s6 =	sshll.u32 s6, $0xB;
	[dreg:$0x11] =	wrdreg s13  }
0x13: {  	s2 =	sadd.s32 s2, s3;
	s0 =	smax.u32 s17, $0x1;
	[dreg:$0xc] =	wrdreg s6  }
0x14: {  	s11 =	sadd.s32 s30, s7;
	s21 =	sadd.s32 s7, s8;
	[dreg:$0xd] =	wrdreg s0  }
0x15: {  	s9 =	sshrl.u32 s31, $0x3;
	s5 =	sshrl.u32 s5, $0x3;
	[dreg:$0x15] =	wrdreg s21  }
0x16: {  	s17 =	sshrl.u32 s15, $0x3;
	s19 =	sadd.s32 s5, s8;
	[dreg:$0xb] =	wrdreg s11  }
0x17: {  	s31 =	smul.u32 $0x640000, s12;
	s22 =	sadd.s32 $0x800, s11;
	[dreg:$0x14] =	wrdreg s19  }
0x18: {  	s7 =	simm.s32 $0x7;
	s23 =	sadd.s32 $0x1000, s11;
	[dreg:$0x18] =	wrdreg s22  }
0x19: {  	s0 =	sshrl.u32 s24, $0x3;
	s24 =	sadd.s32 $0x1800, s11;
	[dreg:$0x19] =	wrdreg s23  }
0x1a: {  	s6 =	sshrl.u32 s25, $0x3;
	s25 =	sshrl.u32 s10, $0x2;
	[dreg:$0x1a] =	wrdreg s24  }
0x1b: {  	s18 =	sadd.s32 s9, s30;
	s21 =	simm.s32 $0x2;
	[dreg:$0x1b] =	wrdreg s25  }
0x1c: {  	s5 =	simm.s32 $0x3;
	s10 =	simm.s32 $0x4;
	[dreg:$0x1c] =	wrdreg s31  }
0x1d: {  	s0 =	sadd.s32 s0, s30;
	s16 =	sadd.s32 s6, s30;
	[dreg:$0x10] =	wrdreg s18  }
0x1e: {  	s23 =	simm.s32 $0x6;
	[dreg:$0xe] =	wrdreg s0;
	s0 =	sshrl.u32 s14, $0x3  }
.Ltmp0:
0x1f: {  	[dreg:$0xf] =	wrdreg s16;
	s0 =	sadd.s32 s0, s8;
	(pc) =	sbr.rel .LBB2_1-.Ltmp0, $4  }
0x20: {  	s24 =	simm.s32 $0x8;
	[dreg:$0x12] =	wrdreg s0;
	s0 =	sadd.s32 s17, s8  }
0x21: {  	s25 =	simm.s32 $0x5;
	[dreg:$0x13] =	wrdreg s0;
	s0 =	sshrl.u32 @p0 s1, $0x3  }
0x22: {  	s14 =	simm.s32 $0xE;
	[dreg:$0x16] =	wrdreg s0;
	s0 =	sshrl.u32 @!p0 s2, $0x3  }
0x23: {  	s2 =	simm.s32 $0x0;
	[dreg:$0x17] =	wrdreg s0;
	s0 =	simm.s32 $0x200  }
.LBB2_24:
0x24: {  	s2 =	rddreg [dreg:$0x1d]  }
0x25: {  	s1 =	rddreg [dreg:$0xd];
	s2 =	sadd.s32 $0x1, s2  }
0x26: {  	p1 =	sne.s32 s2, s1  }
.Ltmp1:
0x27: {  	_ = 	snop;
	(pc) =	sbr.rel @!p1 .LBB2_25-.Ltmp1, $1  }
0x28: {  	_ =	sdelay $0x3  }
.LBB2_1:
.Ltmp2:
0x29: {  	[dreg:$0x1d] =	wrdreg s2;
	(pc) =	sbr.rel .LBB2_2-.Ltmp2, $4  }
0x2a: {  	s6 =	rddreg [dreg:$0x15]  }
0x2b: {  	s9 =	rddreg [dreg:$0x14]  }
0x2c: {  	s2 =	rddreg [dreg:$0x13]  }
0x2d: {  	s17 =	rddreg [dreg:$0x12];
	s31 =	simm.s32 $0x0  }
.LBB2_22:
0x2e: {  	s1 =	simm.s32 $0x10  }
0x2f: {  	_ =	swait.ge [sflag:s1], $0x4000  }
0x30: {  	[sflag:s1] =	ssyncset.done $0x0  }
0x31: {  	s22 =	simm.s32 $0x11;
	[sflag:s1] =	ssyncadd.s32 $0xFFFFC000  }
0x32: {  	_ =	swait.ge [sflag:s22], $0x4000  }
0x33: {  	s30 =	rddreg [dreg:$0x5]  }
0x34: {  	s6 =	rddreg [dreg:$0x1e]  }
0x35: {  	[sflag:s22] =	ssyncset.done $0x0;
	s31 =	rddreg [dreg:$0x1f]  }
0x36: {  	s9 =	sld [smem:$0x7F8];
	[sflag:s22] =	ssyncadd.s32 $0xFFFFC000  }
0x37: {  	s20 =	rddreg [dreg:$0x1]  }
.LBB2_23:
0x38: {  	s31 =	sadd.s32 $0x1, s31  }
0x39: {  	p1 =	sne.s32 s31, $0x20  }
.Ltmp3:
0x3a: {  	_ = 	snop;
	(pc) =	sbr.rel @!p1 .LBB2_24-.Ltmp3, $3  }
0x3b: {  	_ =	sdelay $0x1  }
0x3c: {  	[bflag:$0x0] =	sbarrier.arrive $0xFFFF;
	s17 =	sadd.s32 $0x64000, s17  }
0x3d: {  	s2 =	sadd.s32 $0x64000, s2;
	s6 =	sadd.s32 $0x64000, s6;
	s9 =	sadd.s32 $0x64000, s9  }
.LBB2_2:
0x3e: {  	s11 =	sshrl.u32 s31, $0x3  }
0x3f: {  	s12 =	sshll.u32 s31, $0x7;
	s1 =	smul.u32 $0x7A1400, s11  }
0x40: {  	s12 =	sand.u32 $0x380, s12  }
0x41: {  	s13 =	sadd.s32 @p0 s12, s1  }
0x42: {  	s15 =	simm.s32 @p0 $0x1;
	s13 =	sadd.s32 @p0 $0x726000, s13  }
0x43: {  	s16 =	simm.s32 @p0 $0x10;
	s18 =	simm.s32 @p0 $0x80;
	s13 =	sshrl.u32 @p0 s13, $0x3  }
0x44: {  	s19 =	simm.s32 @p0 $0x1FC1;
	s22 =	rddreg [dreg:$0x16];
	s13 =	sadd.s32 @p0 s20, s13  }
0x45: {  	[spmem:s22@s16], [sflag:s19] =	dma.strided @p0 [hbm:s13@s18], $0x1EC0, s15, $0x10   }
0x46: {  	s18 =	rddreg [dreg:$0x10];
	_ =	swait.ge @p0 [sflag:s15], $0x1EC0  }
0x47: {  	[sflag:s15] =	ssyncset.done @p0 $0x0  }
0x48: {  	s13 =	sshll.u32 @p0 s31, $0x4;
	[sflag:s15] =	ssyncadd.s32 @p0 $0xFFFFE140;
	s15 =	rddreg [dreg:$0x6]  }
0x49: {  	s16 =	simm.s32 @p0 $0x9000;
	s13 =	sadd.s32 @p0 s15, s13;
	s15 =	simm.s32 @p0 $0x0  }
0x4a: {  	[tilespmem:s16], [sflag:$0x12] =	stream.linear.gather @p0 [hbm4b:s13+s15], $0x80, $0x38;
	[tilespmem:$0x184A8] =	vst v63  }
0x4b: {  	[dreg:$0x1f] =	wrdreg s31;
	s13 =	simm.s32 @p0 $0x12  }
0x4c: {  	_ =	swait.ge @p0 [sflag:s13], $0x80  }
0x4d: {  	[sflag:s13] =	ssyncset.done @p0 $0x0  }
0x4e: {  	s15 =	rddreg [dreg:$0xa];
	[sflag:s13] =	ssyncadd.s32 @p0 $0xFFFFFF80  }
0x4f: {  	[spmem:s15] =	stream.linear.scatter @p0 [tilespmem:s16], [sflag:$0x12], $0x80, $0x38;
	[tilespmem:$0x184A8] =	vst v63  }
0x50: {  	s15 =	rddreg [dreg:$0x8]  }
0x51: {  	s16 =	simm.s32 @!p0 $0x80;
	s1 =	sadd.s32 @!p0 s15, s1  }
0x52: {  	_ =	swait.ge @p0 [sflag:s13], $0x80;
	s15 =	simm.s32 @!p0 $0x10;
	s1 =	sor.u32 @!p0 s12, s1  }
0x53: {  	[sflag:s13] =	ssyncset.done @p0 $0x0;
	s12 =	stileid.u32;
	s19 =	rddreg [dreg:$0x17]  }
0x54: {  	s1 =	sshrl.u32 @!p0 s1, $0x3;
	s12 =	sshll.u32 @!p0 s12, $0x6;
	[sflag:s13] =	ssyncadd.s32 @p0 $0xFFFFFF80  }
0x55: {  	s13 =	simm.s32 @!p0 $0x1;
	s1 =	sadd.s32 @!p0 s20, s1;
	s12 =	sor.u32 @!p0 $0x1C01, s12  }
0x56: {  	[spmem:s19@s15], [sflag:s12] =	dma.strided @!p0 [hbm:s1@s16], $0x1E80, s13, $0x10   }
0x57: {  	s16 =	rddreg [dreg:$0xf];
	_ =	swait.ge @!p0 [sflag:s13], $0x1E80  }
0x58: {  	[sflag:s13] =	ssyncset.done @!p0 $0x0  }
0x59: {  	s1 =	simm.s32 $0x0;
	s15 =	rddreg [dreg:$0xb];
	[sflag:s13] =	ssyncadd.s32 @!p0 $0xFFFFE180  }
0x5a: {  	[tilespmem:s1], [sflag:$0x2] =	stream.linear.gather [hbm4b:s15+s1], $0x200, $0x38;
	[tilespmem:$0x184A8] =	vst v63  }
0x5b: {  	s19 =	rddreg [dreg:$0x18]  }
0x5c: {  	[tilespmem:s0], [sflag:$0x3] =	stream.linear.gather [hbm4b:s19+s1], $0x200, $0x38;
	[tilespmem:$0x184A8] =	vst v63  }
0x5d: {  	s22 =	rddreg [dreg:$0x19];
	s19 =	simm.s32 $0x400  }
0x5e: {  	[tilespmem:s19], [sflag:$0x4] =	stream.linear.gather [hbm4b:s22+s1], $0x200, $0x38;
	[tilespmem:$0x184A8] =	vst v63  }
0x5f: {  	s31 =	rddreg [dreg:$0x1a];
	s22 =	simm.s32 $0x600  }
0x60: {  	[tilespmem:s22], [sflag:$0x5] =	stream.linear.gather [hbm4b:s31+s1], $0x200, $0x38;
	[tilespmem:$0x184A8] =	vst v63  }
0x61: {  	[bflag:$0x0] =	sbarrier.arrive $0xFFFF  }
0x62: {  	s12 =	rddreg [dreg:$0x11]  }
0x63: {  	s15 =	rddreg [dreg:$0xe]  }
.LBB2_3:
0x64: {  	_ =	swait.ge [sflag:s21], $0x200  }
0x65: {  	p1 =	seq.s32 s1, $0x0;
	[sflag:s21] =	ssyncset.done $0x0  }
0x66: {  	s13 =	simm.s32 @!p1 $0xA;
	[sflag:s21] =	ssyncadd.s32 $0xFFFFFE00  }
0x67: {  	_ =	swait.ge @!p1 [sflag:s13], $0x200  }
0x68: {  	[sflag:s13] =	ssyncset.done @!p1 $0x0  }
0x69: {  	s31 =	simm.s32 $0x800;
	p2 =	sne.s32 s1, $0x62000;
	[sflag:s13] =	ssyncadd.s32 @!p1 $0xFFFFFE00  }
0x6a: {  	[tilespmem:s31], [sflag:$0x6] =	stream.indirect.gather [spmem:s3], $0x1, s4, s0, $0xb8;
	[tilespmem:$0x184A8] =	vst v63  }
.Ltmp4:
0x6b: {  	_ = 	snop;
	(pc) =	sbr.rel @p2 .LBB2_5-.Ltmp4, $4  }
0x6c: {  	_ =	swait.ge [sflag:s23], $0x200  }
0x6d: {  	[sflag:s23] =	ssyncset.done $0x0  }
0x6e: {  	s13 =	sadd.s32 s1, s6;
	[sflag:s23] =	ssyncadd.s32 $0xFFFFFE00  }
0x6f: {  	[hbm4b:s13+s4] =	stream.linear.scatter [tilespmem:s31], [sflag:$0xA], $0x200, $0x38;
	[tilespmem:$0x184A8] =	vst v63  }
.Ltmp5:
0x70: {  	(pc) =	sbr.rel .LBB2_6-.Ltmp5, $4  }
0x71: {  	_ = 	snop  }
0x72: {  	_ =	swait.ge [sflag:s5], $0x200  }
0x73: {  	[sflag:s5] =	ssyncset.done $0x0  }
0x74: {  	[sflag:s5] =	ssyncadd.s32 $0xFFFFFE00  }
.LBB2_5:
0x75: {  	s13 =	sshrl.u32 s12, $0x3  }
.Ltmp6:
0x76: {  	s13 =	sadd.s32 s30, s13;
	(pc) =	sbr.rel @p1 .LBB2_7-.Ltmp6, $4  }
0x77: {  	[tilespmem:s4], [sflag:$0x2] =	stream.linear.gather [hbm4b:s13+s4], $0x200, $0x38;
	[tilespmem:$0x184A8] =	vst v63  }
0x78: {  	_ =	swait.ge [sflag:s5], $0x200  }
0x79: {  	[sflag:s5] =	ssyncset.done $0x0  }
0x7a: {  	[sflag:s5] =	ssyncadd.s32 $0xFFFFFE00  }
.LBB2_6:
0x7b: {  	s13 =	simm.s32 $0xB  }
0x7c: {  	_ =	swait.ge [sflag:s13], $0x200  }
0x7d: {  	[sflag:s13] =	ssyncset.done $0x0  }
0x7e: {  	[sflag:s13] =	ssyncadd.s32 $0xFFFFFE00  }
.LBB2_7:
0x7f: {  	s31 =	simm.s32 $0xA00  }
0x80: {  	[tilespmem:s31], [sflag:$0x7] =	stream.indirect.gather [spmem:s3], $0x1, s0, s0, $0xb8;
	[tilespmem:$0x184A8] =	vst v63  }
.Ltmp7:
0x81: {  	_ = 	snop;
	(pc) =	sbr.rel @p2 .LBB2_9-.Ltmp7, $4  }
0x82: {  	_ =	swait.ge [sflag:s7], $0x200  }
0x83: {  	[sflag:s7] =	ssyncset.done $0x0  }
0x84: {  	s13 =	sadd.s32 s1, s9;
	[sflag:s7] =	ssyncadd.s32 $0xFFFFFE00  }
0x85: {  	[hbm4b:s13+s4] =	stream.linear.scatter [tilespmem:s31], [sflag:$0xB], $0x200, $0x38;
	[tilespmem:$0x184A8] =	vst v63  }
.Ltmp8:
0x86: {  	(pc) =	sbr.rel .LBB2_10-.Ltmp8, $4  }
0x87: {  	_ = 	snop  }
0x88: {  	_ =	swait.ge [sflag:s10], $0x200  }
0x89: {  	[sflag:s10] =	ssyncset.done $0x0  }
0x8a: {  	[sflag:s10] =	ssyncadd.s32 $0xFFFFFE00  }
.LBB2_9:
.Ltmp9:
0x8b: {  	s13 =	sadd.s32 s1, s18;
	(pc) =	sbr.rel @p1 .LBB2_11-.Ltmp9, $4  }
0x8c: {  	[tilespmem:s0], [sflag:$0x3] =	stream.linear.gather [hbm4b:s13+s4], $0x200, $0x38;
	[tilespmem:$0x184A8] =	vst v63  }
0x8d: {  	_ =	swait.ge [sflag:s10], $0x200  }
0x8e: {  	[sflag:s10] =	ssyncset.done $0x0  }
0x8f: {  	[sflag:s10] =	ssyncadd.s32 $0xFFFFFE00  }
.LBB2_10:
0x90: {  	s13 =	simm.s32 $0xC  }
0x91: {  	_ =	swait.ge [sflag:s13], $0x200  }
0x92: {  	[sflag:s13] =	ssyncset.done $0x0  }
0x93: {  	[sflag:s13] =	ssyncadd.s32 $0xFFFFFE00  }
.LBB2_11:
0x94: {  	s31 =	simm.s32 $0xC00  }
0x95: {  	[tilespmem:s31], [sflag:$0x8] =	stream.indirect.gather [spmem:s3], $0x1, s19, s0, $0xb8;
	[tilespmem:$0x184A8] =	vst v63  }
.Ltmp10:
0x96: {  	_ = 	snop;
	(pc) =	sbr.rel @p2 .LBB2_13-.Ltmp10, $4  }
0x97: {  	_ =	swait.ge [sflag:s24], $0x200  }
0x98: {  	[sflag:s24] =	ssyncset.done $0x0  }
0x99: {  	s13 =	sadd.s32 s1, s2;
	[sflag:s24] =	ssyncadd.s32 $0xFFFFFE00  }
0x9a: {  	[hbm4b:s13+s4] =	stream.linear.scatter [tilespmem:s31], [sflag:$0xC], $0x200, $0x38;
	[tilespmem:$0x184A8] =	vst v63  }
.Ltmp11:
0x9b: {  	(pc) =	sbr.rel .LBB2_14-.Ltmp11, $4  }
0x9c: {  	_ = 	snop  }
0x9d: {  	_ =	swait.ge [sflag:s25], $0x200  }
0x9e: {  	[sflag:s25] =	ssyncset.done $0x0  }
0x9f: {  	[sflag:s25] =	ssyncadd.s32 $0xFFFFFE00  }
.LBB2_13:
.Ltmp12:
0xa0: {  	s13 =	sadd.s32 s1, s16;
	(pc) =	sbr.rel @p1 .LBB2_15-.Ltmp12, $4  }
0xa1: {  	[tilespmem:s19], [sflag:$0x4] =	stream.linear.gather [hbm4b:s13+s4], $0x200, $0x38;
	[tilespmem:$0x184A8] =	vst v63  }
0xa2: {  	_ =	swait.ge [sflag:s25], $0x200  }
0xa3: {  	[sflag:s25] =	ssyncset.done $0x0  }
0xa4: {  	[sflag:s25] =	ssyncadd.s32 $0xFFFFFE00  }
.LBB2_14:
0xa5: {  	s13 =	simm.s32 $0xD  }
0xa6: {  	_ =	swait.ge [sflag:s13], $0x200  }
0xa7: {  	[sflag:s13] =	ssyncset.done $0x0  }
0xa8: {  	[sflag:s13] =	ssyncadd.s32 $0xFFFFFE00  }
.LBB2_15:
0xa9: {  	s31 =	simm.s32 $0xE00;
	p1 =	seq.s32 s1, $0x62000  }
0xaa: {  	[tilespmem:s31], [sflag:$0x9] =	stream.indirect.gather [spmem:s3], $0x1, s22, s0, $0xb8;
	[tilespmem:$0x184A8] =	vst v63  }
.Ltmp13:
0xab: {  	_ = 	snop;
	(pc) =	sbr.rel @p1 .LBB2_17-.Ltmp13, $4  }
0xac: {  	_ =	swait.ge [sflag:s28], $0x200  }
0xad: {  	[sflag:s28] =	ssyncset.done $0x0  }
0xae: {  	s13 =	sadd.s32 s1, s17;
	[sflag:s28] =	ssyncadd.s32 $0xFFFFFE00  }
0xaf: {  	[hbm4b:s13+s4] =	stream.linear.scatter [tilespmem:s31], [sflag:$0xD], $0x200, $0x38;
	[tilespmem:$0x184A8] =	vst v63  }
.Ltmp14:
0xb0: {  	(pc) =	sbr.rel .LBB2_3-.Ltmp14, $3  }
0xb1: {  	_ =	sdelay $0x1  }
0xb2: {  	s13 =	sadd.s32 s1, s15;
	s1 =	sadd.s32 $0x2000, s1;
	s12 =	sadd.s32 $0x10000, s12  }
0xb3: {  	[tilespmem:s22], [sflag:$0x5] =	stream.linear.gather [hbm4b:s13+s4], $0x200, $0x38;
	[tilespmem:$0x184A8] =	vst v63  }
.LBB2_17:
0xb4: {  	s1 =	simm.s32 $0xA  }
0xb5: {  	_ =	swait.ge [sflag:s1], $0x200  }
0xb6: {  	[sflag:s1] =	ssyncset.done $0x0  }
0xb7: {  	s18 =	simm.s32 $0xB;
	[sflag:s1] =	ssyncadd.s32 $0xFFFFFE00  }
0xb8: {  	_ =	swait.ge [sflag:s18], $0x200  }
0xb9: {  	[sflag:s18] =	ssyncset.done $0x0  }
0xba: {  	s19 =	simm.s32 $0xC;
	[sflag:s18] =	ssyncadd.s32 $0xFFFFFE00  }
0xbb: {  	_ =	swait.ge [sflag:s19], $0x200  }
0xbc: {  	[sflag:s19] =	ssyncset.done $0x0  }
0xbd: {  	s12 =	simm.s32 $0xD;
	[sflag:s19] =	ssyncadd.s32 $0xFFFFFE00  }
0xbe: {  	_ =	swait.ge [sflag:s12], $0x200  }
0xbf: {  	s31 =	rddreg [dreg:$0x1f]  }
0xc0: {  	s22 =	sand.u32 $0x7, s31  }
0xc1: {  	p1 =	sne.s32 s22, $0x7  }
.Ltmp15:
0xc2: {  	_ = 	snop;
	(pc) =	sbr.rel @p1 .LBB2_23-.Ltmp15, $3  }
0xc3: {  	[sflag:s12] =	ssyncset.done $0x0  }
0xc4: {  	[sflag:s12] =	ssyncadd.s32 $0xFFFFFE00  }
0xc5: {  	[bflag:$0x0] =	sbarrier.arrive $0xFFFF;
	_ =	sdelay $0x1  }
0xc6: {  	[dreg:$0x1e] =	wrdreg s6;
	s6 =	smul.u32 $0x640, s11  }
0xc7: {  	s16 =	rddreg [dreg:$0x1b]  }
0xc8: {  	s1 =	sadd.s32 s16, s6  }
0xc9: {  	s15 =	rddreg [dreg:$0xc];
	s1 =	sshll.u32 s1, $0xE  }
0xca: {  	s1 =	sor.u32 s15, s1  }
0xcb: {  	s1 =	sshrl.u32 s1, $0x3  }
0xcc: {  	s30 =	simm.s32 $0x0;
	s12 =	simm.s32 $0x1000;
	s1 =	sadd.s32 s8, s1  }
0xcd: {  	[tilespmem:s12], [sflag:$0xE] =	stream.linear.gather [hbm4b:s1+s30], $0x80, $0x38;
	[tilespmem:$0x184A8] =	vst v63  }
0xce: {  	s13 =	simm.s32 $0x1400;
	s22 =	sadd.s32 $0x10, s1  }
0xcf: {  	[tilespmem:s13], [sflag:$0xE] =	stream.linear.gather [hbm4b:s22+s30], $0x80, $0x38;
	[tilespmem:$0x184A8] =	vst v63  }
0xd0: {  	[smem:$0x7F8] =	sst s9;
	s9 =	simm.s32 $0x1800;
	s31 =	sadd.s32 $0x20, s1  }
0xd1: {  	[tilespmem:s9], [sflag:$0xE] =	stream.linear.gather [hbm4b:s31+s30], $0x80, $0x38;
	[tilespmem:$0x184A8] =	vst v63  }
0xd2: {  	s19 =	simm.s32 $0x1C00;
	s18 =	sadd.s32 $0x30, s1  }
0xd3: {  	[tilespmem:s19], [sflag:$0xE] =	stream.linear.gather [hbm4b:s18+s30], $0x80, $0x38;
	[tilespmem:$0x184A8] =	vst v63  }
0xd4: {  	s20 =	sadd.s32 $0x40, s1;
	s22 =	simm.s32 $0x2000  }
0xd5: {  	[tilespmem:s22], [sflag:$0xE] =	stream.linear.gather [hbm4b:s20+s30], $0x80, $0x38;
	[tilespmem:$0x184A8] =	vst v63  }
0xd6: {  	s31 =	sadd.s32 $0x50, s1;
	s9 =	simm.s32 $0x2400  }
0xd7: {  	[tilespmem:s9], [sflag:$0xE] =	stream.linear.gather [hbm4b:s31+s30], $0x80, $0x38;
	[tilespmem:$0x184A8] =	vst v63  }
0xd8: {  	s18 =	sadd.s32 $0x60, s1;
	s19 =	simm.s32 $0x2800  }
0xd9: {  	[tilespmem:s19], [sflag:$0xE] =	stream.linear.gather [hbm4b:s18+s30], $0x80, $0x38;
	[tilespmem:$0x184A8] =	vst v63  }
0xda: {  	s20 =	sadd.s32 $0x70, s1;
	s22 =	simm.s32 $0x2C00  }
0xdb: {  	[tilespmem:s22], [sflag:$0xE] =	stream.linear.gather [hbm4b:s20+s30], $0x80, $0x38;
	[tilespmem:$0x184A8] =	vst v63  }
0xdc: {  	s31 =	sadd.s32 $0x80, s1;
	s9 =	simm.s32 $0x3000  }
0xdd: {  	[tilespmem:s9], [sflag:$0xE] =	stream.linear.gather [hbm4b:s31+s30], $0x80, $0x38;
	[tilespmem:$0x184A8] =	vst v63  }
0xde: {  	s18 =	sadd.s32 $0x90, s1;
	s19 =	simm.s32 $0x3400  }
0xdf: {  	[tilespmem:s19], [sflag:$0xE] =	stream.linear.gather [hbm4b:s18+s30], $0x80, $0x38;
	[tilespmem:$0x184A8] =	vst v63  }
0xe0: {  	s20 =	sadd.s32 $0xA0, s1;
	s22 =	simm.s32 $0x3800  }
0xe1: {  	[tilespmem:s22], [sflag:$0xE] =	stream.linear.gather [hbm4b:s20+s30], $0x80, $0x38;
	[tilespmem:$0x184A8] =	vst v63  }
0xe2: {  	s31 =	sadd.s32 $0xB0, s1;
	s9 =	simm.s32 $0x3C00  }
0xe3: {  	[tilespmem:s9], [sflag:$0xE] =	stream.linear.gather [hbm4b:s31+s30], $0x80, $0x38;
	[tilespmem:$0x184A8] =	vst v63  }
0xe4: {  	s18 =	sadd.s32 $0xC0, s1;
	s19 =	simm.s32 $0x4000  }
0xe5: {  	[tilespmem:s19], [sflag:$0xE] =	stream.linear.gather [hbm4b:s18+s30], $0x80, $0x38;
	[tilespmem:$0x184A8] =	vst v63  }
0xe6: {  	s20 =	sadd.s32 $0xD0, s1;
	s22 =	simm.s32 $0x4400  }
0xe7: {  	[tilespmem:s22], [sflag:$0xE] =	stream.linear.gather [hbm4b:s20+s30], $0x80, $0x38;
	[tilespmem:$0x184A8] =	vst v63  }
0xe8: {  	s31 =	sadd.s32 $0xE0, s1;
	s9 =	simm.s32 $0x4800  }
0xe9: {  	[tilespmem:s9], [sflag:$0xE] =	stream.linear.gather [hbm4b:s31+s30], $0x80, $0x38;
	[tilespmem:$0x184A8] =	vst v63  }
0xea: {  	s13 =	simm.s32 $0x4C00;
	s1 =	sadd.s32 $0xF0, s1;
	s18 =	sadd.s32 $0xC8, s6  }
0xeb: {  	[tilespmem:s13], [sflag:$0xE] =	stream.linear.gather [hbm4b:s1+s30], $0x80, $0x38;
	[tilespmem:$0x184A8] =	vst v63  }
0xec: {  	s1 =	sadd.s32 s16, s18  }
0xed: {  	s1 =	sshll.u32 s1, $0xE  }
0xee: {  	s1 =	sor.u32 s15, s1  }
0xef: {  	s1 =	sshrl.u32 s1, $0x3  }
0xf0: {  	s19 =	simm.s32 $0x1080;
	s1 =	sadd.s32 s8, s1  }
0xf1: {  	[tilespmem:s19], [sflag:$0xE] =	stream.linear.gather [hbm4b:s1+s30], $0x80, $0x38;
	[tilespmem:$0x184A8] =	vst v63  }
0xf2: {  	s22 =	simm.s32 $0x1480;
	s20 =	sadd.s32 $0x10, s1  }
0xf3: {  	[tilespmem:s22], [sflag:$0xE] =	stream.linear.gather [hbm4b:s20+s30], $0x80, $0x38;
	[tilespmem:$0x184A8] =	vst v63  }
0xf4: {  	s9 =	simm.s32 $0x1880;
	s31 =	sadd.s32 $0x20, s1  }
0xf5: {  	[tilespmem:s9], [sflag:$0xE] =	stream.linear.gather [hbm4b:s31+s30], $0x80, $0x38;
	[tilespmem:$0x184A8] =	vst v63  }
0xf6: {  	[smem:$0x7F9] =	sst s18;
	s18 =	sadd.s32 $0x30, s1;
	s19 =	simm.s32 $0x1C80  }
0xf7: {  	[tilespmem:s19], [sflag:$0xE] =	stream.linear.gather [hbm4b:s18+s30], $0x80, $0x38;
	[tilespmem:$0x184A8] =	vst v63  }
0xf8: {  	s20 =	sadd.s32 $0x40, s1;
	s22 =	simm.s32 $0x2080  }
0xf9: {  	[tilespmem:s22], [sflag:$0xE] =	stream.linear.gather [hbm4b:s20+s30], $0x80, $0x38;
	[tilespmem:$0x184A8] =	vst v63  }
0xfa: {  	s31 =	sadd.s32 $0x50, s1;
	s9 =	simm.s32 $0x2480  }
0xfb: {  	[tilespmem:s9], [sflag:$0xE] =	stream.linear.gather [hbm4b:s31+s30], $0x80, $0x38;
	[tilespmem:$0x184A8] =	vst v63  }
0xfc: {  	s18 =	sadd.s32 $0x60, s1;
	s19 =	simm.s32 $0x2880  }
0xfd: {  	[tilespmem:s19], [sflag:$0xE] =	stream.linear.gather [hbm4b:s18+s30], $0x80, $0x38;
	[tilespmem:$0x184A8] =	vst v63  }
0xfe: {  	s20 =	sadd.s32 $0x70, s1;
	s22 =	simm.s32 $0x2C80  }
0xff: {  	[tilespmem:s22], [sflag:$0xE] =	stream.linear.gather [hbm4b:s20+s30], $0x80, $0x38;
	[tilespmem:$0x184A8] =	vst v63  }
0x100: {  	s31 =	sadd.s32 $0x80, s1;
	s9 =	simm.s32 $0x3080  }
0x101: {  	[tilespmem:s9], [sflag:$0xE] =	stream.linear.gather [hbm4b:s31+s30], $0x80, $0x38;
	[tilespmem:$0x184A8] =	vst v63  }
0x102: {  	s18 =	sadd.s32 $0x90, s1;
	s19 =	simm.s32 $0x3480  }
0x103: {  	[tilespmem:s19], [sflag:$0xE] =	stream.linear.gather [hbm4b:s18+s30], $0x80, $0x38;
	[tilespmem:$0x184A8] =	vst v63  }
0x104: {  	s20 =	sadd.s32 $0xA0, s1;
	s22 =	simm.s32 $0x3880  }
0x105: {  	[tilespmem:s22], [sflag:$0xE] =	stream.linear.gather [hbm4b:s20+s30], $0x80, $0x38;
	[tilespmem:$0x184A8] =	vst v63  }
0x106: {  	s31 =	sadd.s32 $0xB0, s1;
	s9 =	simm.s32 $0x3C80  }
0x107: {  	[tilespmem:s9], [sflag:$0xE] =	stream.linear.gather [hbm4b:s31+s30], $0x80, $0x38;
	[tilespmem:$0x184A8] =	vst v63  }
0x108: {  	s18 =	sadd.s32 $0xC0, s1;
	s19 =	simm.s32 $0x4080  }
0x109: {  	[tilespmem:s19], [sflag:$0xE] =	stream.linear.gather [hbm4b:s18+s30], $0x80, $0x38;
	[tilespmem:$0x184A8] =	vst v63  }
0x10a: {  	s20 =	sadd.s32 $0xD0, s1;
	s22 =	simm.s32 $0x4480  }
0x10b: {  	[tilespmem:s22], [sflag:$0xE] =	stream.linear.gather [hbm4b:s20+s30], $0x80, $0x38;
	[tilespmem:$0x184A8] =	vst v63  }
0x10c: {  	s31 =	sadd.s32 $0xE0, s1;
	s9 =	simm.s32 $0x4880  }
0x10d: {  	[tilespmem:s9], [sflag:$0xE] =	stream.linear.gather [hbm4b:s31+s30], $0x80, $0x38;
	[tilespmem:$0x184A8] =	vst v63  }
0x10e: {  	s13 =	simm.s32 $0x4C80;
	s1 =	sadd.s32 $0xF0, s1;
	s18 =	sadd.s32 $0x190, s6  }
0x10f: {  	[tilespmem:s13], [sflag:$0xE] =	stream.linear.gather [hbm4b:s1+s30], $0x80, $0x38;
	[tilespmem:$0x184A8] =	vst v63  }
0x110: {  	s1 =	sadd.s32 s16, s18  }
0x111: {  	s1 =	sshll.u32 s1, $0xE  }
0x112: {  	s1 =	sor.u32 s15, s1  }
0x113: {  	s1 =	sshrl.u32 s1, $0x3  }
0x114: {  	s19 =	simm.s32 $0x1100;
	s1 =	sadd.s32 s8, s1  }
0x115: {  	[tilespmem:s19], [sflag:$0xE] =	stream.linear.gather [hbm4b:s1+s30], $0x80, $0x38;
	[tilespmem:$0x184A8] =	vst v63  }
0x116: {  	s22 =	simm.s32 $0x1500;
	s20 =	sadd.s32 $0x10, s1  }
0x117: {  	[tilespmem:s22], [sflag:$0xE] =	stream.linear.gather [hbm4b:s20+s30], $0x80, $0x38;
	[tilespmem:$0x184A8] =	vst v63  }
0x118: {  	s9 =	simm.s32 $0x1900;
	s31 =	sadd.s32 $0x20, s1  }
0x119: {  	[tilespmem:s9], [sflag:$0xE] =	stream.linear.gather [hbm4b:s31+s30], $0x80, $0x38;
	[tilespmem:$0x184A8] =	vst v63  }
0x11a: {  	[smem:$0x7FA] =	sst s18;
	s18 =	sadd.s32 $0x30, s1;
	s19 =	simm.s32 $0x1D00  }
0x11b: {  	[tilespmem:s19], [sflag:$0xE] =	stream.linear.gather [hbm4b:s18+s30], $0x80, $0x38;
	[tilespmem:$0x184A8] =	vst v63  }
0x11c: {  	s20 =	sadd.s32 $0x40, s1;
	s22 =	simm.s32 $0x2100  }
0x11d: {  	[tilespmem:s22], [sflag:$0xE] =	stream.linear.gather [hbm4b:s20+s30], $0x80, $0x38;
	[tilespmem:$0x184A8] =	vst v63  }
0x11e: {  	s31 =	sadd.s32 $0x50, s1;
	s9 =	simm.s32 $0x2500  }
0x11f: {  	[tilespmem:s9], [sflag:$0xE] =	stream.linear.gather [hbm4b:s31+s30], $0x80, $0x38;
	[tilespmem:$0x184A8] =	vst v63  }
0x120: {  	s18 =	sadd.s32 $0x60, s1;
	s19 =	simm.s32 $0x2900  }
0x121: {  	[tilespmem:s19], [sflag:$0xE] =	stream.linear.gather [hbm4b:s18+s30], $0x80, $0x38;
	[tilespmem:$0x184A8] =	vst v63  }
0x122: {  	s20 =	sadd.s32 $0x70, s1;
	s22 =	simm.s32 $0x2D00  }
0x123: {  	[tilespmem:s22], [sflag:$0xE] =	stream.linear.gather [hbm4b:s20+s30], $0x80, $0x38;
	[tilespmem:$0x184A8] =	vst v63  }
0x124: {  	s31 =	sadd.s32 $0x80, s1;
	s9 =	simm.s32 $0x3100  }
0x125: {  	[tilespmem:s9], [sflag:$0xE] =	stream.linear.gather [hbm4b:s31+s30], $0x80, $0x38;
	[tilespmem:$0x184A8] =	vst v63  }
0x126: {  	s18 =	sadd.s32 $0x90, s1;
	s19 =	simm.s32 $0x3500  }
0x127: {  	[tilespmem:s19], [sflag:$0xE] =	stream.linear.gather [hbm4b:s18+s30], $0x80, $0x38;
	[tilespmem:$0x184A8] =	vst v63  }
0x128: {  	s20 =	sadd.s32 $0xA0, s1;
	s22 =	simm.s32 $0x3900  }
0x129: {  	[tilespmem:s22], [sflag:$0xE] =	stream.linear.gather [hbm4b:s20+s30], $0x80, $0x38;
	[tilespmem:$0x184A8] =	vst v63  }
0x12a: {  	s31 =	sadd.s32 $0xB0, s1;
	s9 =	simm.s32 $0x3D00  }
0x12b: {  	[tilespmem:s9], [sflag:$0xE] =	stream.linear.gather [hbm4b:s31+s30], $0x80, $0x38;
	[tilespmem:$0x184A8] =	vst v63  }
0x12c: {  	s18 =	sadd.s32 $0xC0, s1;
	s19 =	simm.s32 $0x4100  }
0x12d: {  	[tilespmem:s19], [sflag:$0xE] =	stream.linear.gather [hbm4b:s18+s30], $0x80, $0x38;
	[tilespmem:$0x184A8] =	vst v63  }
0x12e: {  	s20 =	sadd.s32 $0xD0, s1;
	s22 =	simm.s32 $0x4500  }
0x12f: {  	[tilespmem:s22], [sflag:$0xE] =	stream.linear.gather [hbm4b:s20+s30], $0x80, $0x38;
	[tilespmem:$0x184A8] =	vst v63  }
0x130: {  	s31 =	sadd.s32 $0xE0, s1;
	s9 =	simm.s32 $0x4900  }
0x131: {  	[tilespmem:s9], [sflag:$0xE] =	stream.linear.gather [hbm4b:s31+s30], $0x80, $0x38;
	[tilespmem:$0x184A8] =	vst v63  }
0x132: {  	s13 =	simm.s32 $0x4D00;
	s1 =	sadd.s32 $0xF0, s1;
	s18 =	sadd.s32 $0x258, s6  }
0x133: {  	[tilespmem:s13], [sflag:$0xE] =	stream.linear.gather [hbm4b:s1+s30], $0x80, $0x38;
	[tilespmem:$0x184A8] =	vst v63  }
0x134: {  	s1 =	sadd.s32 s16, s18  }
0x135: {  	s1 =	sshll.u32 s1, $0xE  }
0x136: {  	s1 =	sor.u32 s15, s1  }
0x137: {  	s1 =	sshrl.u32 s1, $0x3  }
0x138: {  	s19 =	simm.s32 $0x1180;
	s1 =	sadd.s32 s8, s1  }
0x139: {  	[tilespmem:s19], [sflag:$0xE] =	stream.linear.gather [hbm4b:s1+s30], $0x80, $0x38;
	[tilespmem:$0x184A8] =	vst v63  }
0x13a: {  	s22 =	simm.s32 $0x1580;
	s20 =	sadd.s32 $0x10, s1  }
0x13b: {  	[tilespmem:s22], [sflag:$0xE] =	stream.linear.gather [hbm4b:s20+s30], $0x80, $0x38;
	[tilespmem:$0x184A8] =	vst v63  }
0x13c: {  	s9 =	simm.s32 $0x1980;
	s31 =	sadd.s32 $0x20, s1  }
0x13d: {  	[tilespmem:s9], [sflag:$0xE] =	stream.linear.gather [hbm4b:s31+s30], $0x80, $0x38;
	[tilespmem:$0x184A8] =	vst v63  }
0x13e: {  	[smem:$0x7FB] =	sst s18;
	s18 =	sadd.s32 $0x30, s1;
	s19 =	simm.s32 $0x1D80  }
0x13f: {  	[tilespmem:s19], [sflag:$0xE] =	stream.linear.gather [hbm4b:s18+s30], $0x80, $0x38;
	[tilespmem:$0x184A8] =	vst v63  }
0x140: {  	s20 =	sadd.s32 $0x40, s1;
	s22 =	simm.s32 $0x2180  }
0x141: {  	[tilespmem:s22], [sflag:$0xE] =	stream.linear.gather [hbm4b:s20+s30], $0x80, $0x38;
	[tilespmem:$0x184A8] =	vst v63  }
0x142: {  	s31 =	sadd.s32 $0x50, s1;
	s9 =	simm.s32 $0x2580  }
0x143: {  	[tilespmem:s9], [sflag:$0xE] =	stream.linear.gather [hbm4b:s31+s30], $0x80, $0x38;
	[tilespmem:$0x184A8] =	vst v63  }
0x144: {  	s18 =	sadd.s32 $0x60, s1;
	s19 =	simm.s32 $0x2980  }
0x145: {  	[tilespmem:s19], [sflag:$0xE] =	stream.linear.gather [hbm4b:s18+s30], $0x80, $0x38;
	[tilespmem:$0x184A8] =	vst v63  }
0x146: {  	s20 =	sadd.s32 $0x70, s1;
	s22 =	simm.s32 $0x2D80  }
0x147: {  	[tilespmem:s22], [sflag:$0xE] =	stream.linear.gather [hbm4b:s20+s30], $0x80, $0x38;
	[tilespmem:$0x184A8] =	vst v63  }
0x148: {  	s31 =	sadd.s32 $0x80, s1;
	s9 =	simm.s32 $0x3180  }
0x149: {  	[tilespmem:s9], [sflag:$0xE] =	stream.linear.gather [hbm4b:s31+s30], $0x80, $0x38;
	[tilespmem:$0x184A8] =	vst v63  }
0x14a: {  	s18 =	sadd.s32 $0x90, s1;
	s19 =	simm.s32 $0x3580  }
0x14b: {  	[tilespmem:s19], [sflag:$0xE] =	stream.linear.gather [hbm4b:s18+s30], $0x80, $0x38;
	[tilespmem:$0x184A8] =	vst v63  }
0x14c: {  	s20 =	sadd.s32 $0xA0, s1;
	s22 =	simm.s32 $0x3980  }
0x14d: {  	[tilespmem:s22], [sflag:$0xE] =	stream.linear.gather [hbm4b:s20+s30], $0x80, $0x38;
	[tilespmem:$0x184A8] =	vst v63  }
0x14e: {  	s31 =	sadd.s32 $0xB0, s1;
	s9 =	simm.s32 $0x3D80  }
0x14f: {  	[tilespmem:s9], [sflag:$0xE] =	stream.linear.gather [hbm4b:s31+s30], $0x80, $0x38;
	[tilespmem:$0x184A8] =	vst v63  }
0x150: {  	s18 =	sadd.s32 $0xC0, s1;
	s19 =	simm.s32 $0x4180  }
0x151: {  	[tilespmem:s19], [sflag:$0xE] =	stream.linear.gather [hbm4b:s18+s30], $0x80, $0x38;
	[tilespmem:$0x184A8] =	vst v63  }
0x152: {  	s20 =	sadd.s32 $0xD0, s1;
	s22 =	simm.s32 $0x4580  }
0x153: {  	[tilespmem:s22], [sflag:$0xE] =	stream.linear.gather [hbm4b:s20+s30], $0x80, $0x38;
	[tilespmem:$0x184A8] =	vst v63  }
0x154: {  	s31 =	sadd.s32 $0xE0, s1;
	s9 =	simm.s32 $0x4980  }
0x155: {  	[tilespmem:s9], [sflag:$0xE] =	stream.linear.gather [hbm4b:s31+s30], $0x80, $0x38;
	[tilespmem:$0x184A8] =	vst v63  }
0x156: {  	s13 =	simm.s32 $0x4D80;
	s1 =	sadd.s32 $0xF0, s1;
	s18 =	sadd.s32 $0x320, s6  }
0x157: {  	[tilespmem:s13], [sflag:$0xE] =	stream.linear.gather [hbm4b:s1+s30], $0x80, $0x38;
	[tilespmem:$0x184A8] =	vst v63  }
0x158: {  	s1 =	sadd.s32 s16, s18  }
0x159: {  	s1 =	sshll.u32 s1, $0xE  }
0x15a: {  	s1 =	sor.u32 s15, s1  }
0x15b: {  	s1 =	sshrl.u32 s1, $0x3  }
0x15c: {  	s19 =	simm.s32 $0x1200;
	s1 =	sadd.s32 s8, s1  }
0x15d: {  	[tilespmem:s19], [sflag:$0xE] =	stream.linear.gather [hbm4b:s1+s30], $0x80, $0x38;
	[tilespmem:$0x184A8] =	vst v63  }
0x15e: {  	s22 =	simm.s32 $0x1600;
	s20 =	sadd.s32 $0x10, s1  }
0x15f: {  	[tilespmem:s22], [sflag:$0xE] =	stream.linear.gather [hbm4b:s20+s30], $0x80, $0x38;
	[tilespmem:$0x184A8] =	vst v63  }
0x160: {  	s9 =	simm.s32 $0x1A00;
	s31 =	sadd.s32 $0x20, s1  }
0x161: {  	[tilespmem:s9], [sflag:$0xE] =	stream.linear.gather [hbm4b:s31+s30], $0x80, $0x38;
	[tilespmem:$0x184A8] =	vst v63  }
0x162: {  	[smem:$0x7FC] =	sst s18;
	s18 =	sadd.s32 $0x30, s1;
	s19 =	simm.s32 $0x1E00  }
0x163: {  	[tilespmem:s19], [sflag:$0xE] =	stream.linear.gather [hbm4b:s18+s30], $0x80, $0x38;
	[tilespmem:$0x184A8] =	vst v63  }
0x164: {  	s20 =	sadd.s32 $0x40, s1;
	s22 =	simm.s32 $0x2200  }
0x165: {  	[tilespmem:s22], [sflag:$0xE] =	stream.linear.gather [hbm4b:s20+s30], $0x80, $0x38;
	[tilespmem:$0x184A8] =	vst v63  }
0x166: {  	s31 =	sadd.s32 $0x50, s1;
	s9 =	simm.s32 $0x2600  }
0x167: {  	[tilespmem:s9], [sflag:$0xE] =	stream.linear.gather [hbm4b:s31+s30], $0x80, $0x38;
	[tilespmem:$0x184A8] =	vst v63  }
0x168: {  	s18 =	sadd.s32 $0x60, s1;
	s19 =	simm.s32 $0x2A00  }
0x169: {  	[tilespmem:s19], [sflag:$0xE] =	stream.linear.gather [hbm4b:s18+s30], $0x80, $0x38;
	[tilespmem:$0x184A8] =	vst v63  }
0x16a: {  	s20 =	sadd.s32 $0x70, s1;
	s22 =	simm.s32 $0x2E00  }
0x16b: {  	[tilespmem:s22], [sflag:$0xE] =	stream.linear.gather [hbm4b:s20+s30], $0x80, $0x38;
	[tilespmem:$0x184A8] =	vst v63  }
0x16c: {  	s31 =	sadd.s32 $0x80, s1;
	s9 =	simm.s32 $0x3200  }
0x16d: {  	[tilespmem:s9], [sflag:$0xE] =	stream.linear.gather [hbm4b:s31+s30], $0x80, $0x38;
	[tilespmem:$0x184A8] =	vst v63  }
0x16e: {  	s18 =	sadd.s32 $0x90, s1;
	s19 =	simm.s32 $0x3600  }
0x16f: {  	[tilespmem:s19], [sflag:$0xE] =	stream.linear.gather [hbm4b:s18+s30], $0x80, $0x38;
	[tilespmem:$0x184A8] =	vst v63  }
0x170: {  	s20 =	sadd.s32 $0xA0, s1;
	s22 =	simm.s32 $0x3A00  }
0x171: {  	[tilespmem:s22], [sflag:$0xE] =	stream.linear.gather [hbm4b:s20+s30], $0x80, $0x38;
	[tilespmem:$0x184A8] =	vst v63  }
0x172: {  	s31 =	sadd.s32 $0xB0, s1;
	s9 =	simm.s32 $0x3E00  }
0x173: {  	[tilespmem:s9], [sflag:$0xE] =	stream.linear.gather [hbm4b:s31+s30], $0x80, $0x38;
	[tilespmem:$0x184A8] =	vst v63  }
0x174: {  	s18 =	sadd.s32 $0xC0, s1;
	s19 =	simm.s32 $0x4200  }
0x175: {  	[tilespmem:s19], [sflag:$0xE] =	stream.linear.gather [hbm4b:s18+s30], $0x80, $0x38;
	[tilespmem:$0x184A8] =	vst v63  }
0x176: {  	s20 =	sadd.s32 $0xD0, s1;
	s22 =	simm.s32 $0x4600  }
0x177: {  	[tilespmem:s22], [sflag:$0xE] =	stream.linear.gather [hbm4b:s20+s30], $0x80, $0x38;
	[tilespmem:$0x184A8] =	vst v63  }
0x178: {  	s31 =	sadd.s32 $0xE0, s1;
	s9 =	simm.s32 $0x4A00  }
0x179: {  	[tilespmem:s9], [sflag:$0xE] =	stream.linear.gather [hbm4b:s31+s30], $0x80, $0x38;
	[tilespmem:$0x184A8] =	vst v63  }
0x17a: {  	s13 =	simm.s32 $0x4E00;
	s1 =	sadd.s32 $0xF0, s1;
	s18 =	sadd.s32 $0x3E8, s6  }
0x17b: {  	[tilespmem:s13], [sflag:$0xE] =	stream.linear.gather [hbm4b:s1+s30], $0x80, $0x38;
	[tilespmem:$0x184A8] =	vst v63  }
0x17c: {  	s1 =	sadd.s32 s16, s18  }
0x17d: {  	s1 =	sshll.u32 s1, $0xE  }
0x17e: {  	s1 =	sor.u32 s15, s1  }
0x17f: {  	s1 =	sshrl.u32 s1, $0x3  }
0x180: {  	s19 =	simm.s32 $0x1280;
	s1 =	sadd.s32 s8, s1  }
0x181: {  	[tilespmem:s19], [sflag:$0xE] =	stream.linear.gather [hbm4b:s1+s30], $0x80, $0x38;
	[tilespmem:$0x184A8] =	vst v63  }
0x182: {  	s22 =	simm.s32 $0x1680;
	s20 =	sadd.s32 $0x10, s1  }
0x183: {  	[tilespmem:s22], [sflag:$0xE] =	stream.linear.gather [hbm4b:s20+s30], $0x80, $0x38;
	[tilespmem:$0x184A8] =	vst v63  }
0x184: {  	s9 =	simm.s32 $0x1A80;
	s31 =	sadd.s32 $0x20, s1  }
0x185: {  	[tilespmem:s9], [sflag:$0xE] =	stream.linear.gather [hbm4b:s31+s30], $0x80, $0x38;
	[tilespmem:$0x184A8] =	vst v63  }
0x186: {  	[smem:$0x7FD] =	sst s18;
	s18 =	sadd.s32 $0x30, s1;
	s19 =	simm.s32 $0x1E80  }
0x187: {  	[tilespmem:s19], [sflag:$0xE] =	stream.linear.gather [hbm4b:s18+s30], $0x80, $0x38;
	[tilespmem:$0x184A8] =	vst v63  }
0x188: {  	s20 =	sadd.s32 $0x40, s1;
	s22 =	simm.s32 $0x2280  }
0x189: {  	[tilespmem:s22], [sflag:$0xE] =	stream.linear.gather [hbm4b:s20+s30], $0x80, $0x38;
	[tilespmem:$0x184A8] =	vst v63  }
0x18a: {  	s31 =	sadd.s32 $0x50, s1;
	s9 =	simm.s32 $0x2680  }
0x18b: {  	[tilespmem:s9], [sflag:$0xE] =	stream.linear.gather [hbm4b:s31+s30], $0x80, $0x38;
	[tilespmem:$0x184A8] =	vst v63  }
0x18c: {  	s18 =	sadd.s32 $0x60, s1;
	s19 =	simm.s32 $0x2A80  }
0x18d: {  	[tilespmem:s19], [sflag:$0xE] =	stream.linear.gather [hbm4b:s18+s30], $0x80, $0x38;
	[tilespmem:$0x184A8] =	vst v63  }
0x18e: {  	s20 =	sadd.s32 $0x70, s1;
	s22 =	simm.s32 $0x2E80  }
0x18f: {  	[tilespmem:s22], [sflag:$0xE] =	stream.linear.gather [hbm4b:s20+s30], $0x80, $0x38;
	[tilespmem:$0x184A8] =	vst v63  }
0x190: {  	s31 =	sadd.s32 $0x80, s1;
	s9 =	simm.s32 $0x3280  }
0x191: {  	[tilespmem:s9], [sflag:$0xE] =	stream.linear.gather [hbm4b:s31+s30], $0x80, $0x38;
	[tilespmem:$0x184A8] =	vst v63  }
0x192: {  	s18 =	sadd.s32 $0x90, s1;
	s19 =	simm.s32 $0x3680  }
0x193: {  	[tilespmem:s19], [sflag:$0xE] =	stream.linear.gather [hbm4b:s18+s30], $0x80, $0x38;
	[tilespmem:$0x184A8] =	vst v63  }
0x194: {  	s20 =	sadd.s32 $0xA0, s1;
	s22 =	simm.s32 $0x3A80  }
0x195: {  	[tilespmem:s22], [sflag:$0xE] =	stream.linear.gather [hbm4b:s20+s30], $0x80, $0x38;
	[tilespmem:$0x184A8] =	vst v63  }
0x196: {  	s31 =	sadd.s32 $0xB0, s1;
	s9 =	simm.s32 $0x3E80  }
0x197: {  	[tilespmem:s9], [sflag:$0xE] =	stream.linear.gather [hbm4b:s31+s30], $0x80, $0x38;
	[tilespmem:$0x184A8] =	vst v63  }
0x198: {  	s13 =	sadd.s32 $0xC0, s1;
	s18 =	simm.s32 $0x4280  }
0x199: {  	[tilespmem:s18], [sflag:$0xE] =	stream.linear.gather [hbm4b:s13+s30], $0x80, $0x38;
	[tilespmem:$0x184A8] =	vst v63  }
0x19a: {  	s19 =	sadd.s32 $0xD0, s1;
	s20 =	simm.s32 $0x4680  }
0x19b: {  	[tilespmem:s20], [sflag:$0xE] =	stream.linear.gather [hbm4b:s19+s30], $0x80, $0x38;
	[tilespmem:$0x184A8] =	vst v63  }
0x19c: {  	s22 =	sadd.s32 $0xE0, s1;
	s31 =	simm.s32 $0x4A80  }
0x19d: {  	[tilespmem:s31], [sflag:$0xE] =	stream.linear.gather [hbm4b:s22+s30], $0x80, $0x38;
	[tilespmem:$0x184A8] =	vst v63  }
0x19e: {  	s1 =	sadd.s32 $0xF0, s1;
	s9 =	simm.s32 $0x4E80  }
0x19f: {  	[tilespmem:s9], [sflag:$0xE] =	stream.linear.gather [hbm4b:s1+s30], $0x80, $0x38;
	[tilespmem:$0x184A8] =	vst v63  }
0x1a0: {  	s1 =	sadd.s32 $0x4B0, s6  }
0x1a1: {  	s13 =	sadd.s32 s16, s1  }
0x1a2: {  	s12 =	sshll.u32 s13, $0xE  }
0x1a3: {  	s12 =	sor.u32 s15, s12  }
0x1a4: {  	s12 =	sshrl.u32 s12, $0x3  }
0x1a5: {  	s18 =	simm.s32 $0x1300;
	s12 =	sadd.s32 s8, s12  }
0x1a6: {  	[tilespmem:s18], [sflag:$0xE] =	stream.linear.gather [hbm4b:s12+s30], $0x80, $0x38;
	[tilespmem:$0x184A8] =	vst v63  }
0x1a7: {  	s19 =	sadd.s32 $0x10, s12;
	s18 =	simm.s32 $0x1700  }
0x1a8: {  	[tilespmem:s18], [sflag:$0xE] =	stream.linear.gather [hbm4b:s19+s30], $0x80, $0x38;
	[tilespmem:$0x184A8] =	vst v63  }
0x1a9: {  	s22 =	simm.s32 $0x1B00;
	s20 =	sadd.s32 $0x20, s12  }
0x1aa: {  	[tilespmem:s22], [sflag:$0xE] =	stream.linear.gather [hbm4b:s20+s30], $0x80, $0x38;
	[tilespmem:$0x184A8] =	vst v63  }
0x1ab: {  	s9 =	simm.s32 $0x1F00;
	s31 =	sadd.s32 $0x30, s12  }
0x1ac: {  	[tilespmem:s9], [sflag:$0xE] =	stream.linear.gather [hbm4b:s31+s30], $0x80, $0x38;
	[tilespmem:$0x184A8] =	vst v63  }
0x1ad: {  	s18 =	sadd.s32 $0x40, s12;
	s19 =	simm.s32 $0x2300  }
0x1ae: {  	[tilespmem:s19], [sflag:$0xE] =	stream.linear.gather [hbm4b:s18+s30], $0x80, $0x38;
	[tilespmem:$0x184A8] =	vst v63  }
0x1af: {  	s20 =	sadd.s32 $0x50, s12;
	s22 =	simm.s32 $0x2700  }
0x1b0: {  	[tilespmem:s22], [sflag:$0xE] =	stream.linear.gather [hbm4b:s20+s30], $0x80, $0x38;
	[tilespmem:$0x184A8] =	vst v63  }
0x1b1: {  	s31 =	sadd.s32 $0x60, s12;
	s9 =	simm.s32 $0x2B00  }
0x1b2: {  	[tilespmem:s9], [sflag:$0xE] =	stream.linear.gather [hbm4b:s31+s30], $0x80, $0x38;
	[tilespmem:$0x184A8] =	vst v63  }
0x1b3: {  	s18 =	sadd.s32 $0x70, s12;
	s19 =	simm.s32 $0x2F00  }
0x1b4: {  	[tilespmem:s19], [sflag:$0xE] =	stream.linear.gather [hbm4b:s18+s30], $0x80, $0x38;
	[tilespmem:$0x184A8] =	vst v63  }
0x1b5: {  	s20 =	sadd.s32 $0x80, s12;
	s22 =	simm.s32 $0x3300  }
0x1b6: {  	[tilespmem:s22], [sflag:$0xE] =	stream.linear.gather [hbm4b:s20+s30], $0x80, $0x38;
	[tilespmem:$0x184A8] =	vst v63  }
0x1b7: {  	s31 =	sadd.s32 $0x90, s12;
	s9 =	simm.s32 $0x3700  }
0x1b8: {  	[tilespmem:s9], [sflag:$0xE] =	stream.linear.gather [hbm4b:s31+s30], $0x80, $0x38;
	[tilespmem:$0x184A8] =	vst v63  }
0x1b9: {  	s18 =	sadd.s32 $0xA0, s12;
	s19 =	simm.s32 $0x3B00  }
0x1ba: {  	[tilespmem:s19], [sflag:$0xE] =	stream.linear.gather [hbm4b:s18+s30], $0x80, $0x38;
	[tilespmem:$0x184A8] =	vst v63  }
0x1bb: {  	s20 =	sadd.s32 $0xB0, s12;
	s22 =	simm.s32 $0x3F00  }
0x1bc: {  	[tilespmem:s22], [sflag:$0xE] =	stream.linear.gather [hbm4b:s20+s30], $0x80, $0x38;
	[tilespmem:$0x184A8] =	vst v63  }
0x1bd: {  	s31 =	sadd.s32 $0xC0, s12;
	s9 =	simm.s32 $0x4300  }
0x1be: {  	[tilespmem:s9], [sflag:$0xE] =	stream.linear.gather [hbm4b:s31+s30], $0x80, $0x38;
	[tilespmem:$0x184A8] =	vst v63  }
0x1bf: {  	s13 =	sadd.s32 $0x578, s6;
	s18 =	sadd.s32 $0xD0, s12;
	s19 =	simm.s32 $0x4700  }
0x1c0: {  	[tilespmem:s19], [sflag:$0xE] =	stream.linear.gather [hbm4b:s18+s30], $0x80, $0x38;
	[tilespmem:$0x184A8] =	vst v63  }
0x1c1: {  	s20 =	sadd.s32 $0xE0, s12;
	s22 =	simm.s32 $0x4B00;
	s12 =	sadd.s32 $0xF0, s12  }
0x1c2: {  	[tilespmem:s22], [sflag:$0xE] =	stream.linear.gather [hbm4b:s20+s30], $0x80, $0x38;
	[tilespmem:$0x184A8] =	vst v63  }
0x1c3: {  	s31 =	simm.s32 $0x4F00;
	s9 =	smov.u32 s6;
	s6 =	sadd.s32 s16, s13  }
0x1c4: {  	[tilespmem:s31], [sflag:$0xE] =	stream.linear.gather [hbm4b:s12+s30], $0x80, $0x38;
	[tilespmem:$0x184A8] =	vst v63  }
0x1c5: {  	s12 =	sshll.u32 s6, $0xE  }
0x1c6: {  	s12 =	sor.u32 s15, s12  }
0x1c7: {  	s12 =	sshrl.u32 s12, $0x3  }
0x1c8: {  	s16 =	simm.s32 $0x1380;
	s12 =	sadd.s32 s8, s12  }
0x1c9: {  	[tilespmem:s16], [sflag:$0xE] =	stream.linear.gather [hbm4b:s12+s30], $0x80, $0x38;
	[tilespmem:$0x184A8] =	vst v63  }
0x1ca: {  	s19 =	simm.s32 $0x1780;
	s18 =	sadd.s32 $0x10, s12  }
0x1cb: {  	[tilespmem:s19], [sflag:$0xE] =	stream.linear.gather [hbm4b:s18+s30], $0x80, $0x38;
	[tilespmem:$0x184A8] =	vst v63  }
0x1cc: {  	s22 =	simm.s32 $0x1B80;
	s20 =	sadd.s32 $0x20, s12  }
0x1cd: {  	[tilespmem:s22], [sflag:$0xE] =	stream.linear.gather [hbm4b:s20+s30], $0x80, $0x38;
	[tilespmem:$0x184A8] =	vst v63  }
0x1ce: {  	s6 =	simm.s32 $0x1F80;
	s31 =	sadd.s32 $0x30, s12  }
0x1cf: {  	[tilespmem:s6], [sflag:$0xE] =	stream.linear.gather [hbm4b:s31+s30], $0x80, $0x38;
	[tilespmem:$0x184A8] =	vst v63  }
0x1d0: {  	s18 =	sadd.s32 $0x40, s12;
	s19 =	simm.s32 $0x2380  }
0x1d1: {  	[tilespmem:s19], [sflag:$0xE] =	stream.linear.gather [hbm4b:s18+s30], $0x80, $0x38;
	[tilespmem:$0x184A8] =	vst v63  }
0x1d2: {  	s20 =	sadd.s32 $0x50, s12;
	s22 =	simm.s32 $0x2780  }
0x1d3: {  	[tilespmem:s22], [sflag:$0xE] =	stream.linear.gather [hbm4b:s20+s30], $0x80, $0x38;
	[tilespmem:$0x184A8] =	vst v63  }
0x1d4: {  	s31 =	sadd.s32 $0x60, s12;
	s6 =	simm.s32 $0x2B80  }
0x1d5: {  	[tilespmem:s6], [sflag:$0xE] =	stream.linear.gather [hbm4b:s31+s30], $0x80, $0x38;
	[tilespmem:$0x184A8] =	vst v63  }
0x1d6: {  	s18 =	sadd.s32 $0x70, s12;
	s19 =	simm.s32 $0x2F80  }
0x1d7: {  	[tilespmem:s19], [sflag:$0xE] =	stream.linear.gather [hbm4b:s18+s30], $0x80, $0x38;
	[tilespmem:$0x184A8] =	vst v63  }
0x1d8: {  	s20 =	sadd.s32 $0x80, s12;
	s22 =	simm.s32 $0x3380  }
0x1d9: {  	[tilespmem:s22], [sflag:$0xE] =	stream.linear.gather [hbm4b:s20+s30], $0x80, $0x38;
	[tilespmem:$0x184A8] =	vst v63  }
0x1da: {  	s31 =	sadd.s32 $0x90, s12;
	s6 =	simm.s32 $0x3780  }
0x1db: {  	[tilespmem:s6], [sflag:$0xE] =	stream.linear.gather [hbm4b:s31+s30], $0x80, $0x38;
	[tilespmem:$0x184A8] =	vst v63  }
0x1dc: {  	s18 =	sadd.s32 $0xA0, s12;
	s19 =	simm.s32 $0x3B80  }
0x1dd: {  	[tilespmem:s19], [sflag:$0xE] =	stream.linear.gather [hbm4b:s18+s30], $0x80, $0x38;
	[tilespmem:$0x184A8] =	vst v63  }
0x1de: {  	s20 =	sadd.s32 $0xB0, s12;
	s22 =	simm.s32 $0x3F80  }
0x1df: {  	[tilespmem:s22], [sflag:$0xE] =	stream.linear.gather [hbm4b:s20+s30], $0x80, $0x38;
	[tilespmem:$0x184A8] =	vst v63  }
0x1e0: {  	s31 =	sadd.s32 $0xC0, s12;
	s6 =	simm.s32 $0x4380  }
0x1e1: {  	[tilespmem:s6], [sflag:$0xE] =	stream.linear.gather [hbm4b:s31+s30], $0x80, $0x38;
	[tilespmem:$0x184A8] =	vst v63  }
0x1e2: {  	s18 =	sadd.s32 $0xD0, s12;
	s19 =	simm.s32 $0x4780  }
0x1e3: {  	[tilespmem:s19], [sflag:$0xE] =	stream.linear.gather [hbm4b:s18+s30], $0x80, $0x38;
	[tilespmem:$0x184A8] =	vst v63  }
.Ltmp16:
0x1e4: {  	_ = 	snop;
	(pc) =	sbr.rel .LBB2_19-.Ltmp16, $4  }
0x1e5: {  	s20 =	sadd.s32 $0xE0, s12;
	s22 =	simm.s32 $0x4B80;
	s12 =	sadd.s32 $0xF0, s12  }
0x1e6: {  	[tilespmem:s22], [sflag:$0xE] =	stream.linear.gather [hbm4b:s20+s30], $0x80, $0x38;
	[tilespmem:$0x184A8] =	vst v63  }
0x1e7: {  	s31 =	simm.s32 $0x4F80;
	s19 =	sshll.u32 s11, $0x11;
	s11 =	rddreg [dreg:$0x1c]  }
0x1e8: {  	[tilespmem:s31], [sflag:$0xE] =	stream.linear.gather [hbm4b:s12+s30], $0x80, $0x38;
	[tilespmem:$0x184A8] =	vst v63  }
.LBB2_21:
0x1e9: {  	_ =	swait.ge [sflag:s29], $0x800  }
0x1ea: {  	[sflag:s29] =	ssyncset.done $0x0  }
0x1eb: {  	[sflag:s29] =	ssyncadd.s32 $0xFFFFF800  }
0x1ec: {  	_ =	swait.ge [sflag:s29], $0x800  }
0x1ed: {  	[sflag:s29] =	ssyncset.done $0x0  }
0x1ee: {  	[sflag:s29] =	ssyncadd.s32 $0xFFFFF800  }
0x1ef: {  	_ =	swait.ge [sflag:s29], $0x800  }
0x1f0: {  	[sflag:s29] =	ssyncset.done $0x0  }
0x1f1: {  	[sflag:s29] =	ssyncadd.s32 $0xFFFFF800  }
0x1f2: {  	_ =	swait.ge [sflag:s29], $0x800  }
0x1f3: {  	[sflag:s29] =	ssyncset.done $0x0  }
0x1f4: {  	[sflag:s29] =	ssyncadd.s32 $0xFFFFF800  }
0x1f5: {  	_ =	swait.ge [sflag:s29], $0x800  }
0x1f6: {  	[sflag:s29] =	ssyncset.done $0x0  }
0x1f7: {  	[sflag:s29] =	ssyncadd.s32 $0xFFFFF800  }
0x1f8: {  	_ =	swait.ge [sflag:s29], $0x800  }
0x1f9: {  	[sflag:s29] =	ssyncset.done $0x0  }
0x1fa: {  	[sflag:s29] =	ssyncadd.s32 $0xFFFFF800  }
0x1fb: {  	s12 =	sshll.u32 s15, $0x13;
	s30 =	sadd.s32 $0x2, s30;
	_ =	swait.ge [sflag:s29], $0x800  }
0x1fc: {  	s31 =	sshll.u32 s31, $0xE;
	p1 =	sne.s32 s30, $0x32;
	[sflag:s29] =	ssyncset.done $0x0  }
.Ltmp17:
0x1fd: {  	s12 =	sor.u32 s12, s31;
	[sflag:s29] =	ssyncadd.s32 $0xFFFFF800;
	(pc) =	sbr.rel @!p1 .LBB2_22-.Ltmp17, $4  }
0x1fe: {  	s12 =	sor.u32 s19, s12;
	_ =	swait.ge [sflag:s29], $0x800  }
0x1ff: {  	s6 =	simm.s32 $0x5000;
	s12 =	sshrl.u32 s12, $0x3;
	[sflag:s29] =	ssyncset.done $0x0  }
0x200: {  	s11 =	sadd.s32 $0x40000, s11;
	s12 =	sadd.s32 s26, s12;
	[sflag:s29] =	ssyncadd.s32 $0xFFFFF800  }
0x201: {  	[hbm4b:s12+s4] =	stream.linear.scatter [tilespmem:s6], [sflag:$0x11], $0x4000, $0x38;
	[tilespmem:$0x184A8] =	vst v63  }
.LBB2_19:
0x202: {  	s12 =	rddreg [dreg:$0x7]  }
0x203: {  	s12 =	sadd.s32 s30, s12  }
0x204: {  	s18 =	rddreg [dreg:$0x9];
	s16 =	sand.u32 $0x2, s12  }
0x205: {  	s22 =	smov.u32 s26;
	s15 =	sshrl.u32 s12, $0x2;
	s26 =	sor.u32 s18, s16  }
0x206: {  	p1 =	seq.s32 s30, $0x0;
	s18 =	sadd.s32 s9, s15;
	s31 =	sor.u32 $0x1, s26  }
0x207: {  	s20 =	simm.s32 @!p1 $0x11;
	s18 =	sshll.u32 s18, $0xE;
	s16 =	sshll.u32 s31, $0xB  }
0x208: {  	_ =	swait.ge @!p1 [sflag:s20], $0x4000;
	s18 =	sor.u32 s18, s16  }
0x209: {  	[sflag:s20] =	ssyncset.done @!p1 $0x0;
	s18 =	sshrl.u32 s18, $0x3  }
0x20a: {  	s6 =	simm.s32 $0x5000;
	[sflag:s20] =	ssyncadd.s32 @!p1 $0xFFFFC000;
	s18 =	sadd.s32 s8, s18  }
0x20b: {  	[tilespmem:s6], [sflag:$0xF] =	stream.linear.gather [hbm4b:s18+s4], $0x80, $0x38;
	[tilespmem:$0x184A8] =	vst v63  }
0x20c: {  	s20 =	sadd.s32 $0x10, s18;
	s6 =	simm.s32 $0x5400  }
0x20d: {  	[tilespmem:s6], [sflag:$0xF] =	stream.linear.gather [hbm4b:s20+s4], $0x80, $0x38;
	[tilespmem:$0x184A8] =	vst v63  }
0x20e: {  	s20 =	sadd.s32 $0x20, s18;
	s6 =	simm.s32 $0x5800  }
0x20f: {  	[tilespmem:s6], [sflag:$0xF] =	stream.linear.gather [hbm4b:s20+s4], $0x80, $0x38;
	[tilespmem:$0x184A8] =	vst v63  }
0x210: {  	s20 =	sadd.s32 $0x30, s18;
	s6 =	simm.s32 $0x5C00  }
0x211: {  	[tilespmem:s6], [sflag:$0xF] =	stream.linear.gather [hbm4b:s20+s4], $0x80, $0x38;
	[tilespmem:$0x184A8] =	vst v63  }
0x212: {  	s20 =	sadd.s32 $0x40, s18;
	s6 =	simm.s32 $0x6000  }
0x213: {  	[tilespmem:s6], [sflag:$0xF] =	stream.linear.gather [hbm4b:s20+s4], $0x80, $0x38;
	[tilespmem:$0x184A8] =	vst v63  }
0x214: {  	s20 =	sadd.s32 $0x50, s18;
	s6 =	simm.s32 $0x6400  }
0x215: {  	[tilespmem:s6], [sflag:$0xF] =	stream.linear.gather [hbm4b:s20+s4], $0x80, $0x38;
	[tilespmem:$0x184A8] =	vst v63  }
0x216: {  	s20 =	sadd.s32 $0x60, s18;
	s6 =	simm.s32 $0x6800  }
0x217: {  	[tilespmem:s6], [sflag:$0xF] =	stream.linear.gather [hbm4b:s20+s4], $0x80, $0x38;
	[tilespmem:$0x184A8] =	vst v63  }
0x218: {  	s20 =	sadd.s32 $0x70, s18;
	s6 =	simm.s32 $0x6C00  }
0x219: {  	[tilespmem:s6], [sflag:$0xF] =	stream.linear.gather [hbm4b:s20+s4], $0x80, $0x38;
	[tilespmem:$0x184A8] =	vst v63  }
0x21a: {  	s20 =	sadd.s32 $0x80, s18;
	s6 =	simm.s32 $0x7000  }
0x21b: {  	[tilespmem:s6], [sflag:$0xF] =	stream.linear.gather [hbm4b:s20+s4], $0x80, $0x38;
	[tilespmem:$0x184A8] =	vst v63  }
0x21c: {  	s20 =	sadd.s32 $0x90, s18;
	s6 =	simm.s32 $0x7400  }
0x21d: {  	[tilespmem:s6], [sflag:$0xF] =	stream.linear.gather [hbm4b:s20+s4], $0x80, $0x38;
	[tilespmem:$0x184A8] =	vst v63  }
0x21e: {  	s20 =	sadd.s32 $0xA0, s18;
	s6 =	simm.s32 $0x7800  }
0x21f: {  	[tilespmem:s6], [sflag:$0xF] =	stream.linear.gather [hbm4b:s20+s4], $0x80, $0x38;
	[tilespmem:$0x184A8] =	vst v63  }
0x220: {  	s20 =	sadd.s32 $0xB0, s18;
	s6 =	simm.s32 $0x7C00  }
0x221: {  	[tilespmem:s6], [sflag:$0xF] =	stream.linear.gather [hbm4b:s20+s4], $0x80, $0x38;
	[tilespmem:$0x184A8] =	vst v63  }
0x222: {  	s20 =	sadd.s32 $0xC0, s18;
	s6 =	simm.s32 $0x8000  }
0x223: {  	[tilespmem:s6], [sflag:$0xF] =	stream.linear.gather [hbm4b:s20+s4], $0x80, $0x38;
	[tilespmem:$0x184A8] =	vst v63  }
0x224: {  	s20 =	sadd.s32 $0xD0, s18;
	s6 =	simm.s32 $0x8400  }
0x225: {  	[tilespmem:s6], [sflag:$0xF] =	stream.linear.gather [hbm4b:s20+s4], $0x80, $0x38;
	[tilespmem:$0x184A8] =	vst v63  }
0x226: {  	s20 =	sadd.s32 $0xE0, s18;
	s6 =	simm.s32 $0x8800  }
0x227: {  	[tilespmem:s6], [sflag:$0xF] =	stream.linear.gather [hbm4b:s20+s4], $0x80, $0x38;
	[tilespmem:$0x184A8] =	vst v63  }
0x228: {  	s18 =	sadd.s32 $0xF0, s18;
	s20 =	simm.s32 $0x8C00  }
0x229: {  	[tilespmem:s20], [sflag:$0xF] =	stream.linear.gather [hbm4b:s18+s4], $0x80, $0x38;
	[tilespmem:$0x184A8] =	vst v63  }
0x22a: {  	s20 =	sld [smem:$0x7F9];
	_ =	sdelay $0x2  }
0x22b: {  	s6 =	sadd.s32 s20, s15  }
0x22c: {  	s18 =	sshll.u32 s6, $0xE  }
0x22d: {  	s18 =	sor.u32 s18, s16  }
0x22e: {  	s18 =	sshrl.u32 s18, $0x3  }
0x22f: {  	s20 =	simm.s32 $0x5080;
	s18 =	sadd.s32 s8, s18  }
0x230: {  	[tilespmem:s20], [sflag:$0xF] =	stream.linear.gather [hbm4b:s18+s4], $0x80, $0x38;
	[tilespmem:$0x184A8] =	vst v63  }
0x231: {  	s6 =	simm.s32 $0x5480;
	s20 =	sadd.s32 $0x10, s18  }
0x232: {  	[tilespmem:s6], [sflag:$0xF] =	stream.linear.gather [hbm4b:s20+s4], $0x80, $0x38;
	[tilespmem:$0x184A8] =	vst v63  }
0x233: {  	s20 =	sadd.s32 $0x20, s18;
	s6 =	simm.s32 $0x5880  }
0x234: {  	[tilespmem:s6], [sflag:$0xF] =	stream.linear.gather [hbm4b:s20+s4], $0x80, $0x38;
	[tilespmem:$0x184A8] =	vst v63  }
0x235: {  	s20 =	sadd.s32 $0x30, s18;
	s6 =	simm.s32 $0x5C80  }
0x236: {  	[tilespmem:s6], [sflag:$0xF] =	stream.linear.gather [hbm4b:s20+s4], $0x80, $0x38;
	[tilespmem:$0x184A8] =	vst v63  }
0x237: {  	s20 =	sadd.s32 $0x40, s18;
	s6 =	simm.s32 $0x6080  }
0x238: {  	[tilespmem:s6], [sflag:$0xF] =	stream.linear.gather [hbm4b:s20+s4], $0x80, $0x38;
	[tilespmem:$0x184A8] =	vst v63  }
0x239: {  	s20 =	sadd.s32 $0x50, s18;
	s6 =	simm.s32 $0x6480  }
0x23a: {  	[tilespmem:s6], [sflag:$0xF] =	stream.linear.gather [hbm4b:s20+s4], $0x80, $0x38;
	[tilespmem:$0x184A8] =	vst v63  }
0x23b: {  	s20 =	sadd.s32 $0x60, s18;
	s6 =	simm.s32 $0x6880  }
0x23c: {  	[tilespmem:s6], [sflag:$0xF] =	stream.linear.gather [hbm4b:s20+s4], $0x80, $0x38;
	[tilespmem:$0x184A8] =	vst v63  }
0x23d: {  	s20 =	sadd.s32 $0x70, s18;
	s6 =	simm.s32 $0x6C80  }
0x23e: {  	[tilespmem:s6], [sflag:$0xF] =	stream.linear.gather [hbm4b:s20+s4], $0x80, $0x38;
	[tilespmem:$0x184A8] =	vst v63  }
0x23f: {  	s20 =	sadd.s32 $0x80, s18;
	s6 =	simm.s32 $0x7080  }
0x240: {  	[tilespmem:s6], [sflag:$0xF] =	stream.linear.gather [hbm4b:s20+s4], $0x80, $0x38;
	[tilespmem:$0x184A8] =	vst v63  }
0x241: {  	s20 =	sadd.s32 $0x90, s18;
	s6 =	simm.s32 $0x7480  }
0x242: {  	[tilespmem:s6], [sflag:$0xF] =	stream.linear.gather [hbm4b:s20+s4], $0x80, $0x38;
	[tilespmem:$0x184A8] =	vst v63  }
0x243: {  	s20 =	sadd.s32 $0xA0, s18;
	s6 =	simm.s32 $0x7880  }
0x244: {  	[tilespmem:s6], [sflag:$0xF] =	stream.linear.gather [hbm4b:s20+s4], $0x80, $0x38;
	[tilespmem:$0x184A8] =	vst v63  }
0x245: {  	s20 =	sadd.s32 $0xB0, s18;
	s6 =	simm.s32 $0x7C80  }
0x246: {  	[tilespmem:s6], [sflag:$0xF] =	stream.linear.gather [hbm4b:s20+s4], $0x80, $0x38;
	[tilespmem:$0x184A8] =	vst v63  }
0x247: {  	s20 =	sadd.s32 $0xC0, s18;
	s6 =	simm.s32 $0x8080  }
0x248: {  	[tilespmem:s6], [sflag:$0xF] =	stream.linear.gather [hbm4b:s20+s4], $0x80, $0x38;
	[tilespmem:$0x184A8] =	vst v63  }
0x249: {  	s20 =	sadd.s32 $0xD0, s18;
	s6 =	simm.s32 $0x8480  }
0x24a: {  	[tilespmem:s6], [sflag:$0xF] =	stream.linear.gather [hbm4b:s20+s4], $0x80, $0x38;
	[tilespmem:$0x184A8] =	vst v63  }
0x24b: {  	s20 =	sadd.s32 $0xE0, s18;
	s6 =	simm.s32 $0x8880  }
0x24c: {  	[tilespmem:s6], [sflag:$0xF] =	stream.linear.gather [hbm4b:s20+s4], $0x80, $0x38;
	[tilespmem:$0x184A8] =	vst v63  }
0x24d: {  	s18 =	sadd.s32 $0xF0, s18;
	s20 =	simm.s32 $0x8C80  }
0x24e: {  	[tilespmem:s20], [sflag:$0xF] =	stream.linear.gather [hbm4b:s18+s4], $0x80, $0x38;
	[tilespmem:$0x184A8] =	vst v63  }
0x24f: {  	s20 =	sld [smem:$0x7FA];
	_ =	sdelay $0x2  }
0x250: {  	s6 =	sadd.s32 s20, s15  }
0x251: {  	s18 =	sshll.u32 s6, $0xE  }
0x252: {  	s18 =	sor.u32 s18, s16  }
0x253: {  	s18 =	sshrl.u32 s18, $0x3  }
0x254: {  	s20 =	simm.s32 $0x5100;
	s18 =	sadd.s32 s8, s18  }
0x255: {  	[tilespmem:s20], [sflag:$0xF] =	stream.linear.gather [hbm4b:s18+s4], $0x80, $0x38;
	[tilespmem:$0x184A8] =	vst v63  }
0x256: {  	s6 =	simm.s32 $0x5500;
	s20 =	sadd.s32 $0x10, s18  }
0x257: {  	[tilespmem:s6], [sflag:$0xF] =	stream.linear.gather [hbm4b:s20+s4], $0x80, $0x38;
	[tilespmem:$0x184A8] =	vst v63  }
0x258: {  	s20 =	sadd.s32 $0x20, s18;
	s6 =	simm.s32 $0x5900  }
0x259: {  	[tilespmem:s6], [sflag:$0xF] =	stream.linear.gather [hbm4b:s20+s4], $0x80, $0x38;
	[tilespmem:$0x184A8] =	vst v63  }
0x25a: {  	s20 =	sadd.s32 $0x30, s18;
	s6 =	simm.s32 $0x5D00  }
0x25b: {  	[tilespmem:s6], [sflag:$0xF] =	stream.linear.gather [hbm4b:s20+s4], $0x80, $0x38;
	[tilespmem:$0x184A8] =	vst v63  }
0x25c: {  	s20 =	sadd.s32 $0x40, s18;
	s6 =	simm.s32 $0x6100  }
0x25d: {  	[tilespmem:s6], [sflag:$0xF] =	stream.linear.gather [hbm4b:s20+s4], $0x80, $0x38;
	[tilespmem:$0x184A8] =	vst v63  }
0x25e: {  	s20 =	sadd.s32 $0x50, s18;
	s6 =	simm.s32 $0x6500  }
0x25f: {  	[tilespmem:s6], [sflag:$0xF] =	stream.linear.gather [hbm4b:s20+s4], $0x80, $0x38;
	[tilespmem:$0x184A8] =	vst v63  }
0x260: {  	s20 =	sadd.s32 $0x60, s18;
	s6 =	simm.s32 $0x6900  }
0x261: {  	[tilespmem:s6], [sflag:$0xF] =	stream.linear.gather [hbm4b:s20+s4], $0x80, $0x38;
	[tilespmem:$0x184A8] =	vst v63  }
0x262: {  	s20 =	sadd.s32 $0x70, s18;
	s6 =	simm.s32 $0x6D00  }
0x263: {  	[tilespmem:s6], [sflag:$0xF] =	stream.linear.gather [hbm4b:s20+s4], $0x80, $0x38;
	[tilespmem:$0x184A8] =	vst v63  }
0x264: {  	s20 =	sadd.s32 $0x80, s18;
	s6 =	simm.s32 $0x7100  }
0x265: {  	[tilespmem:s6], [sflag:$0xF] =	stream.linear.gather [hbm4b:s20+s4], $0x80, $0x38;
	[tilespmem:$0x184A8] =	vst v63  }
0x266: {  	s20 =	sadd.s32 $0x90, s18;
	s6 =	simm.s32 $0x7500  }
0x267: {  	[tilespmem:s6], [sflag:$0xF] =	stream.linear.gather [hbm4b:s20+s4], $0x80, $0x38;
	[tilespmem:$0x184A8] =	vst v63  }
0x268: {  	s20 =	sadd.s32 $0xA0, s18;
	s6 =	simm.s32 $0x7900  }
0x269: {  	[tilespmem:s6], [sflag:$0xF] =	stream.linear.gather [hbm4b:s20+s4], $0x80, $0x38;
	[tilespmem:$0x184A8] =	vst v63  }
0x26a: {  	s20 =	sadd.s32 $0xB0, s18;
	s6 =	simm.s32 $0x7D00  }
0x26b: {  	[tilespmem:s6], [sflag:$0xF] =	stream.linear.gather [hbm4b:s20+s4], $0x80, $0x38;
	[tilespmem:$0x184A8] =	vst v63  }
0x26c: {  	s20 =	sadd.s32 $0xC0, s18;
	s6 =	simm.s32 $0x8100  }
0x26d: {  	[tilespmem:s6], [sflag:$0xF] =	stream.linear.gather [hbm4b:s20+s4], $0x80, $0x38;
	[tilespmem:$0x184A8] =	vst v63  }
0x26e: {  	s20 =	sadd.s32 $0xD0, s18;
	s6 =	simm.s32 $0x8500  }
0x26f: {  	[tilespmem:s6], [sflag:$0xF] =	stream.linear.gather [hbm4b:s20+s4], $0x80, $0x38;
	[tilespmem:$0x184A8] =	vst v63  }
0x270: {  	s20 =	sadd.s32 $0xE0, s18;
	s6 =	simm.s32 $0x8900  }
0x271: {  	[tilespmem:s6], [sflag:$0xF] =	stream.linear.gather [hbm4b:s20+s4], $0x80, $0x38;
	[tilespmem:$0x184A8] =	vst v63  }
0x272: {  	s18 =	sadd.s32 $0xF0, s18;
	s20 =	simm.s32 $0x8D00  }
0x273: {  	[tilespmem:s20], [sflag:$0xF] =	stream.linear.gather [hbm4b:s18+s4], $0x80, $0x38;
	[tilespmem:$0x184A8] =	vst v63  }
0x274: {  	s20 =	sld [smem:$0x7FB];
	_ =	sdelay $0x2  }
0x275: {  	s6 =	sadd.s32 s20, s15  }
0x276: {  	s18 =	sshll.u32 s6, $0xE  }
0x277: {  	s18 =	sor.u32 s18, s16  }
0x278: {  	s18 =	sshrl.u32 s18, $0x3  }
0x279: {  	s20 =	simm.s32 $0x5180;
	s18 =	sadd.s32 s8, s18  }
0x27a: {  	[tilespmem:s20], [sflag:$0xF] =	stream.linear.gather [hbm4b:s18+s4], $0x80, $0x38;
	[tilespmem:$0x184A8] =	vst v63  }
0x27b: {  	s6 =	simm.s32 $0x5580;
	s20 =	sadd.s32 $0x10, s18  }
0x27c: {  	[tilespmem:s6], [sflag:$0xF] =	stream.linear.gather [hbm4b:s20+s4], $0x80, $0x38;
	[tilespmem:$0x184A8] =	vst v63  }
0x27d: {  	s20 =	sadd.s32 $0x20, s18;
	s6 =	simm.s32 $0x5980  }
0x27e: {  	[tilespmem:s6], [sflag:$0xF] =	stream.linear.gather [hbm4b:s20+s4], $0x80, $0x38;
	[tilespmem:$0x184A8] =	vst v63  }
0x27f: {  	s20 =	sadd.s32 $0x30, s18;
	s6 =	simm.s32 $0x5D80  }
0x280: {  	[tilespmem:s6], [sflag:$0xF] =	stream.linear.gather [hbm4b:s20+s4], $0x80, $0x38;
	[tilespmem:$0x184A8] =	vst v63  }
0x281: {  	s20 =	sadd.s32 $0x40, s18;
	s6 =	simm.s32 $0x6180  }
0x282: {  	[tilespmem:s6], [sflag:$0xF] =	stream.linear.gather [hbm4b:s20+s4], $0x80, $0x38;
	[tilespmem:$0x184A8] =	vst v63  }
0x283: {  	s20 =	sadd.s32 $0x50, s18;
	s6 =	simm.s32 $0x6580  }
0x284: {  	[tilespmem:s6], [sflag:$0xF] =	stream.linear.gather [hbm4b:s20+s4], $0x80, $0x38;
	[tilespmem:$0x184A8] =	vst v63  }
0x285: {  	s20 =	sadd.s32 $0x60, s18;
	s6 =	simm.s32 $0x6980  }
0x286: {  	[tilespmem:s6], [sflag:$0xF] =	stream.linear.gather [hbm4b:s20+s4], $0x80, $0x38;
	[tilespmem:$0x184A8] =	vst v63  }
0x287: {  	s20 =	sadd.s32 $0x70, s18;
	s6 =	simm.s32 $0x6D80  }
0x288: {  	[tilespmem:s6], [sflag:$0xF] =	stream.linear.gather [hbm4b:s20+s4], $0x80, $0x38;
	[tilespmem:$0x184A8] =	vst v63  }
0x289: {  	s20 =	sadd.s32 $0x80, s18;
	s6 =	simm.s32 $0x7180  }
0x28a: {  	[tilespmem:s6], [sflag:$0xF] =	stream.linear.gather [hbm4b:s20+s4], $0x80, $0x38;
	[tilespmem:$0x184A8] =	vst v63  }
0x28b: {  	s20 =	sadd.s32 $0x90, s18;
	s6 =	simm.s32 $0x7580  }
0x28c: {  	[tilespmem:s6], [sflag:$0xF] =	stream.linear.gather [hbm4b:s20+s4], $0x80, $0x38;
	[tilespmem:$0x184A8] =	vst v63  }
0x28d: {  	s20 =	sadd.s32 $0xA0, s18;
	s6 =	simm.s32 $0x7980  }
0x28e: {  	[tilespmem:s6], [sflag:$0xF] =	stream.linear.gather [hbm4b:s20+s4], $0x80, $0x38;
	[tilespmem:$0x184A8] =	vst v63  }
0x28f: {  	s20 =	sadd.s32 $0xB0, s18;
	s6 =	simm.s32 $0x7D80  }
0x290: {  	[tilespmem:s6], [sflag:$0xF] =	stream.linear.gather [hbm4b:s20+s4], $0x80, $0x38;
	[tilespmem:$0x184A8] =	vst v63  }
0x291: {  	s20 =	sadd.s32 $0xC0, s18;
	s6 =	simm.s32 $0x8180  }
0x292: {  	[tilespmem:s6], [sflag:$0xF] =	stream.linear.gather [hbm4b:s20+s4], $0x80, $0x38;
	[tilespmem:$0x184A8] =	vst v63  }
0x293: {  	s20 =	sadd.s32 $0xD0, s18;
	s6 =	simm.s32 $0x8580  }
0x294: {  	[tilespmem:s6], [sflag:$0xF] =	stream.linear.gather [hbm4b:s20+s4], $0x80, $0x38;
	[tilespmem:$0x184A8] =	vst v63  }
0x295: {  	s20 =	sadd.s32 $0xE0, s18;
	s6 =	simm.s32 $0x8980  }
0x296: {  	[tilespmem:s6], [sflag:$0xF] =	stream.linear.gather [hbm4b:s20+s4], $0x80, $0x38;
	[tilespmem:$0x184A8] =	vst v63  }
0x297: {  	s18 =	sadd.s32 $0xF0, s18;
	s20 =	simm.s32 $0x8D80  }
0x298: {  	[tilespmem:s20], [sflag:$0xF] =	stream.linear.gather [hbm4b:s18+s4], $0x80, $0x38;
	[tilespmem:$0x184A8] =	vst v63  }
0x299: {  	s20 =	sld [smem:$0x7FC];
	_ =	sdelay $0x2  }
0x29a: {  	s6 =	sadd.s32 s20, s15  }
0x29b: {  	s18 =	sshll.u32 s6, $0xE  }
0x29c: {  	s18 =	sor.u32 s18, s16  }
0x29d: {  	s18 =	sshrl.u32 s18, $0x3  }
0x29e: {  	s20 =	simm.s32 $0x5200;
	s18 =	sadd.s32 s8, s18  }
0x29f: {  	[tilespmem:s20], [sflag:$0xF] =	stream.linear.gather [hbm4b:s18+s4], $0x80, $0x38;
	[tilespmem:$0x184A8] =	vst v63  }
0x2a0: {  	s6 =	simm.s32 $0x5600;
	s20 =	sadd.s32 $0x10, s18  }
0x2a1: {  	[tilespmem:s6], [sflag:$0xF] =	stream.linear.gather [hbm4b:s20+s4], $0x80, $0x38;
	[tilespmem:$0x184A8] =	vst v63  }
0x2a2: {  	s20 =	sadd.s32 $0x20, s18;
	s6 =	simm.s32 $0x5A00  }
0x2a3: {  	[tilespmem:s6], [sflag:$0xF] =	stream.linear.gather [hbm4b:s20+s4], $0x80, $0x38;
	[tilespmem:$0x184A8] =	vst v63  }
0x2a4: {  	s20 =	sadd.s32 $0x30, s18;
	s6 =	simm.s32 $0x5E00  }
0x2a5: {  	[tilespmem:s6], [sflag:$0xF] =	stream.linear.gather [hbm4b:s20+s4], $0x80, $0x38;
	[tilespmem:$0x184A8] =	vst v63  }
0x2a6: {  	s20 =	sadd.s32 $0x40, s18;
	s6 =	simm.s32 $0x6200  }
0x2a7: {  	[tilespmem:s6], [sflag:$0xF] =	stream.linear.gather [hbm4b:s20+s4], $0x80, $0x38;
	[tilespmem:$0x184A8] =	vst v63  }
0x2a8: {  	s20 =	sadd.s32 $0x50, s18;
	s6 =	simm.s32 $0x6600  }
0x2a9: {  	[tilespmem:s6], [sflag:$0xF] =	stream.linear.gather [hbm4b:s20+s4], $0x80, $0x38;
	[tilespmem:$0x184A8] =	vst v63  }
0x2aa: {  	s20 =	sadd.s32 $0x60, s18;
	s6 =	simm.s32 $0x6A00  }
0x2ab: {  	[tilespmem:s6], [sflag:$0xF] =	stream.linear.gather [hbm4b:s20+s4], $0x80, $0x38;
	[tilespmem:$0x184A8] =	vst v63  }
0x2ac: {  	s20 =	sadd.s32 $0x70, s18;
	s6 =	simm.s32 $0x6E00  }
0x2ad: {  	[tilespmem:s6], [sflag:$0xF] =	stream.linear.gather [hbm4b:s20+s4], $0x80, $0x38;
	[tilespmem:$0x184A8] =	vst v63  }
0x2ae: {  	s20 =	sadd.s32 $0x80, s18;
	s6 =	simm.s32 $0x7200  }
0x2af: {  	[tilespmem:s6], [sflag:$0xF] =	stream.linear.gather [hbm4b:s20+s4], $0x80, $0x38;
	[tilespmem:$0x184A8] =	vst v63  }
0x2b0: {  	s20 =	sadd.s32 $0x90, s18;
	s6 =	simm.s32 $0x7600  }
0x2b1: {  	[tilespmem:s6], [sflag:$0xF] =	stream.linear.gather [hbm4b:s20+s4], $0x80, $0x38;
	[tilespmem:$0x184A8] =	vst v63  }
0x2b2: {  	s20 =	sadd.s32 $0xA0, s18;
	s6 =	simm.s32 $0x7A00  }
0x2b3: {  	[tilespmem:s6], [sflag:$0xF] =	stream.linear.gather [hbm4b:s20+s4], $0x80, $0x38;
	[tilespmem:$0x184A8] =	vst v63  }
0x2b4: {  	s20 =	sadd.s32 $0xB0, s18;
	s6 =	simm.s32 $0x7E00  }
0x2b5: {  	[tilespmem:s6], [sflag:$0xF] =	stream.linear.gather [hbm4b:s20+s4], $0x80, $0x38;
	[tilespmem:$0x184A8] =	vst v63  }
0x2b6: {  	s20 =	sadd.s32 $0xC0, s18;
	s6 =	simm.s32 $0x8200  }
0x2b7: {  	[tilespmem:s6], [sflag:$0xF] =	stream.linear.gather [hbm4b:s20+s4], $0x80, $0x38;
	[tilespmem:$0x184A8] =	vst v63  }
0x2b8: {  	s20 =	sadd.s32 $0xD0, s18;
	s6 =	simm.s32 $0x8600  }
0x2b9: {  	[tilespmem:s6], [sflag:$0xF] =	stream.linear.gather [hbm4b:s20+s4], $0x80, $0x38;
	[tilespmem:$0x184A8] =	vst v63  }
0x2ba: {  	s20 =	sadd.s32 $0xE0, s18;
	s6 =	simm.s32 $0x8A00  }
0x2bb: {  	[tilespmem:s6], [sflag:$0xF] =	stream.linear.gather [hbm4b:s20+s4], $0x80, $0x38;
	[tilespmem:$0x184A8] =	vst v63  }
0x2bc: {  	s18 =	sadd.s32 $0xF0, s18;
	s20 =	simm.s32 $0x8E00  }
0x2bd: {  	[tilespmem:s20], [sflag:$0xF] =	stream.linear.gather [hbm4b:s18+s4], $0x80, $0x38;
	[tilespmem:$0x184A8] =	vst v63  }
0x2be: {  	s20 =	sld [smem:$0x7FD];
	_ =	sdelay $0x2  }
0x2bf: {  	s6 =	sadd.s32 s20, s15  }
0x2c0: {  	s18 =	sshll.u32 s6, $0xE  }
0x2c1: {  	s18 =	sor.u32 s18, s16  }
0x2c2: {  	s18 =	sshrl.u32 s18, $0x3  }
0x2c3: {  	s20 =	simm.s32 $0x5280;
	s18 =	sadd.s32 s8, s18  }
0x2c4: {  	[tilespmem:s20], [sflag:$0xF] =	stream.linear.gather [hbm4b:s18+s4], $0x80, $0x38;
	[tilespmem:$0x184A8] =	vst v63  }
0x2c5: {  	s6 =	simm.s32 $0x5680;
	s20 =	sadd.s32 $0x10, s18  }
0x2c6: {  	[tilespmem:s6], [sflag:$0xF] =	stream.linear.gather [hbm4b:s20+s4], $0x80, $0x38;
	[tilespmem:$0x184A8] =	vst v63  }
0x2c7: {  	s20 =	sadd.s32 $0x20, s18;
	s6 =	simm.s32 $0x5A80  }
0x2c8: {  	[tilespmem:s6], [sflag:$0xF] =	stream.linear.gather [hbm4b:s20+s4], $0x80, $0x38;
	[tilespmem:$0x184A8] =	vst v63  }
0x2c9: {  	s20 =	sadd.s32 $0x30, s18;
	s6 =	simm.s32 $0x5E80  }
0x2ca: {  	[tilespmem:s6], [sflag:$0xF] =	stream.linear.gather [hbm4b:s20+s4], $0x80, $0x38;
	[tilespmem:$0x184A8] =	vst v63  }
0x2cb: {  	s20 =	sadd.s32 $0x40, s18;
	s6 =	simm.s32 $0x6280  }
0x2cc: {  	[tilespmem:s6], [sflag:$0xF] =	stream.linear.gather [hbm4b:s20+s4], $0x80, $0x38;
	[tilespmem:$0x184A8] =	vst v63  }
0x2cd: {  	s20 =	sadd.s32 $0x50, s18;
	s6 =	simm.s32 $0x6680  }
0x2ce: {  	[tilespmem:s6], [sflag:$0xF] =	stream.linear.gather [hbm4b:s20+s4], $0x80, $0x38;
	[tilespmem:$0x184A8] =	vst v63  }
0x2cf: {  	s20 =	sadd.s32 $0x60, s18;
	s6 =	simm.s32 $0x6A80  }
0x2d0: {  	[tilespmem:s6], [sflag:$0xF] =	stream.linear.gather [hbm4b:s20+s4], $0x80, $0x38;
	[tilespmem:$0x184A8] =	vst v63  }
0x2d1: {  	s20 =	sadd.s32 $0x70, s18;
	s6 =	simm.s32 $0x6E80  }
0x2d2: {  	[tilespmem:s6], [sflag:$0xF] =	stream.linear.gather [hbm4b:s20+s4], $0x80, $0x38;
	[tilespmem:$0x184A8] =	vst v63  }
0x2d3: {  	s20 =	sadd.s32 $0x80, s18;
	s6 =	simm.s32 $0x7280  }
0x2d4: {  	[tilespmem:s6], [sflag:$0xF] =	stream.linear.gather [hbm4b:s20+s4], $0x80, $0x38;
	[tilespmem:$0x184A8] =	vst v63  }
0x2d5: {  	s20 =	sadd.s32 $0x90, s18;
	s6 =	simm.s32 $0x7680  }
0x2d6: {  	[tilespmem:s6], [sflag:$0xF] =	stream.linear.gather [hbm4b:s20+s4], $0x80, $0x38;
	[tilespmem:$0x184A8] =	vst v63  }
0x2d7: {  	s20 =	sadd.s32 $0xA0, s18;
	s6 =	simm.s32 $0x7A80  }
0x2d8: {  	[tilespmem:s6], [sflag:$0xF] =	stream.linear.gather [hbm4b:s20+s4], $0x80, $0x38;
	[tilespmem:$0x184A8] =	vst v63  }
0x2d9: {  	s20 =	sadd.s32 $0xB0, s18;
	s6 =	simm.s32 $0x7E80  }
0x2da: {  	[tilespmem:s6], [sflag:$0xF] =	stream.linear.gather [hbm4b:s20+s4], $0x80, $0x38;
	[tilespmem:$0x184A8] =	vst v63  }
0x2db: {  	s20 =	sadd.s32 $0xC0, s18;
	s6 =	simm.s32 $0x8280  }
0x2dc: {  	[tilespmem:s6], [sflag:$0xF] =	stream.linear.gather [hbm4b:s20+s4], $0x80, $0x38;
	[tilespmem:$0x184A8] =	vst v63  }
0x2dd: {  	s20 =	sadd.s32 $0xD0, s18;
	s6 =	simm.s32 $0x8680  }
0x2de: {  	[tilespmem:s6], [sflag:$0xF] =	stream.linear.gather [hbm4b:s20+s4], $0x80, $0x38;
	[tilespmem:$0x184A8] =	vst v63  }
0x2df: {  	s20 =	sadd.s32 $0xE0, s18;
	s6 =	simm.s32 $0x8A80  }
0x2e0: {  	[tilespmem:s6], [sflag:$0xF] =	stream.linear.gather [hbm4b:s20+s4], $0x80, $0x38;
	[tilespmem:$0x184A8] =	vst v63  }
0x2e1: {  	s18 =	sadd.s32 $0xF0, s18;
	s20 =	simm.s32 $0x8E80;
	s6 =	sadd.s32 s1, s15  }
0x2e2: {  	[tilespmem:s20], [sflag:$0xF] =	stream.linear.gather [hbm4b:s18+s4], $0x80, $0x38;
	[tilespmem:$0x184A8] =	vst v63  }
0x2e3: {  	s18 =	sshll.u32 s6, $0xE  }
0x2e4: {  	s18 =	sor.u32 s18, s16  }
0x2e5: {  	s18 =	sshrl.u32 s18, $0x3  }
0x2e6: {  	s20 =	simm.s32 $0x5300;
	s18 =	sadd.s32 s8, s18  }
0x2e7: {  	[tilespmem:s20], [sflag:$0xF] =	stream.linear.gather [hbm4b:s18+s4], $0x80, $0x38;
	[tilespmem:$0x184A8] =	vst v63  }
0x2e8: {  	s6 =	simm.s32 $0x5700;
	s20 =	sadd.s32 $0x10, s18  }
0x2e9: {  	[tilespmem:s6], [sflag:$0xF] =	stream.linear.gather [hbm4b:s20+s4], $0x80, $0x38;
	[tilespmem:$0x184A8] =	vst v63  }
0x2ea: {  	s20 =	sadd.s32 $0x20, s18;
	s6 =	simm.s32 $0x5B00  }
0x2eb: {  	[tilespmem:s6], [sflag:$0xF] =	stream.linear.gather [hbm4b:s20+s4], $0x80, $0x38;
	[tilespmem:$0x184A8] =	vst v63  }
0x2ec: {  	s20 =	sadd.s32 $0x30, s18;
	s6 =	simm.s32 $0x5F00  }
0x2ed: {  	[tilespmem:s6], [sflag:$0xF] =	stream.linear.gather [hbm4b:s20+s4], $0x80, $0x38;
	[tilespmem:$0x184A8] =	vst v63  }
0x2ee: {  	s20 =	sadd.s32 $0x40, s18;
	s6 =	simm.s32 $0x6300  }
0x2ef: {  	[tilespmem:s6], [sflag:$0xF] =	stream.linear.gather [hbm4b:s20+s4], $0x80, $0x38;
	[tilespmem:$0x184A8] =	vst v63  }
0x2f0: {  	s20 =	sadd.s32 $0x50, s18;
	s6 =	simm.s32 $0x6700  }
0x2f1: {  	[tilespmem:s6], [sflag:$0xF] =	stream.linear.gather [hbm4b:s20+s4], $0x80, $0x38;
	[tilespmem:$0x184A8] =	vst v63  }
0x2f2: {  	s20 =	sadd.s32 $0x60, s18;
	s6 =	simm.s32 $0x6B00  }
0x2f3: {  	[tilespmem:s6], [sflag:$0xF] =	stream.linear.gather [hbm4b:s20+s4], $0x80, $0x38;
	[tilespmem:$0x184A8] =	vst v63  }
0x2f4: {  	s20 =	sadd.s32 $0x70, s18;
	s6 =	simm.s32 $0x6F00  }
0x2f5: {  	[tilespmem:s6], [sflag:$0xF] =	stream.linear.gather [hbm4b:s20+s4], $0x80, $0x38;
	[tilespmem:$0x184A8] =	vst v63  }
0x2f6: {  	s20 =	sadd.s32 $0x80, s18;
	s6 =	simm.s32 $0x7300  }
0x2f7: {  	[tilespmem:s6], [sflag:$0xF] =	stream.linear.gather [hbm4b:s20+s4], $0x80, $0x38;
	[tilespmem:$0x184A8] =	vst v63  }
0x2f8: {  	s20 =	sadd.s32 $0x90, s18;
	s6 =	simm.s32 $0x7700  }
0x2f9: {  	[tilespmem:s6], [sflag:$0xF] =	stream.linear.gather [hbm4b:s20+s4], $0x80, $0x38;
	[tilespmem:$0x184A8] =	vst v63  }
0x2fa: {  	s20 =	sadd.s32 $0xA0, s18;
	s6 =	simm.s32 $0x7B00  }
0x2fb: {  	[tilespmem:s6], [sflag:$0xF] =	stream.linear.gather [hbm4b:s20+s4], $0x80, $0x38;
	[tilespmem:$0x184A8] =	vst v63  }
0x2fc: {  	s20 =	sadd.s32 $0xB0, s18;
	s6 =	simm.s32 $0x7F00  }
0x2fd: {  	[tilespmem:s6], [sflag:$0xF] =	stream.linear.gather [hbm4b:s20+s4], $0x80, $0x38;
	[tilespmem:$0x184A8] =	vst v63  }
0x2fe: {  	s20 =	sadd.s32 $0xC0, s18;
	s6 =	simm.s32 $0x8300  }
0x2ff: {  	[tilespmem:s6], [sflag:$0xF] =	stream.linear.gather [hbm4b:s20+s4], $0x80, $0x38;
	[tilespmem:$0x184A8] =	vst v63  }
0x300: {  	s20 =	sadd.s32 $0xD0, s18;
	s6 =	simm.s32 $0x8700  }
0x301: {  	[tilespmem:s6], [sflag:$0xF] =	stream.linear.gather [hbm4b:s20+s4], $0x80, $0x38;
	[tilespmem:$0x184A8] =	vst v63  }
0x302: {  	s20 =	sadd.s32 $0xE0, s18;
	s6 =	simm.s32 $0x8B00  }
0x303: {  	[tilespmem:s6], [sflag:$0xF] =	stream.linear.gather [hbm4b:s20+s4], $0x80, $0x38;
	[tilespmem:$0x184A8] =	vst v63  }
0x304: {  	s18 =	sadd.s32 $0xF0, s18;
	s20 =	simm.s32 $0x8F00;
	s6 =	sadd.s32 s13, s15  }
0x305: {  	[tilespmem:s20], [sflag:$0xF] =	stream.linear.gather [hbm4b:s18+s4], $0x80, $0x38;
	[tilespmem:$0x184A8] =	vst v63  }
0x306: {  	s18 =	sshll.u32 s6, $0xE  }
0x307: {  	s16 =	sor.u32 s18, s16  }
0x308: {  	s16 =	sshrl.u32 s16, $0x3  }
0x309: {  	s20 =	simm.s32 $0x5380;
	s16 =	sadd.s32 s8, s16  }
0x30a: {  	[tilespmem:s20], [sflag:$0xF] =	stream.linear.gather [hbm4b:s16+s4], $0x80, $0x38;
	[tilespmem:$0x184A8] =	vst v63  }
0x30b: {  	s6 =	sadd.s32 $0x10, s16;
	s20 =	simm.s32 $0x5780  }
0x30c: {  	[tilespmem:s20], [sflag:$0xF] =	stream.linear.gather [hbm4b:s6+s4], $0x80, $0x38;
	[tilespmem:$0x184A8] =	vst v63  }
0x30d: {  	s6 =	sadd.s32 $0x20, s16;
	s20 =	simm.s32 $0x5B80  }
0x30e: {  	[tilespmem:s20], [sflag:$0xF] =	stream.linear.gather [hbm4b:s6+s4], $0x80, $0x38;
	[tilespmem:$0x184A8] =	vst v63  }
0x30f: {  	s6 =	sadd.s32 $0x30, s16;
	s20 =	simm.s32 $0x5F80  }
0x310: {  	[tilespmem:s20], [sflag:$0xF] =	stream.linear.gather [hbm4b:s6+s4], $0x80, $0x38;
	[tilespmem:$0x184A8] =	vst v63  }
0x311: {  	s6 =	sadd.s32 $0x40, s16;
	s20 =	simm.s32 $0x6380  }
0x312: {  	[tilespmem:s20], [sflag:$0xF] =	stream.linear.gather [hbm4b:s6+s4], $0x80, $0x38;
	[tilespmem:$0x184A8] =	vst v63  }
0x313: {  	s6 =	sadd.s32 $0x50, s16;
	s20 =	simm.s32 $0x6780  }
0x314: {  	[tilespmem:s20], [sflag:$0xF] =	stream.linear.gather [hbm4b:s6+s4], $0x80, $0x38;
	[tilespmem:$0x184A8] =	vst v63  }
0x315: {  	s6 =	sadd.s32 $0x60, s16;
	s20 =	simm.s32 $0x6B80  }
0x316: {  	[tilespmem:s20], [sflag:$0xF] =	stream.linear.gather [hbm4b:s6+s4], $0x80, $0x38;
	[tilespmem:$0x184A8] =	vst v63  }
0x317: {  	s6 =	sadd.s32 $0x70, s16;
	s20 =	simm.s32 $0x6F80  }
0x318: {  	[tilespmem:s20], [sflag:$0xF] =	stream.linear.gather [hbm4b:s6+s4], $0x80, $0x38;
	[tilespmem:$0x184A8] =	vst v63  }
0x319: {  	s6 =	sadd.s32 $0x80, s16;
	s20 =	simm.s32 $0x7380  }
0x31a: {  	[tilespmem:s20], [sflag:$0xF] =	stream.linear.gather [hbm4b:s6+s4], $0x80, $0x38;
	[tilespmem:$0x184A8] =	vst v63  }
0x31b: {  	s6 =	sadd.s32 $0x90, s16;
	s20 =	simm.s32 $0x7780  }
0x31c: {  	[tilespmem:s20], [sflag:$0xF] =	stream.linear.gather [hbm4b:s6+s4], $0x80, $0x38;
	[tilespmem:$0x184A8] =	vst v63  }
0x31d: {  	s6 =	sadd.s32 $0xA0, s16;
	s20 =	simm.s32 $0x7B80  }
0x31e: {  	[tilespmem:s20], [sflag:$0xF] =	stream.linear.gather [hbm4b:s6+s4], $0x80, $0x38;
	[tilespmem:$0x184A8] =	vst v63  }
0x31f: {  	s6 =	sadd.s32 $0xB0, s16;
	s20 =	simm.s32 $0x7F80  }
0x320: {  	[tilespmem:s20], [sflag:$0xF] =	stream.linear.gather [hbm4b:s6+s4], $0x80, $0x38;
	[tilespmem:$0x184A8] =	vst v63  }
0x321: {  	s6 =	sadd.s32 $0xC0, s16;
	s20 =	simm.s32 $0x8380  }
0x322: {  	[tilespmem:s20], [sflag:$0xF] =	stream.linear.gather [hbm4b:s6+s4], $0x80, $0x38;
	[tilespmem:$0x184A8] =	vst v63  }
0x323: {  	s6 =	sadd.s32 $0xD0, s16;
	s20 =	simm.s32 $0x8780  }
0x324: {  	[tilespmem:s20], [sflag:$0xF] =	stream.linear.gather [hbm4b:s6+s4], $0x80, $0x38;
	[tilespmem:$0x184A8] =	vst v63  }
0x325: {  	s6 =	sadd.s32 $0xE0, s16;
	s20 =	simm.s32 $0x8B80  }
0x326: {  	[tilespmem:s20], [sflag:$0xF] =	stream.linear.gather [hbm4b:s6+s4], $0x80, $0x38;
	[tilespmem:$0x184A8] =	vst v63  }
0x327: {  	s16 =	sadd.s32 $0xF0, s16;
	s20 =	simm.s32 $0x8F80  }
0x328: {  	[tilespmem:s20], [sflag:$0xF] =	stream.linear.gather [hbm4b:s16+s4], $0x80, $0x38;
	[tilespmem:$0x184A8] =	vst v63  }
0x329: {  	_ =	swait.ge [sflag:s14], $0x800  }
0x32a: {  	[sflag:s14] =	ssyncset.done $0x0  }
0x32b: {  	[sflag:s14] =	ssyncadd.s32 $0xFFFFF800  }
0x32c: {  	_ =	swait.ge [sflag:s14], $0x800  }
0x32d: {  	[sflag:s14] =	ssyncset.done $0x0  }
0x32e: {  	[sflag:s14] =	ssyncadd.s32 $0xFFFFF800  }
0x32f: {  	_ =	swait.ge [sflag:s14], $0x800  }
0x330: {  	[sflag:s14] =	ssyncset.done $0x0  }
0x331: {  	[sflag:s14] =	ssyncadd.s32 $0xFFFFF800  }
0x332: {  	_ =	swait.ge [sflag:s14], $0x800  }
0x333: {  	[sflag:s14] =	ssyncset.done $0x0  }
0x334: {  	[sflag:s14] =	ssyncadd.s32 $0xFFFFF800  }
0x335: {  	_ =	swait.ge [sflag:s14], $0x800  }
0x336: {  	[sflag:s14] =	ssyncset.done $0x0  }
0x337: {  	[sflag:s14] =	ssyncadd.s32 $0xFFFFF800  }
0x338: {  	_ =	swait.ge [sflag:s14], $0x800  }
0x339: {  	[sflag:s14] =	ssyncset.done $0x0  }
0x33a: {  	[sflag:s14] =	ssyncadd.s32 $0xFFFFF800  }
0x33b: {  	p1 =	seq.s32 s30, $0x30;
	_ =	swait.ge [sflag:s14], $0x800  }
0x33c: {  	s18 =	sand.u32 $0xFF80000, s11;
	s20 =	sshll.u32 s26, $0xE;
	[sflag:s14] =	ssyncset.done $0x0  }
.Ltmp18:
0x33d: {  	s16 =	sor.u32 s18, s20;
	[sflag:s14] =	ssyncadd.s32 $0xFFFFF800;
	(pc) =	sbr.rel @p1 .LBB2_21-.Ltmp18, $4  }
0x33e: {  	s16 =	sadd.s32 s19, s16;
	_ =	swait.ge [sflag:s14], $0x800  }
0x33f: {  	s26 =	smov.u32 s22;
	s16 =	sshrl.u32 s16, $0x3;
	[sflag:s14] =	ssyncset.done $0x0  }
0x340: {  	s16 =	sadd.s32 s22, s16;
	s22 =	simm.s32 $0x1000;
	[sflag:s14] =	ssyncadd.s32 $0xFFFFF800  }
0x341: {  	[hbm4b:s16+s4] =	stream.linear.scatter [tilespmem:s22], [sflag:$0x10], $0x4000, $0x38;
	[tilespmem:$0x184A8] =	vst v63  }
0x342: {  	s16 =	sadd.s32 $0x2, s12  }
0x343: {  	s18 =	rddreg [dreg:$0x9];
	s12 =	sshrl.u32 s16, $0x2;
	s16 =	sand.u32 $0x2, s16  }
0x344: {  	s16 =	sor.u32 s18, s16;
	s22 =	sadd.s32 s9, s12  }
0x345: {  	s6 =	simm.s32 $0x10;
	s16 =	sshll.u32 s16, $0xB;
	s18 =	sshll.u32 s22, $0xE  }
0x346: {  	_ =	swait.ge [sflag:s6], $0x4000;
	s18 =	sor.u32 s16, s18  }
0x347: {  	[sflag:s6] =	ssyncset.done $0x0;
	s18 =	sshrl.u32 s18, $0x3  }
0x348: {  	s20 =	simm.s32 $0x1000;
	[sflag:s6] =	ssyncadd.s32 $0xFFFFC000;
	s18 =	sadd.s32 s8, s18  }
0x349: {  	[tilespmem:s20], [sflag:$0xE] =	stream.linear.gather [hbm4b:s18+s4], $0x80, $0x38;
	[tilespmem:$0x184A8] =	vst v63  }
0x34a: {  	s22 =	simm.s32 $0x1400;
	s6 =	sadd.s32 $0x10, s18  }
0x34b: {  	[tilespmem:s22], [sflag:$0xE] =	stream.linear.gather [hbm4b:s6+s4], $0x80, $0x38;
	[tilespmem:$0x184A8] =	vst v63  }
0x34c: {  	s22 =	sadd.s32 $0x20, s18;
	s6 =	simm.s32 $0x1800  }
0x34d: {  	[tilespmem:s6], [sflag:$0xE] =	stream.linear.gather [hbm4b:s22+s4], $0x80, $0x38;
	[tilespmem:$0x184A8] =	vst v63  }
0x34e: {  	s22 =	sadd.s32 $0x30, s18;
	s6 =	simm.s32 $0x1C00  }
0x34f: {  	[tilespmem:s6], [sflag:$0xE] =	stream.linear.gather [hbm4b:s22+s4], $0x80, $0x38;
	[tilespmem:$0x184A8] =	vst v63  }
0x350: {  	s22 =	sadd.s32 $0x40, s18;
	s6 =	simm.s32 $0x2000  }
0x351: {  	[tilespmem:s6], [sflag:$0xE] =	stream.linear.gather [hbm4b:s22+s4], $0x80, $0x38;
	[tilespmem:$0x184A8] =	vst v63  }
0x352: {  	s22 =	sadd.s32 $0x50, s18;
	s6 =	simm.s32 $0x2400  }
0x353: {  	[tilespmem:s6], [sflag:$0xE] =	stream.linear.gather [hbm4b:s22+s4], $0x80, $0x38;
	[tilespmem:$0x184A8] =	vst v63  }
0x354: {  	s22 =	sadd.s32 $0x60, s18;
	s6 =	simm.s32 $0x2800  }
0x355: {  	[tilespmem:s6], [sflag:$0xE] =	stream.linear.gather [hbm4b:s22+s4], $0x80, $0x38;
	[tilespmem:$0x184A8] =	vst v63  }
0x356: {  	s22 =	sadd.s32 $0x70, s18;
	s6 =	simm.s32 $0x2C00  }
0x357: {  	[tilespmem:s6], [sflag:$0xE] =	stream.linear.gather [hbm4b:s22+s4], $0x80, $0x38;
	[tilespmem:$0x184A8] =	vst v63  }
0x358: {  	s22 =	sadd.s32 $0x80, s18;
	s6 =	simm.s32 $0x3000  }
0x359: {  	[tilespmem:s6], [sflag:$0xE] =	stream.linear.gather [hbm4b:s22+s4], $0x80, $0x38;
	[tilespmem:$0x184A8] =	vst v63  }
0x35a: {  	s22 =	sadd.s32 $0x90, s18;
	s6 =	simm.s32 $0x3400  }
0x35b: {  	[tilespmem:s6], [sflag:$0xE] =	stream.linear.gather [hbm4b:s22+s4], $0x80, $0x38;
	[tilespmem:$0x184A8] =	vst v63  }
0x35c: {  	s22 =	sadd.s32 $0xA0, s18;
	s6 =	simm.s32 $0x3800  }
0x35d: {  	[tilespmem:s6], [sflag:$0xE] =	stream.linear.gather [hbm4b:s22+s4], $0x80, $0x38;
	[tilespmem:$0x184A8] =	vst v63  }
0x35e: {  	s22 =	sadd.s32 $0xB0, s18;
	s6 =	simm.s32 $0x3C00  }
0x35f: {  	[tilespmem:s6], [sflag:$0xE] =	stream.linear.gather [hbm4b:s22+s4], $0x80, $0x38;
	[tilespmem:$0x184A8] =	vst v63  }
0x360: {  	s22 =	sadd.s32 $0xC0, s18;
	s6 =	simm.s32 $0x4000  }
0x361: {  	[tilespmem:s6], [sflag:$0xE] =	stream.linear.gather [hbm4b:s22+s4], $0x80, $0x38;
	[tilespmem:$0x184A8] =	vst v63  }
0x362: {  	s20 =	sld [smem:$0x7F9];
	s22 =	sadd.s32 $0xD0, s18;
	s6 =	simm.s32 $0x4400  }
0x363: {  	[tilespmem:s6], [sflag:$0xE] =	stream.linear.gather [hbm4b:s22+s4], $0x80, $0x38;
	[tilespmem:$0x184A8] =	vst v63  }
0x364: {  	s22 =	sadd.s32 $0xE0, s18;
	s6 =	simm.s32 $0x4800  }
0x365: {  	[tilespmem:s6], [sflag:$0xE] =	stream.linear.gather [hbm4b:s22+s4], $0x80, $0x38;
	[tilespmem:$0x184A8] =	vst v63  }
0x366: {  	s18 =	sadd.s32 $0xF0, s18;
	s6 =	simm.s32 $0x4C00;
	s22 =	sadd.s32 s20, s12  }
0x367: {  	[tilespmem:s6], [sflag:$0xE] =	stream.linear.gather [hbm4b:s18+s4], $0x80, $0x38;
	[tilespmem:$0x184A8] =	vst v63  }
0x368: {  	s18 =	sshll.u32 s22, $0xE  }
0x369: {  	s18 =	sor.u32 s16, s18  }
0x36a: {  	s18 =	sshrl.u32 s18, $0x3  }
0x36b: {  	s6 =	simm.s32 $0x1080;
	s18 =	sadd.s32 s8, s18  }
0x36c: {  	[tilespmem:s6], [sflag:$0xE] =	stream.linear.gather [hbm4b:s18+s4], $0x80, $0x38;
	[tilespmem:$0x184A8] =	vst v63  }
0x36d: {  	s22 =	sadd.s32 $0x10, s18;
	s6 =	simm.s32 $0x1480  }
0x36e: {  	[tilespmem:s6], [sflag:$0xE] =	stream.linear.gather [hbm4b:s22+s4], $0x80, $0x38;
	[tilespmem:$0x184A8] =	vst v63  }
0x36f: {  	s22 =	sadd.s32 $0x20, s18;
	s6 =	simm.s32 $0x1880  }
0x370: {  	[tilespmem:s6], [sflag:$0xE] =	stream.linear.gather [hbm4b:s22+s4], $0x80, $0x38;
	[tilespmem:$0x184A8] =	vst v63  }
0x371: {  	s22 =	sadd.s32 $0x30, s18;
	s6 =	simm.s32 $0x1C80  }
0x372: {  	[tilespmem:s6], [sflag:$0xE] =	stream.linear.gather [hbm4b:s22+s4], $0x80, $0x38;
	[tilespmem:$0x184A8] =	vst v63  }
0x373: {  	s22 =	sadd.s32 $0x40, s18;
	s6 =	simm.s32 $0x2080  }
0x374: {  	[tilespmem:s6], [sflag:$0xE] =	stream.linear.gather [hbm4b:s22+s4], $0x80, $0x38;
	[tilespmem:$0x184A8] =	vst v63  }
0x375: {  	s22 =	sadd.s32 $0x50, s18;
	s6 =	simm.s32 $0x2480  }
0x376: {  	[tilespmem:s6], [sflag:$0xE] =	stream.linear.gather [hbm4b:s22+s4], $0x80, $0x38;
	[tilespmem:$0x184A8] =	vst v63  }
0x377: {  	s22 =	sadd.s32 $0x60, s18;
	s6 =	simm.s32 $0x2880  }
0x378: {  	[tilespmem:s6], [sflag:$0xE] =	stream.linear.gather [hbm4b:s22+s4], $0x80, $0x38;
	[tilespmem:$0x184A8] =	vst v63  }
0x379: {  	s22 =	sadd.s32 $0x70, s18;
	s6 =	simm.s32 $0x2C80  }
0x37a: {  	[tilespmem:s6], [sflag:$0xE] =	stream.linear.gather [hbm4b:s22+s4], $0x80, $0x38;
	[tilespmem:$0x184A8] =	vst v63  }
0x37b: {  	s22 =	sadd.s32 $0x80, s18;
	s6 =	simm.s32 $0x3080  }
0x37c: {  	[tilespmem:s6], [sflag:$0xE] =	stream.linear.gather [hbm4b:s22+s4], $0x80, $0x38;
	[tilespmem:$0x184A8] =	vst v63  }
0x37d: {  	s22 =	sadd.s32 $0x90, s18;
	s6 =	simm.s32 $0x3480  }
0x37e: {  	[tilespmem:s6], [sflag:$0xE] =	stream.linear.gather [hbm4b:s22+s4], $0x80, $0x38;
	[tilespmem:$0x184A8] =	vst v63  }
0x37f: {  	s22 =	sadd.s32 $0xA0, s18;
	s6 =	simm.s32 $0x3880  }
0x380: {  	[tilespmem:s6], [sflag:$0xE] =	stream.linear.gather [hbm4b:s22+s4], $0x80, $0x38;
	[tilespmem:$0x184A8] =	vst v63  }
0x381: {  	s22 =	sadd.s32 $0xB0, s18;
	s6 =	simm.s32 $0x3C80  }
0x382: {  	[tilespmem:s6], [sflag:$0xE] =	stream.linear.gather [hbm4b:s22+s4], $0x80, $0x38;
	[tilespmem:$0x184A8] =	vst v63  }
0x383: {  	s22 =	sadd.s32 $0xC0, s18;
	s6 =	simm.s32 $0x4080  }
0x384: {  	[tilespmem:s6], [sflag:$0xE] =	stream.linear.gather [hbm4b:s22+s4], $0x80, $0x38;
	[tilespmem:$0x184A8] =	vst v63  }
0x385: {  	s20 =	sld [smem:$0x7FA];
	s22 =	sadd.s32 $0xD0, s18;
	s6 =	simm.s32 $0x4480  }
0x386: {  	[tilespmem:s6], [sflag:$0xE] =	stream.linear.gather [hbm4b:s22+s4], $0x80, $0x38;
	[tilespmem:$0x184A8] =	vst v63  }
0x387: {  	s22 =	sadd.s32 $0xE0, s18;
	s6 =	simm.s32 $0x4880  }
0x388: {  	[tilespmem:s6], [sflag:$0xE] =	stream.linear.gather [hbm4b:s22+s4], $0x80, $0x38;
	[tilespmem:$0x184A8] =	vst v63  }
0x389: {  	s18 =	sadd.s32 $0xF0, s18;
	s6 =	simm.s32 $0x4C80;
	s22 =	sadd.s32 s20, s12  }
0x38a: {  	[tilespmem:s6], [sflag:$0xE] =	stream.linear.gather [hbm4b:s18+s4], $0x80, $0x38;
	[tilespmem:$0x184A8] =	vst v63  }
0x38b: {  	s18 =	sshll.u32 s22, $0xE  }
0x38c: {  	s18 =	sor.u32 s16, s18  }
0x38d: {  	s18 =	sshrl.u32 s18, $0x3  }
0x38e: {  	s6 =	simm.s32 $0x1100;
	s18 =	sadd.s32 s8, s18  }
0x38f: {  	[tilespmem:s6], [sflag:$0xE] =	stream.linear.gather [hbm4b:s18+s4], $0x80, $0x38;
	[tilespmem:$0x184A8] =	vst v63  }
0x390: {  	s22 =	sadd.s32 $0x10, s18;
	s6 =	simm.s32 $0x1500  }
0x391: {  	[tilespmem:s6], [sflag:$0xE] =	stream.linear.gather [hbm4b:s22+s4], $0x80, $0x38;
	[tilespmem:$0x184A8] =	vst v63  }
0x392: {  	s22 =	sadd.s32 $0x20, s18;
	s6 =	simm.s32 $0x1900  }
0x393: {  	[tilespmem:s6], [sflag:$0xE] =	stream.linear.gather [hbm4b:s22+s4], $0x80, $0x38;
	[tilespmem:$0x184A8] =	vst v63  }
0x394: {  	s22 =	sadd.s32 $0x30, s18;
	s6 =	simm.s32 $0x1D00  }
0x395: {  	[tilespmem:s6], [sflag:$0xE] =	stream.linear.gather [hbm4b:s22+s4], $0x80, $0x38;
	[tilespmem:$0x184A8] =	vst v63  }
0x396: {  	s22 =	sadd.s32 $0x40, s18;
	s6 =	simm.s32 $0x2100  }
0x397: {  	[tilespmem:s6], [sflag:$0xE] =	stream.linear.gather [hbm4b:s22+s4], $0x80, $0x38;
	[tilespmem:$0x184A8] =	vst v63  }
0x398: {  	s22 =	sadd.s32 $0x50, s18;
	s6 =	simm.s32 $0x2500  }
0x399: {  	[tilespmem:s6], [sflag:$0xE] =	stream.linear.gather [hbm4b:s22+s4], $0x80, $0x38;
	[tilespmem:$0x184A8] =	vst v63  }
0x39a: {  	s22 =	sadd.s32 $0x60, s18;
	s6 =	simm.s32 $0x2900  }
0x39b: {  	[tilespmem:s6], [sflag:$0xE] =	stream.linear.gather [hbm4b:s22+s4], $0x80, $0x38;
	[tilespmem:$0x184A8] =	vst v63  }
0x39c: {  	s22 =	sadd.s32 $0x70, s18;
	s6 =	simm.s32 $0x2D00  }
0x39d: {  	[tilespmem:s6], [sflag:$0xE] =	stream.linear.gather [hbm4b:s22+s4], $0x80, $0x38;
	[tilespmem:$0x184A8] =	vst v63  }
0x39e: {  	s22 =	sadd.s32 $0x80, s18;
	s6 =	simm.s32 $0x3100  }
0x39f: {  	[tilespmem:s6], [sflag:$0xE] =	stream.linear.gather [hbm4b:s22+s4], $0x80, $0x38;
	[tilespmem:$0x184A8] =	vst v63  }
0x3a0: {  	s22 =	sadd.s32 $0x90, s18;
	s6 =	simm.s32 $0x3500  }
0x3a1: {  	[tilespmem:s6], [sflag:$0xE] =	stream.linear.gather [hbm4b:s22+s4], $0x80, $0x38;
	[tilespmem:$0x184A8] =	vst v63  }
0x3a2: {  	s22 =	sadd.s32 $0xA0, s18;
	s6 =	simm.s32 $0x3900  }
0x3a3: {  	[tilespmem:s6], [sflag:$0xE] =	stream.linear.gather [hbm4b:s22+s4], $0x80, $0x38;
	[tilespmem:$0x184A8] =	vst v63  }
0x3a4: {  	s22 =	sadd.s32 $0xB0, s18;
	s6 =	simm.s32 $0x3D00  }
0x3a5: {  	[tilespmem:s6], [sflag:$0xE] =	stream.linear.gather [hbm4b:s22+s4], $0x80, $0x38;
	[tilespmem:$0x184A8] =	vst v63  }
0x3a6: {  	s22 =	sadd.s32 $0xC0, s18;
	s6 =	simm.s32 $0x4100  }
0x3a7: {  	[tilespmem:s6], [sflag:$0xE] =	stream.linear.gather [hbm4b:s22+s4], $0x80, $0x38;
	[tilespmem:$0x184A8] =	vst v63  }
0x3a8: {  	s20 =	sld [smem:$0x7FB];
	s22 =	sadd.s32 $0xD0, s18;
	s6 =	simm.s32 $0x4500  }
0x3a9: {  	[tilespmem:s6], [sflag:$0xE] =	stream.linear.gather [hbm4b:s22+s4], $0x80, $0x38;
	[tilespmem:$0x184A8] =	vst v63  }
0x3aa: {  	s22 =	sadd.s32 $0xE0, s18;
	s6 =	simm.s32 $0x4900  }
0x3ab: {  	[tilespmem:s6], [sflag:$0xE] =	stream.linear.gather [hbm4b:s22+s4], $0x80, $0x38;
	[tilespmem:$0x184A8] =	vst v63  }
0x3ac: {  	s18 =	sadd.s32 $0xF0, s18;
	s6 =	simm.s32 $0x4D00;
	s22 =	sadd.s32 s20, s12  }
0x3ad: {  	[tilespmem:s6], [sflag:$0xE] =	stream.linear.gather [hbm4b:s18+s4], $0x80, $0x38;
	[tilespmem:$0x184A8] =	vst v63  }
0x3ae: {  	s18 =	sshll.u32 s22, $0xE  }
0x3af: {  	s18 =	sor.u32 s16, s18  }
0x3b0: {  	s18 =	sshrl.u32 s18, $0x3  }
0x3b1: {  	s6 =	simm.s32 $0x1180;
	s18 =	sadd.s32 s8, s18  }
0x3b2: {  	[tilespmem:s6], [sflag:$0xE] =	stream.linear.gather [hbm4b:s18+s4], $0x80, $0x38;
	[tilespmem:$0x184A8] =	vst v63  }
0x3b3: {  	s22 =	sadd.s32 $0x10, s18;
	s6 =	simm.s32 $0x1580  }
0x3b4: {  	[tilespmem:s6], [sflag:$0xE] =	stream.linear.gather [hbm4b:s22+s4], $0x80, $0x38;
	[tilespmem:$0x184A8] =	vst v63  }
0x3b5: {  	s22 =	sadd.s32 $0x20, s18;
	s6 =	simm.s32 $0x1980  }
0x3b6: {  	[tilespmem:s6], [sflag:$0xE] =	stream.linear.gather [hbm4b:s22+s4], $0x80, $0x38;
	[tilespmem:$0x184A8] =	vst v63  }
0x3b7: {  	s22 =	sadd.s32 $0x30, s18;
	s6 =	simm.s32 $0x1D80  }
0x3b8: {  	[tilespmem:s6], [sflag:$0xE] =	stream.linear.gather [hbm4b:s22+s4], $0x80, $0x38;
	[tilespmem:$0x184A8] =	vst v63  }
0x3b9: {  	s22 =	sadd.s32 $0x40, s18;
	s6 =	simm.s32 $0x2180  }
0x3ba: {  	[tilespmem:s6], [sflag:$0xE] =	stream.linear.gather [hbm4b:s22+s4], $0x80, $0x38;
	[tilespmem:$0x184A8] =	vst v63  }
0x3bb: {  	s22 =	sadd.s32 $0x50, s18;
	s6 =	simm.s32 $0x2580  }
0x3bc: {  	[tilespmem:s6], [sflag:$0xE] =	stream.linear.gather [hbm4b:s22+s4], $0x80, $0x38;
	[tilespmem:$0x184A8] =	vst v63  }
0x3bd: {  	s22 =	sadd.s32 $0x60, s18;
	s6 =	simm.s32 $0x2980  }
0x3be: {  	[tilespmem:s6], [sflag:$0xE] =	stream.linear.gather [hbm4b:s22+s4], $0x80, $0x38;
	[tilespmem:$0x184A8] =	vst v63  }
0x3bf: {  	s22 =	sadd.s32 $0x70, s18;
	s6 =	simm.s32 $0x2D80  }
0x3c0: {  	[tilespmem:s6], [sflag:$0xE] =	stream.linear.gather [hbm4b:s22+s4], $0x80, $0x38;
	[tilespmem:$0x184A8] =	vst v63  }
0x3c1: {  	s22 =	sadd.s32 $0x80, s18;
	s6 =	simm.s32 $0x3180  }
0x3c2: {  	[tilespmem:s6], [sflag:$0xE] =	stream.linear.gather [hbm4b:s22+s4], $0x80, $0x38;
	[tilespmem:$0x184A8] =	vst v63  }
0x3c3: {  	s22 =	sadd.s32 $0x90, s18;
	s6 =	simm.s32 $0x3580  }
0x3c4: {  	[tilespmem:s6], [sflag:$0xE] =	stream.linear.gather [hbm4b:s22+s4], $0x80, $0x38;
	[tilespmem:$0x184A8] =	vst v63  }
0x3c5: {  	s22 =	sadd.s32 $0xA0, s18;
	s6 =	simm.s32 $0x3980  }
0x3c6: {  	[tilespmem:s6], [sflag:$0xE] =	stream.linear.gather [hbm4b:s22+s4], $0x80, $0x38;
	[tilespmem:$0x184A8] =	vst v63  }
0x3c7: {  	s22 =	sadd.s32 $0xB0, s18;
	s6 =	simm.s32 $0x3D80  }
0x3c8: {  	[tilespmem:s6], [sflag:$0xE] =	stream.linear.gather [hbm4b:s22+s4], $0x80, $0x38;
	[tilespmem:$0x184A8] =	vst v63  }
0x3c9: {  	s22 =	sadd.s32 $0xC0, s18;
	s6 =	simm.s32 $0x4180  }
0x3ca: {  	[tilespmem:s6], [sflag:$0xE] =	stream.linear.gather [hbm4b:s22+s4], $0x80, $0x38;
	[tilespmem:$0x184A8] =	vst v63  }
0x3cb: {  	s20 =	sld [smem:$0x7FC];
	s22 =	sadd.s32 $0xD0, s18;
	s6 =	simm.s32 $0x4580  }
0x3cc: {  	[tilespmem:s6], [sflag:$0xE] =	stream.linear.gather [hbm4b:s22+s4], $0x80, $0x38;
	[tilespmem:$0x184A8] =	vst v63  }
0x3cd: {  	s22 =	sadd.s32 $0xE0, s18;
	s6 =	simm.s32 $0x4980  }
0x3ce: {  	[tilespmem:s6], [sflag:$0xE] =	stream.linear.gather [hbm4b:s22+s4], $0x80, $0x38;
	[tilespmem:$0x184A8] =	vst v63  }
0x3cf: {  	s18 =	sadd.s32 $0xF0, s18;
	s6 =	simm.s32 $0x4D80;
	s22 =	sadd.s32 s20, s12  }
0x3d0: {  	[tilespmem:s6], [sflag:$0xE] =	stream.linear.gather [hbm4b:s18+s4], $0x80, $0x38;
	[tilespmem:$0x184A8] =	vst v63  }
0x3d1: {  	s18 =	sshll.u32 s22, $0xE  }
0x3d2: {  	s18 =	sor.u32 s16, s18  }
0x3d3: {  	s18 =	sshrl.u32 s18, $0x3  }
0x3d4: {  	s6 =	simm.s32 $0x1200;
	s18 =	sadd.s32 s8, s18  }
0x3d5: {  	[tilespmem:s6], [sflag:$0xE] =	stream.linear.gather [hbm4b:s18+s4], $0x80, $0x38;
	[tilespmem:$0x184A8] =	vst v63  }
0x3d6: {  	s22 =	sadd.s32 $0x10, s18;
	s6 =	simm.s32 $0x1600  }
0x3d7: {  	[tilespmem:s6], [sflag:$0xE] =	stream.linear.gather [hbm4b:s22+s4], $0x80, $0x38;
	[tilespmem:$0x184A8] =	vst v63  }
0x3d8: {  	s22 =	sadd.s32 $0x20, s18;
	s6 =	simm.s32 $0x1A00  }
0x3d9: {  	[tilespmem:s6], [sflag:$0xE] =	stream.linear.gather [hbm4b:s22+s4], $0x80, $0x38;
	[tilespmem:$0x184A8] =	vst v63  }
0x3da: {  	s22 =	sadd.s32 $0x30, s18;
	s6 =	simm.s32 $0x1E00  }
0x3db: {  	[tilespmem:s6], [sflag:$0xE] =	stream.linear.gather [hbm4b:s22+s4], $0x80, $0x38;
	[tilespmem:$0x184A8] =	vst v63  }
0x3dc: {  	s22 =	sadd.s32 $0x40, s18;
	s6 =	simm.s32 $0x2200  }
0x3dd: {  	[tilespmem:s6], [sflag:$0xE] =	stream.linear.gather [hbm4b:s22+s4], $0x80, $0x38;
	[tilespmem:$0x184A8] =	vst v63  }
0x3de: {  	s22 =	sadd.s32 $0x50, s18;
	s6 =	simm.s32 $0x2600  }
0x3df: {  	[tilespmem:s6], [sflag:$0xE] =	stream.linear.gather [hbm4b:s22+s4], $0x80, $0x38;
	[tilespmem:$0x184A8] =	vst v63  }
0x3e0: {  	s22 =	sadd.s32 $0x60, s18;
	s6 =	simm.s32 $0x2A00  }
0x3e1: {  	[tilespmem:s6], [sflag:$0xE] =	stream.linear.gather [hbm4b:s22+s4], $0x80, $0x38;
	[tilespmem:$0x184A8] =	vst v63  }
0x3e2: {  	s22 =	sadd.s32 $0x70, s18;
	s6 =	simm.s32 $0x2E00  }
0x3e3: {  	[tilespmem:s6], [sflag:$0xE] =	stream.linear.gather [hbm4b:s22+s4], $0x80, $0x38;
	[tilespmem:$0x184A8] =	vst v63  }
0x3e4: {  	s22 =	sadd.s32 $0x80, s18;
	s6 =	simm.s32 $0x3200  }
0x3e5: {  	[tilespmem:s6], [sflag:$0xE] =	stream.linear.gather [hbm4b:s22+s4], $0x80, $0x38;
	[tilespmem:$0x184A8] =	vst v63  }
0x3e6: {  	s22 =	sadd.s32 $0x90, s18;
	s6 =	simm.s32 $0x3600  }
0x3e7: {  	[tilespmem:s6], [sflag:$0xE] =	stream.linear.gather [hbm4b:s22+s4], $0x80, $0x38;
	[tilespmem:$0x184A8] =	vst v63  }
0x3e8: {  	s22 =	sadd.s32 $0xA0, s18;
	s6 =	simm.s32 $0x3A00  }
0x3e9: {  	[tilespmem:s6], [sflag:$0xE] =	stream.linear.gather [hbm4b:s22+s4], $0x80, $0x38;
	[tilespmem:$0x184A8] =	vst v63  }
0x3ea: {  	s22 =	sadd.s32 $0xB0, s18;
	s6 =	simm.s32 $0x3E00  }
0x3eb: {  	[tilespmem:s6], [sflag:$0xE] =	stream.linear.gather [hbm4b:s22+s4], $0x80, $0x38;
	[tilespmem:$0x184A8] =	vst v63  }
0x3ec: {  	s22 =	sadd.s32 $0xC0, s18;
	s6 =	simm.s32 $0x4200  }
0x3ed: {  	[tilespmem:s6], [sflag:$0xE] =	stream.linear.gather [hbm4b:s22+s4], $0x80, $0x38;
	[tilespmem:$0x184A8] =	vst v63  }
0x3ee: {  	s20 =	sld [smem:$0x7FD];
	s22 =	sadd.s32 $0xD0, s18;
	s6 =	simm.s32 $0x4600  }
0x3ef: {  	[tilespmem:s6], [sflag:$0xE] =	stream.linear.gather [hbm4b:s22+s4], $0x80, $0x38;
	[tilespmem:$0x184A8] =	vst v63  }
0x3f0: {  	s22 =	sadd.s32 $0xE0, s18;
	s6 =	simm.s32 $0x4A00  }
0x3f1: {  	[tilespmem:s6], [sflag:$0xE] =	stream.linear.gather [hbm4b:s22+s4], $0x80, $0x38;
	[tilespmem:$0x184A8] =	vst v63  }
0x3f2: {  	s18 =	sadd.s32 $0xF0, s18;
	s6 =	simm.s32 $0x4E00;
	s22 =	sadd.s32 s20, s12  }
0x3f3: {  	[tilespmem:s6], [sflag:$0xE] =	stream.linear.gather [hbm4b:s18+s4], $0x80, $0x38;
	[tilespmem:$0x184A8] =	vst v63  }
0x3f4: {  	s18 =	sshll.u32 s22, $0xE  }
0x3f5: {  	s18 =	sor.u32 s16, s18  }
0x3f6: {  	s18 =	sshrl.u32 s18, $0x3  }
0x3f7: {  	s6 =	simm.s32 $0x1280;
	s18 =	sadd.s32 s8, s18  }
0x3f8: {  	[tilespmem:s6], [sflag:$0xE] =	stream.linear.gather [hbm4b:s18+s4], $0x80, $0x38;
	[tilespmem:$0x184A8] =	vst v63  }
0x3f9: {  	s22 =	sadd.s32 $0x10, s18;
	s6 =	simm.s32 $0x1680  }
0x3fa: {  	[tilespmem:s6], [sflag:$0xE] =	stream.linear.gather [hbm4b:s22+s4], $0x80, $0x38;
	[tilespmem:$0x184A8] =	vst v63  }
0x3fb: {  	s22 =	sadd.s32 $0x20, s18;
	s6 =	simm.s32 $0x1A80  }
0x3fc: {  	[tilespmem:s6], [sflag:$0xE] =	stream.linear.gather [hbm4b:s22+s4], $0x80, $0x38;
	[tilespmem:$0x184A8] =	vst v63  }
0x3fd: {  	s22 =	sadd.s32 $0x30, s18;
	s6 =	simm.s32 $0x1E80  }
0x3fe: {  	[tilespmem:s6], [sflag:$0xE] =	stream.linear.gather [hbm4b:s22+s4], $0x80, $0x38;
	[tilespmem:$0x184A8] =	vst v63  }
0x3ff: {  	s22 =	sadd.s32 $0x40, s18;
	s6 =	simm.s32 $0x2280  }
0x400: {  	[tilespmem:s6], [sflag:$0xE] =	stream.linear.gather [hbm4b:s22+s4], $0x80, $0x38;
	[tilespmem:$0x184A8] =	vst v63  }
0x401: {  	s22 =	sadd.s32 $0x50, s18;
	s6 =	simm.s32 $0x2680  }
0x402: {  	[tilespmem:s6], [sflag:$0xE] =	stream.linear.gather [hbm4b:s22+s4], $0x80, $0x38;
	[tilespmem:$0x184A8] =	vst v63  }
0x403: {  	s22 =	sadd.s32 $0x60, s18;
	s6 =	simm.s32 $0x2A80  }
0x404: {  	[tilespmem:s6], [sflag:$0xE] =	stream.linear.gather [hbm4b:s22+s4], $0x80, $0x38;
	[tilespmem:$0x184A8] =	vst v63  }
0x405: {  	s22 =	sadd.s32 $0x70, s18;
	s6 =	simm.s32 $0x2E80  }
0x406: {  	[tilespmem:s6], [sflag:$0xE] =	stream.linear.gather [hbm4b:s22+s4], $0x80, $0x38;
	[tilespmem:$0x184A8] =	vst v63  }
0x407: {  	s22 =	sadd.s32 $0x80, s18;
	s6 =	simm.s32 $0x3280  }
0x408: {  	[tilespmem:s6], [sflag:$0xE] =	stream.linear.gather [hbm4b:s22+s4], $0x80, $0x38;
	[tilespmem:$0x184A8] =	vst v63  }
0x409: {  	s22 =	sadd.s32 $0x90, s18;
	s6 =	simm.s32 $0x3680  }
0x40a: {  	[tilespmem:s6], [sflag:$0xE] =	stream.linear.gather [hbm4b:s22+s4], $0x80, $0x38;
	[tilespmem:$0x184A8] =	vst v63  }
0x40b: {  	s22 =	sadd.s32 $0xA0, s18;
	s6 =	simm.s32 $0x3A80  }
0x40c: {  	[tilespmem:s6], [sflag:$0xE] =	stream.linear.gather [hbm4b:s22+s4], $0x80, $0x38;
	[tilespmem:$0x184A8] =	vst v63  }
0x40d: {  	s22 =	sadd.s32 $0xB0, s18;
	s6 =	simm.s32 $0x3E80  }
0x40e: {  	[tilespmem:s6], [sflag:$0xE] =	stream.linear.gather [hbm4b:s22+s4], $0x80, $0x38;
	[tilespmem:$0x184A8] =	vst v63  }
0x40f: {  	s22 =	sadd.s32 $0xC0, s18;
	s6 =	simm.s32 $0x4280  }
0x410: {  	[tilespmem:s6], [sflag:$0xE] =	stream.linear.gather [hbm4b:s22+s4], $0x80, $0x38;
	[tilespmem:$0x184A8] =	vst v63  }
0x411: {  	s22 =	sadd.s32 $0xD0, s18;
	s6 =	simm.s32 $0x4680  }
0x412: {  	[tilespmem:s6], [sflag:$0xE] =	stream.linear.gather [hbm4b:s22+s4], $0x80, $0x38;
	[tilespmem:$0x184A8] =	vst v63  }
0x413: {  	s22 =	sadd.s32 $0xE0, s18;
	s6 =	simm.s32 $0x4A80  }
0x414: {  	[tilespmem:s6], [sflag:$0xE] =	stream.linear.gather [hbm4b:s22+s4], $0x80, $0x38;
	[tilespmem:$0x184A8] =	vst v63  }
0x415: {  	s18 =	sadd.s32 $0xF0, s18;
	s6 =	simm.s32 $0x4E80;
	s22 =	sadd.s32 s1, s12  }
0x416: {  	[tilespmem:s6], [sflag:$0xE] =	stream.linear.gather [hbm4b:s18+s4], $0x80, $0x38;
	[tilespmem:$0x184A8] =	vst v63  }
0x417: {  	s18 =	sshll.u32 s22, $0xE  }
0x418: {  	s18 =	sor.u32 s16, s18  }
0x419: {  	s18 =	sshrl.u32 s18, $0x3  }
0x41a: {  	s6 =	simm.s32 $0x1300;
	s18 =	sadd.s32 s8, s18  }
0x41b: {  	[tilespmem:s6], [sflag:$0xE] =	stream.linear.gather [hbm4b:s18+s4], $0x80, $0x38;
	[tilespmem:$0x184A8] =	vst v63  }
0x41c: {  	s22 =	sadd.s32 $0x10, s18;
	s6 =	simm.s32 $0x1700  }
0x41d: {  	[tilespmem:s6], [sflag:$0xE] =	stream.linear.gather [hbm4b:s22+s4], $0x80, $0x38;
	[tilespmem:$0x184A8] =	vst v63  }
0x41e: {  	s22 =	sadd.s32 $0x20, s18;
	s6 =	simm.s32 $0x1B00  }
0x41f: {  	[tilespmem:s6], [sflag:$0xE] =	stream.linear.gather [hbm4b:s22+s4], $0x80, $0x38;
	[tilespmem:$0x184A8] =	vst v63  }
0x420: {  	s22 =	sadd.s32 $0x30, s18;
	s6 =	simm.s32 $0x1F00  }
0x421: {  	[tilespmem:s6], [sflag:$0xE] =	stream.linear.gather [hbm4b:s22+s4], $0x80, $0x38;
	[tilespmem:$0x184A8] =	vst v63  }
0x422: {  	s22 =	sadd.s32 $0x40, s18;
	s6 =	simm.s32 $0x2300  }
0x423: {  	[tilespmem:s6], [sflag:$0xE] =	stream.linear.gather [hbm4b:s22+s4], $0x80, $0x38;
	[tilespmem:$0x184A8] =	vst v63  }
0x424: {  	s22 =	sadd.s32 $0x50, s18;
	s6 =	simm.s32 $0x2700  }
0x425: {  	[tilespmem:s6], [sflag:$0xE] =	stream.linear.gather [hbm4b:s22+s4], $0x80, $0x38;
	[tilespmem:$0x184A8] =	vst v63  }
0x426: {  	s22 =	sadd.s32 $0x60, s18;
	s6 =	simm.s32 $0x2B00  }
0x427: {  	[tilespmem:s6], [sflag:$0xE] =	stream.linear.gather [hbm4b:s22+s4], $0x80, $0x38;
	[tilespmem:$0x184A8] =	vst v63  }
0x428: {  	s22 =	sadd.s32 $0x70, s18;
	s6 =	simm.s32 $0x2F00  }
0x429: {  	[tilespmem:s6], [sflag:$0xE] =	stream.linear.gather [hbm4b:s22+s4], $0x80, $0x38;
	[tilespmem:$0x184A8] =	vst v63  }
0x42a: {  	s22 =	sadd.s32 $0x80, s18;
	s6 =	simm.s32 $0x3300  }
0x42b: {  	[tilespmem:s6], [sflag:$0xE] =	stream.linear.gather [hbm4b:s22+s4], $0x80, $0x38;
	[tilespmem:$0x184A8] =	vst v63  }
0x42c: {  	s22 =	sadd.s32 $0x90, s18;
	s6 =	simm.s32 $0x3700  }
0x42d: {  	[tilespmem:s6], [sflag:$0xE] =	stream.linear.gather [hbm4b:s22+s4], $0x80, $0x38;
	[tilespmem:$0x184A8] =	vst v63  }
0x42e: {  	s22 =	sadd.s32 $0xA0, s18;
	s6 =	simm.s32 $0x3B00  }
0x42f: {  	[tilespmem:s6], [sflag:$0xE] =	stream.linear.gather [hbm4b:s22+s4], $0x80, $0x38;
	[tilespmem:$0x184A8] =	vst v63  }
0x430: {  	s22 =	sadd.s32 $0xB0, s18;
	s6 =	simm.s32 $0x3F00  }
0x431: {  	[tilespmem:s6], [sflag:$0xE] =	stream.linear.gather [hbm4b:s22+s4], $0x80, $0x38;
	[tilespmem:$0x184A8] =	vst v63  }
0x432: {  	s12 =	sadd.s32 s13, s12;
	s22 =	sadd.s32 $0xC0, s18;
	s6 =	simm.s32 $0x4300  }
0x433: {  	[tilespmem:s6], [sflag:$0xE] =	stream.linear.gather [hbm4b:s22+s4], $0x80, $0x38;
	[tilespmem:$0x184A8] =	vst v63  }
0x434: {  	s12 =	sshll.u32 s12, $0xE;
	s22 =	sadd.s32 $0xD0, s18;
	s6 =	simm.s32 $0x4700  }
0x435: {  	[tilespmem:s6], [sflag:$0xE] =	stream.linear.gather [hbm4b:s22+s4], $0x80, $0x38;
	[tilespmem:$0x184A8] =	vst v63  }
0x436: {  	s12 =	sor.u32 s16, s12;
	s22 =	sadd.s32 $0xE0, s18;
	s6 =	simm.s32 $0x4B00  }
0x437: {  	[tilespmem:s6], [sflag:$0xE] =	stream.linear.gather [hbm4b:s22+s4], $0x80, $0x38;
	[tilespmem:$0x184A8] =	vst v63  }
0x438: {  	s12 =	sshrl.u32 s12, $0x3;
	s18 =	sadd.s32 $0xF0, s18;
	s6 =	simm.s32 $0x4F00  }
0x439: {  	[tilespmem:s6], [sflag:$0xE] =	stream.linear.gather [hbm4b:s18+s4], $0x80, $0x38;
	[tilespmem:$0x184A8] =	vst v63  }
0x43a: {  	s20 =	simm.s32 $0x1380;
	s12 =	sadd.s32 s8, s12  }
0x43b: {  	[tilespmem:s20], [sflag:$0xE] =	stream.linear.gather [hbm4b:s12+s4], $0x80, $0x38;
	[tilespmem:$0x184A8] =	vst v63  }
0x43c: {  	s22 =	sadd.s32 $0x10, s12;
	s6 =	simm.s32 $0x1780  }
0x43d: {  	[tilespmem:s6], [sflag:$0xE] =	stream.linear.gather [hbm4b:s22+s4], $0x80, $0x38;
	[tilespmem:$0x184A8] =	vst v63  }
0x43e: {  	s18 =	sadd.s32 $0x20, s12;
	s20 =	simm.s32 $0x1B80  }
0x43f: {  	[tilespmem:s20], [sflag:$0xE] =	stream.linear.gather [hbm4b:s18+s4], $0x80, $0x38;
	[tilespmem:$0x184A8] =	vst v63  }
0x440: {  	s22 =	sadd.s32 $0x30, s12;
	s6 =	simm.s32 $0x1F80  }
0x441: {  	[tilespmem:s6], [sflag:$0xE] =	stream.linear.gather [hbm4b:s22+s4], $0x80, $0x38;
	[tilespmem:$0x184A8] =	vst v63  }
0x442: {  	s18 =	sadd.s32 $0x40, s12;
	s20 =	simm.s32 $0x2380  }
0x443: {  	[tilespmem:s20], [sflag:$0xE] =	stream.linear.gather [hbm4b:s18+s4], $0x80, $0x38;
	[tilespmem:$0x184A8] =	vst v63  }
0x444: {  	s22 =	sadd.s32 $0x50, s12;
	s6 =	simm.s32 $0x2780  }
0x445: {  	[tilespmem:s6], [sflag:$0xE] =	stream.linear.gather [hbm4b:s22+s4], $0x80, $0x38;
	[tilespmem:$0x184A8] =	vst v63  }
0x446: {  	s18 =	sadd.s32 $0x60, s12;
	s20 =	simm.s32 $0x2B80  }
0x447: {  	[tilespmem:s20], [sflag:$0xE] =	stream.linear.gather [hbm4b:s18+s4], $0x80, $0x38;
	[tilespmem:$0x184A8] =	vst v63  }
0x448: {  	s22 =	sadd.s32 $0x70, s12;
	s6 =	simm.s32 $0x2F80  }
0x449: {  	[tilespmem:s6], [sflag:$0xE] =	stream.linear.gather [hbm4b:s22+s4], $0x80, $0x38;
	[tilespmem:$0x184A8] =	vst v63  }
0x44a: {  	s18 =	sadd.s32 $0x80, s12;
	s20 =	simm.s32 $0x3380  }
0x44b: {  	[tilespmem:s20], [sflag:$0xE] =	stream.linear.gather [hbm4b:s18+s4], $0x80, $0x38;
	[tilespmem:$0x184A8] =	vst v63  }
0x44c: {  	s22 =	sadd.s32 $0x90, s12;
	s6 =	simm.s32 $0x3780  }
0x44d: {  	[tilespmem:s6], [sflag:$0xE] =	stream.linear.gather [hbm4b:s22+s4], $0x80, $0x38;
	[tilespmem:$0x184A8] =	vst v63  }
0x44e: {  	s18 =	sadd.s32 $0xA0, s12;
	s20 =	simm.s32 $0x3B80  }
0x44f: {  	[tilespmem:s20], [sflag:$0xE] =	stream.linear.gather [hbm4b:s18+s4], $0x80, $0x38;
	[tilespmem:$0x184A8] =	vst v63  }
0x450: {  	s22 =	sadd.s32 $0xB0, s12;
	s6 =	simm.s32 $0x3F80  }
0x451: {  	[tilespmem:s6], [sflag:$0xE] =	stream.linear.gather [hbm4b:s22+s4], $0x80, $0x38;
	[tilespmem:$0x184A8] =	vst v63  }
0x452: {  	s18 =	sadd.s32 $0xC0, s12;
	s20 =	simm.s32 $0x4380  }
0x453: {  	[tilespmem:s20], [sflag:$0xE] =	stream.linear.gather [hbm4b:s18+s4], $0x80, $0x38;
	[tilespmem:$0x184A8] =	vst v63  }
0x454: {  	s22 =	sadd.s32 $0xD0, s12;
	s6 =	simm.s32 $0x4780  }
0x455: {  	[tilespmem:s6], [sflag:$0xE] =	stream.linear.gather [hbm4b:s22+s4], $0x80, $0x38;
	[tilespmem:$0x184A8] =	vst v63  }
.Ltmp19:
0x456: {  	_ = 	snop;
	(pc) =	sbr.rel .LBB2_21-.Ltmp19, $4  }
0x457: {  	s18 =	sadd.s32 $0xE0, s12;
	s20 =	simm.s32 $0x4B80  }
0x458: {  	[tilespmem:s20], [sflag:$0xE] =	stream.linear.gather [hbm4b:s18+s4], $0x80, $0x38;
	[tilespmem:$0x184A8] =	vst v63  }
0x459: {  	s12 =	sadd.s32 $0xF0, s12;
	s22 =	simm.s32 $0x4F80  }
0x45a: {  	[tilespmem:s22], [sflag:$0xE] =	stream.linear.gather [hbm4b:s12+s4], $0x80, $0x38;
	[tilespmem:$0x184A8] =	vst v63  }
.LBB2_25:
0x45b: {  	_ =	sfence.sel $0x180000  }
0x45c: {  	[bflag:$0x0] =	sbarrier.arrive $0xFFFF  }
0x45d: {  	_ =	strace $0x90000047  }
0x45e: {  	s0 =	stileid.u32;
	[bflag:$0x2] =	sbarrier.arrive $0xFFFF  }
0x45f: {  	p0 =	sne.s32 s0, $0x0;
	s0 =	rddreg [dreg:$0x4]  }
0x460: {  	s0 =	sadd.s32 @!p0 $0x100000, s0  }
0x461: {  	[sflag:s0] =	ssyncadd.tile.s32 @!p0 $0x1;
	_ =	shalt  }
.Lfunc_end2:
_tile_overlayer_lowered:
.L_overlay_start_2:
0x462: {  	(tag) =	ssettag $0x2  }
0x463: {  	s0 =	rddreg [dreg:$0x0];
	s2 =	stileid.u32  }
0x464: {  	s1 =	rddreg [dreg:$0x1];
	p0 =	sne.s32 s2, $0x0  }
0x465: {  	s3 =	rddreg [dreg:$0x2];
	[bflag:$0x3] =	sbarrier.arrive $0xFFFF;
	s2 =	simm.s32 @!p0 $0x1C12  }
0x466: {  	[timem:s3], [sflag:s2] =	dma.local @!p0 [hbm:s0], s1  }
0x467: {  	s0 =	simm.s32 @!p0 $0x12  }
0x468: {  	_ =	swait.ge @!p0 [sflag:s0], s1  }
0x469: {  	s1 =	ssub.s32 @!p0 $0x0, s1;
	[sflag:s0] =	ssyncset.done @!p0 $0x0  }
0x46a: {  	[sflag:s0] =	ssyncadd.s32 @!p0 s1  }
0x46b: {  	[bflag:$0x3] =	sbarrier.arrive $0xFFFF  }
0x46c: {  	_ =	shalt  }

</sc_bundles>
